<compile_context>
chip_gen: v7x
topology: tpu7x:2x2x1
jax: 0.10.2.dev20260603
libtpu: 0.0.44.dev20260713+nightly
codegen_flags: <defaults>
</compile_context>

<pallas_src>
import functools

import jax
import jax.numpy as jnp
from jax import lax
from jax.experimental import pallas as pl
from jax.experimental.pallas import tpu as pltpu
from jax.experimental.pallas import tpu_sc as plsc

N = 10000
D = 128
NPAD = 10240
NC = 2
NS = 16
NW = NC * NS
CHUNK = 128
DEGW = 16
BN = 512
_MESH = plsc.VectorSubcoreMesh(core_axis_name="c", subcore_axis_name="s")
_RPT = NPAD // NS



def _sc_deg_body(row_hbm, ones_hbm, z_hbm, out_hbm, row_v, ones_v, acc_sh, nch):
    c = lax.axis_index("c")
    s = lax.axis_index("s")
    t = c * NS + s
    r0 = s * _RPT
    pltpu.sync_copy(z_hbm.at[pl.ds(r0, _RPT)], acc_sh.at[pl.ds(r0, _RPT)])
    pltpu.sync_copy(row_hbm.at[t], row_v)
    pltpu.sync_copy(ones_hbm, ones_v)
    plsc.subcore_barrier()

    def body(j, carry):
        pltpu.sync_copy(ones_v, acc_sh.at[row_v.at[j]], add=True)
        return carry

    lax.fori_loop(0, nch, body, 0)
    plsc.subcore_barrier()
    pltpu.sync_copy(acc_sh.at[pl.ds(r0, _RPT)], out_hbm.at[c].at[pl.ds(r0, _RPT)])


def _sc_deg(row3, ones, zdeg):
    nch = row3.shape[1]
    body = functools.partial(_sc_deg_body, nch=nch)
    return pl.kernel(
        body,
        out_type=jax.ShapeDtypeStruct((NC, NPAD), jnp.float32),
        mesh=_MESH,
        scratch_types=[
            pltpu.VMEM((nch, CHUNK), jnp.int32),
            pltpu.VMEM((CHUNK,), jnp.float32),
            pltpu.VMEM_SHARED((NPAD,), jnp.float32),
        ],
    )(row3, ones, zdeg)


FRACA = 0.51


def _sc_spmv_body(u_hbm, rowA, colA, rowB, colB, z_hbm, out_hbm,
                  row_v, col_v, rows_v, acc_sh, nchA, nchB):
    c = lax.axis_index("c")
    s = lax.axis_index("s")
    r0 = s * _RPT
    pltpu.sync_copy(z_hbm.at[pl.ds(r0, _RPT)], acc_sh.at[pl.ds(r0, _RPT)])

    @pl.when(c == 0)
    def _():
        pltpu.sync_copy(rowA.at[s], row_v.at[pl.ds(0, nchA)])
        pltpu.sync_copy(colA.at[s], col_v.at[pl.ds(0, nchA)])

    @pl.when(c == 1)
    def _():
        pltpu.sync_copy(rowB.at[s], row_v.at[pl.ds(0, nchB)])
        pltpu.sync_copy(colB.at[s], col_v.at[pl.ds(0, nchB)])

    plsc.subcore_barrier()

    def step(j, carry):
        pltpu.sync_copy(u_hbm.at[row_v.at[j]], rows_v)
        pltpu.sync_copy(rows_v, acc_sh.at[col_v.at[j]], add=True)
        return carry

    nch = jnp.where(c == 0, nchA, nchB)
    lax.fori_loop(0, nch, step, 0)
    plsc.subcore_barrier()
    pltpu.sync_copy(acc_sh.at[pl.ds(r0, _RPT)], out_hbm.at[c].at[pl.ds(r0, _RPT)])


def _sc_spmv(u_pad, rowA, colA, rowB, colB, zsp):
    nchA, nchB = rowA.shape[1], rowB.shape[1]
    nchmax = max(nchA, nchB)
    body = functools.partial(_sc_spmv_body, nchA=nchA, nchB=nchB)
    return pl.kernel(
        body,
        out_type=jax.ShapeDtypeStruct((NC, NPAD, D), jnp.float32),
        mesh=_MESH,
        scratch_types=[
            pltpu.VMEM((nchmax, CHUNK), jnp.int32),
            pltpu.VMEM((nchmax, CHUNK), jnp.int32),
            pltpu.VMEM((CHUNK, D), jnp.float32),
            pltpu.VMEM_SHARED((NPAD, D), jnp.float32),
        ],
    )(u_pad, rowA, colA, rowB, colB, zsp)



def _dinv_of(deg_ref):
    degs = deg_ref[0, :] + deg_ref[1, :]
    return jnp.where(degs > 0, lax.rsqrt(degs), 0.0)


def _scale1_body(x_ref, deg_ref, o_ref):
    dinv = _dinv_of(deg_ref)
    o_ref[...] = dinv[:, None] * x_ref[...]


def _scale2_body(g_ref, deg_ref, o_ref):
    dinv = _dinv_of(deg_ref)
    o_ref[...] = (dinv * dinv)[:, None] * (g_ref[0] + g_ref[1])


def _combine_body(src_ref, g1_ref, g2_ref, deg_ref, w_ref, b_ref, *outs,
                  relu, emit_u):
    dinv = _dinv_of(deg_ref)
    g1 = dinv[:, None] * (g1_ref[0] + g1_ref[1])
    g2 = dinv[:, None] * (g2_ref[0] + g2_ref[1])
    w02 = w_ref[0] - w_ref[2]
    acc = jnp.dot(src_ref[...], w02, preferred_element_type=jnp.float32)
    acc = acc - jnp.dot(g1, w_ref[1], preferred_element_type=jnp.float32)
    acc = acc + 2.0 * jnp.dot(g2, w_ref[2], preferred_element_type=jnp.float32)
    acc = acc + b_ref[...]
    if relu:
        acc = jnp.maximum(acc, 0.0)
        i = pl.program_id(0)
        rows = i * BN + lax.broadcasted_iota(jnp.int32, (BN, 1), 0)
        acc = jnp.where(rows < N, acc, 0.0)
    outs[0][...] = acc
    if emit_u:
        outs[1][...] = dinv[:, None] * acc


_ROWS_SPEC = pl.BlockSpec((BN, D), lambda i: (i, 0))
_PART_SPEC = pl.BlockSpec((NC, BN, D), lambda i: (0, i, 0))
_DEG_SPEC = pl.BlockSpec((NC, BN), lambda i: (0, i))
_GRID = (NPAD // BN,)
_ROWS_TY = jax.ShapeDtypeStruct((NPAD, D), jnp.float32)


def _tc_scale1(x_pad, deg2):
    return pl.pallas_call(
        _scale1_body, grid=_GRID,
        in_specs=[_ROWS_SPEC, _DEG_SPEC],
        out_specs=_ROWS_SPEC, out_shape=_ROWS_TY,
    )(x_pad, deg2)


def _tc_scale2(g, deg2):
    return pl.pallas_call(
        _scale2_body, grid=_GRID,
        in_specs=[_PART_SPEC, _DEG_SPEC],
        out_specs=_ROWS_SPEC, out_shape=_ROWS_TY,
    )(g, deg2)


def _tc_combine(src, g1, g2, deg2, w, b, relu, emit_u):
    body = functools.partial(_combine_body, relu=relu, emit_u=emit_u)
    nout = 2 if emit_u else 1
    out = pl.pallas_call(
        body, grid=_GRID,
        in_specs=[_ROWS_SPEC, _PART_SPEC, _PART_SPEC, _DEG_SPEC,
                  pl.BlockSpec((3, D, D), lambda i: (0, 0, 0)),
                  pl.BlockSpec((1, D), lambda i: (0, 0))],
        out_specs=[_ROWS_SPEC] * nout,
        out_shape=[_ROWS_TY] * nout,
    )(src, g1, g2, deg2, w, b)
    return out



def kernel(x, edge_index, W1, b1, W2, b2):
    e = edge_index.shape[1]
    row = edge_index[0].astype(jnp.int32)
    col = edge_index[1].astype(jnp.int32)
    tot = -(-e // CHUNK)
    nchA = max(1, round(tot * FRACA / NS))
    nchB = -(-(tot - NS * nchA) // NS)
    epad = NS * (nchA + nchB) * CHUNK
    padv = jnp.full((epad - e,), N, dtype=jnp.int32)
    rowp = jnp.concatenate([row, padv])
    colp = jnp.concatenate([col, padv])
    ea = NS * nchA * CHUNK
    rowA = rowp[:ea].reshape(NS, nchA, CHUNK)
    colA = colp[:ea].reshape(NS, nchA, CHUNK)
    rowB = rowp[ea:].reshape(NS, nchB, CHUNK)
    colB = colp[ea:].reshape(NS, nchB, CHUNK)
    nchd = -(-e // (NW * CHUNK))
    padd = jnp.full((NW * nchd * CHUNK - e,), N, dtype=jnp.int32)
    row3d = jnp.concatenate([row, padd]).reshape(NW, nchd, CHUNK)
    x_pad = jnp.pad(x, ((0, NPAD - N), (0, 0)))
    zsp = jnp.zeros((NPAD, D), jnp.float32)
    zdeg = jnp.zeros((NPAD,), jnp.float32)
    ones = jnp.ones((CHUNK,), jnp.float32)

    deg2 = _sc_deg(row3d, ones, zdeg)
    u = _tc_scale1(x_pad, deg2)
    g1 = _sc_spmv(u, rowA, colA, rowB, colB, zsp)
    u2 = _tc_scale2(g1, deg2)
    g2 = _sc_spmv(u2, rowA, colA, rowB, colB, zsp)
    h, u = _tc_combine(x_pad, g1, g2, deg2, W1, b1.reshape(1, D),
                       relu=True, emit_u=True)
    g1b = _sc_spmv(u, rowA, colA, rowB, colB, zsp)
    u2b = _tc_scale2(g1b, deg2)
    g2b = _sc_spmv(u2b, rowA, colA, rowB, colB, zsp)
    out = _tc_combine(h, g1b, g2b, deg2, W2, b2.reshape(1, D),
                      relu=False, emit_u=False)
    return out[0][:N]

# --- scband reference (transcript-rebuilt; emitter-appended) ---
"""Pipeline reference for scband-cheb-ben2-71159018160654 (READ-ONLY COPY).

The authoritative reference and input builder live on the scoring server;
editing this copy changes nothing except your own understanding.
"""

import jax, jax.numpy as jnp
import numpy as np

N = 10000
E = 320000
D_IN = 128
D_HID = 128
D_OUT = 128
K = 3


def setup_inputs(seed: int = 0):
    key = jax.random.key(seed)
    ks = jax.random.split(key, 8)
    x = jax.random.normal(ks[0], (N, D_IN), dtype=jnp.float32)
    edge_index = jax.random.randint(ks[1], (2, E), 0, N)
    W1 = jax.random.normal(ks[2], (K, D_IN, D_HID), dtype=jnp.float32) * (1.0 / np.sqrt(D_IN))
    b1 = jnp.zeros((D_HID,), dtype=jnp.float32)
    W2 = jax.random.normal(ks[3], (K, D_HID, D_OUT), dtype=jnp.float32) * (1.0 / np.sqrt(D_HID))
    b2 = jnp.zeros((D_OUT,), dtype=jnp.float32)
    return {"x": x, "edge_index": edge_index, "W1": W1, "b1": b1, "W2": W2, "b2": b2}


def _cheb_norm(edge_index, num_nodes):
    # PyG ChebConv sym normalization with default lambda_max=2.0:
    # L_hat = 2*L/lambda_max - I = -D^{-1/2} A D^{-1/2}
    row, col = edge_index[0], edge_index[1]
    w = jnp.ones((edge_index.shape[1],), dtype=jnp.float32)
    deg = jax.ops.segment_sum(w, row, num_segments=num_nodes)
    dinv = jnp.where(deg > 0, deg ** -0.5, 0.0)
    norm = -dinv[row] * w * dinv[col]
    return row, col, norm


def _cheb_conv(x, row, col, norm, W, b, num_nodes):
    def spmv(h):
        return jax.ops.segment_sum(norm[:, None] * h[row], col, num_segments=num_nodes)
    Tx0 = x
    out = Tx0 @ W[0]
    Tx1 = spmv(x)
    out = out + Tx1 @ W[1]
    for k in range(2, W.shape[0]):
        Tx2 = 2.0 * spmv(Tx1) - Tx0
        out = out + Tx2 @ W[k]
        Tx0, Tx1 = Tx1, Tx2
    return out + b


def reference(x, edge_index, W1, b1, W2, b2):
    row, col, norm = _cheb_norm(edge_index, N)
    h = jax.nn.relu(_cheb_conv(x, row, col, norm, W1, b1, N))
    # F.dropout is identity in eval mode
    out = _cheb_conv(h, row, col, norm, W2, b2, N)
    return out

if __name__ == "__main__":
    import jax
    _d = setup_inputs()
    print(jax.jit(kernel)(*tuple(_d.values())))

</pallas_src>

<mosaic_0001>
#map = affine_map<(d0, d1) -> (0, 0)>
#map1 = affine_map<(d0, d1) -> (0, 0, 0)>
module attributes {stable_mosaic.version = 14 : i64} {
  func.func @_sc_spmv_body(%arg0: i32, %arg1: i32, %arg2: memref<10240x128xf32, #tpu.memory_space<hbm>>, %arg3: memref<16x80x128xi32, #tpu.memory_space<hbm>>, %arg4: memref<16x80x128xi32, #tpu.memory_space<hbm>>, %arg5: memref<16x77x128xi32, #tpu.memory_space<hbm>>, %arg6: memref<16x77x128xi32, #tpu.memory_space<hbm>>, %arg7: memref<10240x128xf32, #tpu.memory_space<hbm>>, %arg8: memref<2x10240x128xf32, #tpu.memory_space<hbm>>, %arg9: memref<80x128xi32, #tpu.memory_space<vmem>>, %arg10: memref<80x128xi32, #tpu.memory_space<vmem>>, %arg11: memref<128x128xf32, #tpu.memory_space<vmem>>, %arg12: memref<10240x128xf32, #tpu.memory_space<vmem_shared>>) attributes {dimension_semantics = [#tpu.dimension_semantics<core_parallel>, #tpu.dimension_semantics<subcore_parallel>], iteration_bounds = array<i64: 2, 16>, scalar_prefetch = 0 : i64, scratch_operands = 4 : i64, tpu.core_type = #tpu.core_type<sc_vector_subcore>, window_params = [{transform_indices = #map}, {transform_indices = #map1}, {transform_indices = #map1}, {transform_indices = #map1}, {transform_indices = #map1}, {transform_indices = #map}, {transform_indices = #map1}]} {
    %mul3A = arith.constant 640 : i32
    %mul3A_0 = arith.muli %arg1, %mul3A : i32
    "tpu.region"() ({
      %run_scoped3A = tpu.sem_alloc : memref<!tpu.dma_semaphore, #tpu.memory_space<semaphore_mem>>
      %dma_start3A = arith.constant 0 : i32
      %dma_start3A_21 = tpu.memref_slice %arg12[%mul3A_0, %dma_start3A] : memref<10240x128xf32, #tpu.memory_space<vmem_shared>> -> memref<640x128xf32, #tpu.memory_space<vmem_shared>>
      %dma_start3A_22 = arith.constant 0 : i32
      %dma_start3A_23 = tpu.memref_slice %arg7[%mul3A_0, %dma_start3A_22] : memref<10240x128xf32, #tpu.memory_space<hbm>> -> memref<640x128xf32, #tpu.memory_space<hbm>>
      tpu.enqueue_dma source(%dma_start3A_23 : memref<640x128xf32, #tpu.memory_space<hbm>>) target(%dma_start3A_21 : memref<640x128xf32, #tpu.memory_space<vmem_shared>>) target_semaphore(%run_scoped3A : memref<!tpu.dma_semaphore, #tpu.memory_space<semaphore_mem>>)
      %dma_wait3A = arith.constant 0 : i32
      %dma_wait3A_24 = tpu.memref_slice %arg12[%mul3A_0, %dma_wait3A] : memref<10240x128xf32, #tpu.memory_space<vmem_shared>> -> memref<640x128xf32, #tpu.memory_space<vmem_shared>>
      %dma_wait3A_25 = arith.constant 0 : i32
      %dma_wait3A_26 = tpu.memref_slice %arg7[%mul3A_0, %dma_wait3A_25] : memref<10240x128xf32, #tpu.memory_space<hbm>> -> memref<640x128xf32, #tpu.memory_space<hbm>>
      tpu.wait_dma2 semaphore(%run_scoped3A : memref<!tpu.dma_semaphore, #tpu.memory_space<semaphore_mem>>) src(%dma_wait3A_26 : memref<640x128xf32, #tpu.memory_space<hbm>>) dst(%dma_wait3A_24 : memref<640x128xf32, #tpu.memory_space<vmem_shared>>)
      tpu.yield
    }) : () -> ()
    %eq3A = arith.constant 0 : i32
    %eq3A_1 = arith.cmpi eq, %arg0, %eq3A : i32
    %convert_element_type3A = arith.extui %eq3A_1 : i1 to i32
    %cond3A = arith.constant 0 : i32
    %cond3A_2 = arith.cmpi ne, %convert_element_type3A, %cond3A : i32
    scf.if %cond3A_2 {
      "tpu.region"() ({
        %run_scoped3A = tpu.sem_alloc : memref<!tpu.dma_semaphore, #tpu.memory_space<semaphore_mem>>
        %dma_start3A = arith.constant 0 : i32
        %dma_start3A_21 = arith.constant 0 : i32
        %dma_start3A_22 = tpu.memref_slice %arg9[%dma_start3A, %dma_start3A_21] : memref<80x128xi32, #tpu.memory_space<vmem>> -> memref<80x128xi32, #tpu.memory_space<vmem>>
        %dma_start3A_23 = arith.constant 0 : i32
        %dma_start3A_24 = arith.constant 0 : i32
        %dma_start3A_25 = tpu.memref_slice %arg3[%arg1, %dma_start3A_23, %dma_start3A_24] : memref<16x80x128xi32, #tpu.memory_space<hbm>> -> memref<1x80x128xi32, #tpu.memory_space<hbm>>
        %dma_start3A_26 = tpu.memref_squeeze %dma_start3A_25 : memref<1x80x128xi32, #tpu.memory_space<hbm>> -> memref<80x128xi32, #tpu.memory_space<hbm>>
        %dma_start3A_27 = arith.constant 0 : i32
        %dma_start3A_28 = arith.constant 0 : i32
        %dma_start3A_29 = tpu.memref_slice %arg9[%dma_start3A_27, %dma_start3A_28] : memref<80x128xi32, #tpu.memory_space<vmem>> -> memref<80x128xi32, #tpu.memory_space<vmem>>
        %dma_start3A_30 = arith.constant 0 : i32
        %dma_start3A_31 = arith.constant 0 : i32
        %dma_start3A_32 = tpu.memref_slice %arg3[%arg1, %dma_start3A_30, %dma_start3A_31] : memref<16x80x128xi32, #tpu.memory_space<hbm>> -> memref<1x80x128xi32, #tpu.memory_space<hbm>>
        %dma_start3A_33 = tpu.memref_squeeze %dma_start3A_32 : memref<1x80x128xi32, #tpu.memory_space<hbm>> -> memref<80x128xi32, #tpu.memory_space<hbm>>
        tpu.enqueue_dma source(%dma_start3A_33 : memref<80x128xi32, #tpu.memory_space<hbm>>) target(%dma_start3A_29 : memref<80x128xi32, #tpu.memory_space<vmem>>) target_semaphore(%run_scoped3A : memref<!tpu.dma_semaphore, #tpu.memory_space<semaphore_mem>>)
        %dma_wait3A = arith.constant 0 : i32
        %dma_wait3A_34 = arith.constant 0 : i32
        %dma_wait3A_35 = tpu.memref_slice %arg9[%dma_wait3A, %dma_wait3A_34] : memref<80x128xi32, #tpu.memory_space<vmem>> -> memref<80x128xi32, #tpu.memory_space<vmem>>
        %dma_wait3A_36 = arith.constant 0 : i32
        %dma_wait3A_37 = arith.constant 0 : i32
        %dma_wait3A_38 = tpu.memref_slice %arg3[%arg1, %dma_wait3A_36, %dma_wait3A_37] : memref<16x80x128xi32, #tpu.memory_space<hbm>> -> memref<1x80x128xi32, #tpu.memory_space<hbm>>
        %dma_wait3A_39 = tpu.memref_squeeze %dma_wait3A_38 : memref<1x80x128xi32, #tpu.memory_space<hbm>> -> memref<80x128xi32, #tpu.memory_space<hbm>>
        %dma_wait3A_40 = arith.constant 0 : i32
        %dma_wait3A_41 = arith.constant 0 : i32
        %dma_wait3A_42 = tpu.memref_slice %arg9[%dma_wait3A_40, %dma_wait3A_41] : memref<80x128xi32, #tpu.memory_space<vmem>> -> memref<80x128xi32, #tpu.memory_space<vmem>>
        %dma_wait3A_43 = arith.constant 0 : i32
        %dma_wait3A_44 = arith.constant 0 : i32
        %dma_wait3A_45 = tpu.memref_slice %arg3[%arg1, %dma_wait3A_43, %dma_wait3A_44] : memref<16x80x128xi32, #tpu.memory_space<hbm>> -> memref<1x80x128xi32, #tpu.memory_space<hbm>>
        %dma_wait3A_46 = tpu.memref_squeeze %dma_wait3A_45 : memref<1x80x128xi32, #tpu.memory_space<hbm>> -> memref<80x128xi32, #tpu.memory_space<hbm>>
        tpu.wait_dma2 semaphore(%run_scoped3A : memref<!tpu.dma_semaphore, #tpu.memory_space<semaphore_mem>>) src(%dma_wait3A_46 : memref<80x128xi32, #tpu.memory_space<hbm>>) dst(%dma_wait3A_42 : memref<80x128xi32, #tpu.memory_space<vmem>>)
        tpu.yield
      }) : () -> ()
      "tpu.region"() ({
        %run_scoped3A = tpu.sem_alloc : memref<!tpu.dma_semaphore, #tpu.memory_space<semaphore_mem>>
        %dma_start3A = arith.constant 0 : i32
        %dma_start3A_21 = arith.constant 0 : i32
        %dma_start3A_22 = tpu.memref_slice %arg10[%dma_start3A, %dma_start3A_21] : memref<80x128xi32, #tpu.memory_space<vmem>> -> memref<80x128xi32, #tpu.memory_space<vmem>>
        %dma_start3A_23 = arith.constant 0 : i32
        %dma_start3A_24 = arith.constant 0 : i32
        %dma_start3A_25 = tpu.memref_slice %arg4[%arg1, %dma_start3A_23, %dma_start3A_24] : memref<16x80x128xi32, #tpu.memory_space<hbm>> -> memref<1x80x128xi32, #tpu.memory_space<hbm>>
        %dma_start3A_26 = tpu.memref_squeeze %dma_start3A_25 : memref<1x80x128xi32, #tpu.memory_space<hbm>> -> memref<80x128xi32, #tpu.memory_space<hbm>>
        %dma_start3A_27 = arith.constant 0 : i32
        %dma_start3A_28 = arith.constant 0 : i32
        %dma_start3A_29 = tpu.memref_slice %arg10[%dma_start3A_27, %dma_start3A_28] : memref<80x128xi32, #tpu.memory_space<vmem>> -> memref<80x128xi32, #tpu.memory_space<vmem>>
        %dma_start3A_30 = arith.constant 0 : i32
        %dma_start3A_31 = arith.constant 0 : i32
        %dma_start3A_32 = tpu.memref_slice %arg4[%arg1, %dma_start3A_30, %dma_start3A_31] : memref<16x80x128xi32, #tpu.memory_space<hbm>> -> memref<1x80x128xi32, #tpu.memory_space<hbm>>
        %dma_start3A_33 = tpu.memref_squeeze %dma_start3A_32 : memref<1x80x128xi32, #tpu.memory_space<hbm>> -> memref<80x128xi32, #tpu.memory_space<hbm>>
        tpu.enqueue_dma source(%dma_start3A_33 : memref<80x128xi32, #tpu.memory_space<hbm>>) target(%dma_start3A_29 : memref<80x128xi32, #tpu.memory_space<vmem>>) target_semaphore(%run_scoped3A : memref<!tpu.dma_semaphore, #tpu.memory_space<semaphore_mem>>)
        %dma_wait3A = arith.constant 0 : i32
        %dma_wait3A_34 = arith.constant 0 : i32
        %dma_wait3A_35 = tpu.memref_slice %arg10[%dma_wait3A, %dma_wait3A_34] : memref<80x128xi32, #tpu.memory_space<vmem>> -> memref<80x128xi32, #tpu.memory_space<vmem>>
        %dma_wait3A_36 = arith.constant 0 : i32
        %dma_wait3A_37 = arith.constant 0 : i32
        %dma_wait3A_38 = tpu.memref_slice %arg4[%arg1, %dma_wait3A_36, %dma_wait3A_37] : memref<16x80x128xi32, #tpu.memory_space<hbm>> -> memref<1x80x128xi32, #tpu.memory_space<hbm>>
        %dma_wait3A_39 = tpu.memref_squeeze %dma_wait3A_38 : memref<1x80x128xi32, #tpu.memory_space<hbm>> -> memref<80x128xi32, #tpu.memory_space<hbm>>
        %dma_wait3A_40 = arith.constant 0 : i32
        %dma_wait3A_41 = arith.constant 0 : i32
        %dma_wait3A_42 = tpu.memref_slice %arg10[%dma_wait3A_40, %dma_wait3A_41] : memref<80x128xi32, #tpu.memory_space<vmem>> -> memref<80x128xi32, #tpu.memory_space<vmem>>
        %dma_wait3A_43 = arith.constant 0 : i32
        %dma_wait3A_44 = arith.constant 0 : i32
        %dma_wait3A_45 = tpu.memref_slice %arg4[%arg1, %dma_wait3A_43, %dma_wait3A_44] : memref<16x80x128xi32, #tpu.memory_space<hbm>> -> memref<1x80x128xi32, #tpu.memory_space<hbm>>
        %dma_wait3A_46 = tpu.memref_squeeze %dma_wait3A_45 : memref<1x80x128xi32, #tpu.memory_space<hbm>> -> memref<80x128xi32, #tpu.memory_space<hbm>>
        tpu.wait_dma2 semaphore(%run_scoped3A : memref<!tpu.dma_semaphore, #tpu.memory_space<semaphore_mem>>) src(%dma_wait3A_46 : memref<80x128xi32, #tpu.memory_space<hbm>>) dst(%dma_wait3A_42 : memref<80x128xi32, #tpu.memory_space<vmem>>)
        tpu.yield
      }) : () -> ()
    } else {
    }
    %eq3A_3 = arith.constant 1 : i32
    %eq3A_4 = arith.cmpi eq, %arg0, %eq3A_3 : i32
    %convert_element_type3A_5 = arith.extui %eq3A_4 : i1 to i32
    %cond3A_6 = arith.constant 0 : i32
    %cond3A_7 = arith.cmpi ne, %convert_element_type3A_5, %cond3A_6 : i32
    scf.if %cond3A_7 {
      "tpu.region"() ({
        %run_scoped3A = tpu.sem_alloc : memref<!tpu.dma_semaphore, #tpu.memory_space<semaphore_mem>>
        %dma_start3A = arith.constant 0 : i32
        %dma_start3A_21 = arith.constant 0 : i32
        %dma_start3A_22 = tpu.memref_slice %arg9[%dma_start3A, %dma_start3A_21] : memref<80x128xi32, #tpu.memory_space<vmem>> -> memref<77x128xi32, #tpu.memory_space<vmem>>
        %dma_start3A_23 = arith.constant 0 : i32
        %dma_start3A_24 = arith.constant 0 : i32
        %dma_start3A_25 = tpu.memref_slice %arg5[%arg1, %dma_start3A_23, %dma_start3A_24] : memref<16x77x128xi32, #tpu.memory_space<hbm>> -> memref<1x77x128xi32, #tpu.memory_space<hbm>>
        %dma_start3A_26 = tpu.memref_squeeze %dma_start3A_25 : memref<1x77x128xi32, #tpu.memory_space<hbm>> -> memref<77x128xi32, #tpu.memory_space<hbm>>
        %dma_start3A_27 = arith.constant 0 : i32
        %dma_start3A_28 = arith.constant 0 : i32
        %dma_start3A_29 = tpu.memref_slice %arg9[%dma_start3A_27, %dma_start3A_28] : memref<80x128xi32, #tpu.memory_space<vmem>> -> memref<77x128xi32, #tpu.memory_space<vmem>>
        %dma_start3A_30 = arith.constant 0 : i32
        %dma_start3A_31 = arith.constant 0 : i32
        %dma_start3A_32 = tpu.memref_slice %arg5[%arg1, %dma_start3A_30, %dma_start3A_31] : memref<16x77x128xi32, #tpu.memory_space<hbm>> -> memref<1x77x128xi32, #tpu.memory_space<hbm>>
        %dma_start3A_33 = tpu.memref_squeeze %dma_start3A_32 : memref<1x77x128xi32, #tpu.memory_space<hbm>> -> memref<77x128xi32, #tpu.memory_space<hbm>>
        tpu.enqueue_dma source(%dma_start3A_33 : memref<77x128xi32, #tpu.memory_space<hbm>>) target(%dma_start3A_29 : memref<77x128xi32, #tpu.memory_space<vmem>>) target_semaphore(%run_scoped3A : memref<!tpu.dma_semaphore, #tpu.memory_space<semaphore_mem>>)
        %dma_wait3A = arith.constant 0 : i32
        %dma_wait3A_34 = arith.constant 0 : i32
        %dma_wait3A_35 = tpu.memref_slice %arg9[%dma_wait3A, %dma_wait3A_34] : memref<80x128xi32, #tpu.memory_space<vmem>> -> memref<77x128xi32, #tpu.memory_space<vmem>>
        %dma_wait3A_36 = arith.constant 0 : i32
        %dma_wait3A_37 = arith.constant 0 : i32
        %dma_wait3A_38 = tpu.memref_slice %arg5[%arg1, %dma_wait3A_36, %dma_wait3A_37] : memref<16x77x128xi32, #tpu.memory_space<hbm>> -> memref<1x77x128xi32, #tpu.memory_space<hbm>>
        %dma_wait3A_39 = tpu.memref_squeeze %dma_wait3A_38 : memref<1x77x128xi32, #tpu.memory_space<hbm>> -> memref<77x128xi32, #tpu.memory_space<hbm>>
        %dma_wait3A_40 = arith.constant 0 : i32
        %dma_wait3A_41 = arith.constant 0 : i32
        %dma_wait3A_42 = tpu.memref_slice %arg9[%dma_wait3A_40, %dma_wait3A_41] : memref<80x128xi32, #tpu.memory_space<vmem>> -> memref<77x128xi32, #tpu.memory_space<vmem>>
        %dma_wait3A_43 = arith.constant 0 : i32
        %dma_wait3A_44 = arith.constant 0 : i32
        %dma_wait3A_45 = tpu.memref_slice %arg5[%arg1, %dma_wait3A_43, %dma_wait3A_44] : memref<16x77x128xi32, #tpu.memory_space<hbm>> -> memref<1x77x128xi32, #tpu.memory_space<hbm>>
        %dma_wait3A_46 = tpu.memref_squeeze %dma_wait3A_45 : memref<1x77x128xi32, #tpu.memory_space<hbm>> -> memref<77x128xi32, #tpu.memory_space<hbm>>
        tpu.wait_dma2 semaphore(%run_scoped3A : memref<!tpu.dma_semaphore, #tpu.memory_space<semaphore_mem>>) src(%dma_wait3A_46 : memref<77x128xi32, #tpu.memory_space<hbm>>) dst(%dma_wait3A_42 : memref<77x128xi32, #tpu.memory_space<vmem>>)
        tpu.yield
      }) : () -> ()
      "tpu.region"() ({
        %run_scoped3A = tpu.sem_alloc : memref<!tpu.dma_semaphore, #tpu.memory_space<semaphore_mem>>
        %dma_start3A = arith.constant 0 : i32
        %dma_start3A_21 = arith.constant 0 : i32
        %dma_start3A_22 = tpu.memref_slice %arg10[%dma_start3A, %dma_start3A_21] : memref<80x128xi32, #tpu.memory_space<vmem>> -> memref<77x128xi32, #tpu.memory_space<vmem>>
        %dma_start3A_23 = arith.constant 0 : i32
        %dma_start3A_24 = arith.constant 0 : i32
        %dma_start3A_25 = tpu.memref_slice %arg6[%arg1, %dma_start3A_23, %dma_start3A_24] : memref<16x77x128xi32, #tpu.memory_space<hbm>> -> memref<1x77x128xi32, #tpu.memory_space<hbm>>
        %dma_start3A_26 = tpu.memref_squeeze %dma_start3A_25 : memref<1x77x128xi32, #tpu.memory_space<hbm>> -> memref<77x128xi32, #tpu.memory_space<hbm>>
        %dma_start3A_27 = arith.constant 0 : i32
        %dma_start3A_28 = arith.constant 0 : i32
        %dma_start3A_29 = tpu.memref_slice %arg10[%dma_start3A_27, %dma_start3A_28] : memref<80x128xi32, #tpu.memory_space<vmem>> -> memref<77x128xi32, #tpu.memory_space<vmem>>
        %dma_start3A_30 = arith.constant 0 : i32
        %dma_start3A_31 = arith.constant 0 : i32
        %dma_start3A_32 = tpu.memref_slice %arg6[%arg1, %dma_start3A_30, %dma_start3A_31] : memref<16x77x128xi32, #tpu.memory_space<hbm>> -> memref<1x77x128xi32, #tpu.memory_space<hbm>>
        %dma_start3A_33 = tpu.memref_squeeze %dma_start3A_32 : memref<1x77x128xi32, #tpu.memory_space<hbm>> -> memref<77x128xi32, #tpu.memory_space<hbm>>
        tpu.enqueue_dma source(%dma_start3A_33 : memref<77x128xi32, #tpu.memory_space<hbm>>) target(%dma_start3A_29 : memref<77x128xi32, #tpu.memory_space<vmem>>) target_semaphore(%run_scoped3A : memref<!tpu.dma_semaphore, #tpu.memory_space<semaphore_mem>>)
        %dma_wait3A = arith.constant 0 : i32
        %dma_wait3A_34 = arith.constant 0 : i32
        %dma_wait3A_35 = tpu.memref_slice %arg10[%dma_wait3A, %dma_wait3A_34] : memref<80x128xi32, #tpu.memory_space<vmem>> -> memref<77x128xi32, #tpu.memory_space<vmem>>
        %dma_wait3A_36 = arith.constant 0 : i32
        %dma_wait3A_37 = arith.constant 0 : i32
        %dma_wait3A_38 = tpu.memref_slice %arg6[%arg1, %dma_wait3A_36, %dma_wait3A_37] : memref<16x77x128xi32, #tpu.memory_space<hbm>> -> memref<1x77x128xi32, #tpu.memory_space<hbm>>
        %dma_wait3A_39 = tpu.memref_squeeze %dma_wait3A_38 : memref<1x77x128xi32, #tpu.memory_space<hbm>> -> memref<77x128xi32, #tpu.memory_space<hbm>>
        %dma_wait3A_40 = arith.constant 0 : i32
        %dma_wait3A_41 = arith.constant 0 : i32
        %dma_wait3A_42 = tpu.memref_slice %arg10[%dma_wait3A_40, %dma_wait3A_41] : memref<80x128xi32, #tpu.memory_space<vmem>> -> memref<77x128xi32, #tpu.memory_space<vmem>>
        %dma_wait3A_43 = arith.constant 0 : i32
        %dma_wait3A_44 = arith.constant 0 : i32
        %dma_wait3A_45 = tpu.memref_slice %arg6[%arg1, %dma_wait3A_43, %dma_wait3A_44] : memref<16x77x128xi32, #tpu.memory_space<hbm>> -> memref<1x77x128xi32, #tpu.memory_space<hbm>>
        %dma_wait3A_46 = tpu.memref_squeeze %dma_wait3A_45 : memref<1x77x128xi32, #tpu.memory_space<hbm>> -> memref<77x128xi32, #tpu.memory_space<hbm>>
        tpu.wait_dma2 semaphore(%run_scoped3A : memref<!tpu.dma_semaphore, #tpu.memory_space<semaphore_mem>>) src(%dma_wait3A_46 : memref<77x128xi32, #tpu.memory_space<hbm>>) dst(%dma_wait3A_42 : memref<77x128xi32, #tpu.memory_space<vmem>>)
        tpu.yield
      }) : () -> ()
    } else {
    }
    %barrier3A = arith.constant 0 : index
    tpu.barrier barrier_id(%barrier3A)
    %eq3A_8 = arith.constant 0 : i32
    %eq3A_9 = arith.cmpi eq, %arg0, %eq3A_8 : i32
    %jit3A = arith.constant 80 : i32
    %jit3A_10 = arith.constant 77 : i32
    %select_n3A = arith.select %eq3A_9, %jit3A, %jit3A_10 : i32
    %while3A = arith.constant 0 : i32
    %while3A_11 = arith.constant 0 : i32
    %while3A_12 = arith.subi %select_n3A, %while3A_11 : i32
    %while3A_13 = arith.addi %while3A_11, %while3A_12 : i32
    %while3A_14 = arith.constant 1 : i32
    %while3A_15 = arith.divsi %while3A_12, %while3A_14 : i32
    %while3A_16 = arith.muli %while3A_15, %while3A_14 : i32
    %while3A_17 = arith.addi %while3A_11, %while3A_16 : i32
    %while3A_18 = arith.constant 1 : i32
    scf.for %while3A_21 = %while3A_11 to %while3A_17 step %while3A_18  : i32 {
      "tpu.region"() ({
        %run_scoped3A = tpu.sem_alloc : memref<!tpu.dma_semaphore, #tpu.memory_space<semaphore_mem>>
        %dma_start3A = arith.constant 0 : i32
        %dma_start3A_22 = tpu.memref_slice %arg9[%while3A_21, %dma_start3A] : memref<80x128xi32, #tpu.memory_space<vmem>> -> memref<1x128xi32, #tpu.memory_space<vmem>>
        %dma_start3A_23 = tpu.memref_squeeze %dma_start3A_22 : memref<1x128xi32, #tpu.memory_space<vmem>> -> memref<128xi32, #tpu.memory_space<vmem>>
        %dma_start3A_24 = arith.constant 0 : i32
        %dma_start3A_25 = arith.constant 0 : i32
        %dma_start3A_26 = tpu.memref_slice %arg2[%dma_start3A_24, %dma_start3A_25] : memref<10240x128xf32, #tpu.memory_space<hbm>> -> memref<10240x128xf32, #tpu.memory_space<hbm>>
        tpu.enqueue_indirect_dma source(%dma_start3A_26 : memref<10240x128xf32, #tpu.memory_space<hbm>>) target(%arg11 : memref<128x128xf32, #tpu.memory_space<vmem>>) offsets(%dma_start3A_23 : memref<128xi32, #tpu.memory_space<vmem>>) semaphore(%run_scoped3A : memref<!tpu.dma_semaphore, #tpu.memory_space<semaphore_mem>>)
        %dma_wait3A = arith.constant 0 : i32
        %dma_wait3A_27 = tpu.memref_slice %arg9[%while3A_21, %dma_wait3A] : memref<80x128xi32, #tpu.memory_space<vmem>> -> memref<1x128xi32, #tpu.memory_space<vmem>>
        %dma_wait3A_28 = tpu.memref_squeeze %dma_wait3A_27 : memref<1x128xi32, #tpu.memory_space<vmem>> -> memref<128xi32, #tpu.memory_space<vmem>>
        %dma_wait3A_29 = arith.constant 0 : i32
        %dma_wait3A_30 = arith.constant 0 : i32
        %dma_wait3A_31 = tpu.memref_slice %arg2[%dma_wait3A_29, %dma_wait3A_30] : memref<10240x128xf32, #tpu.memory_space<hbm>> -> memref<10240x128xf32, #tpu.memory_space<hbm>>
        tpu.wait_indirect_dma semaphore(%run_scoped3A : memref<!tpu.dma_semaphore, #tpu.memory_space<semaphore_mem>>) src(%dma_wait3A_31 : memref<10240x128xf32, #tpu.memory_space<hbm>>) dst(%arg11 : memref<128x128xf32, #tpu.memory_space<vmem>>)
        tpu.yield
      }) : () -> ()
      "tpu.region"() ({
        %run_scoped3A = tpu.sem_alloc : memref<!tpu.dma_semaphore, #tpu.memory_space<semaphore_mem>>
        %dma_start3A = arith.constant 0 : i32
        %dma_start3A_22 = tpu.memref_slice %arg10[%while3A_21, %dma_start3A] : memref<80x128xi32, #tpu.memory_space<vmem>> -> memref<1x128xi32, #tpu.memory_space<vmem>>
        %dma_start3A_23 = tpu.memref_squeeze %dma_start3A_22 : memref<1x128xi32, #tpu.memory_space<vmem>> -> memref<128xi32, #tpu.memory_space<vmem>>
        %dma_start3A_24 = arith.constant 0 : i32
        %dma_start3A_25 = arith.constant 0 : i32
        %dma_start3A_26 = tpu.memref_slice %arg12[%dma_start3A_24, %dma_start3A_25] : memref<10240x128xf32, #tpu.memory_space<vmem_shared>> -> memref<10240x128xf32, #tpu.memory_space<vmem_shared>>
        tpu.enqueue_indirect_dma source(%arg11 : memref<128x128xf32, #tpu.memory_space<vmem>>) target(%dma_start3A_26 : memref<10240x128xf32, #tpu.memory_space<vmem_shared>>) offsets(%dma_start3A_23 : memref<128xi32, #tpu.memory_space<vmem>>) semaphore(%run_scoped3A : memref<!tpu.dma_semaphore, #tpu.memory_space<semaphore_mem>>) {add = true}
        %dma_wait3A = arith.constant 0 : i32
        %dma_wait3A_27 = tpu.memref_slice %arg10[%while3A_21, %dma_wait3A] : memref<80x128xi32, #tpu.memory_space<vmem>> -> memref<1x128xi32, #tpu.memory_space<vmem>>
        %dma_wait3A_28 = tpu.memref_squeeze %dma_wait3A_27 : memref<1x128xi32, #tpu.memory_space<vmem>> -> memref<128xi32, #tpu.memory_space<vmem>>
        %dma_wait3A_29 = arith.constant 0 : i32
        %dma_wait3A_30 = arith.constant 0 : i32
        %dma_wait3A_31 = tpu.memref_slice %arg12[%dma_wait3A_29, %dma_wait3A_30] : memref<10240x128xf32, #tpu.memory_space<vmem_shared>> -> memref<10240x128xf32, #tpu.memory_space<vmem_shared>>
        tpu.wait_indirect_dma semaphore(%run_scoped3A : memref<!tpu.dma_semaphore, #tpu.memory_space<semaphore_mem>>) src(%arg11 : memref<128x128xf32, #tpu.memory_space<vmem>>) dst(%dma_wait3A_31 : memref<10240x128xf32, #tpu.memory_space<vmem_shared>>)
        tpu.yield
      }) : () -> ()
    }
    %while3A_19 = arith.constant 1 : i32
    scf.for %while3A_21 = %while3A_17 to %while3A_13 step %while3A_19  : i32 {
      "tpu.region"() ({
        %run_scoped3A = tpu.sem_alloc : memref<!tpu.dma_semaphore, #tpu.memory_space<semaphore_mem>>
        %dma_start3A = arith.constant 0 : i32
        %dma_start3A_22 = tpu.memref_slice %arg9[%while3A_21, %dma_start3A] : memref<80x128xi32, #tpu.memory_space<vmem>> -> memref<1x128xi32, #tpu.memory_space<vmem>>
        %dma_start3A_23 = tpu.memref_squeeze %dma_start3A_22 : memref<1x128xi32, #tpu.memory_space<vmem>> -> memref<128xi32, #tpu.memory_space<vmem>>
        %dma_start3A_24 = arith.constant 0 : i32
        %dma_start3A_25 = arith.constant 0 : i32
        %dma_start3A_26 = tpu.memref_slice %arg2[%dma_start3A_24, %dma_start3A_25] : memref<10240x128xf32, #tpu.memory_space<hbm>> -> memref<10240x128xf32, #tpu.memory_space<hbm>>
        tpu.enqueue_indirect_dma source(%dma_start3A_26 : memref<10240x128xf32, #tpu.memory_space<hbm>>) target(%arg11 : memref<128x128xf32, #tpu.memory_space<vmem>>) offsets(%dma_start3A_23 : memref<128xi32, #tpu.memory_space<vmem>>) semaphore(%run_scoped3A : memref<!tpu.dma_semaphore, #tpu.memory_space<semaphore_mem>>)
        %dma_wait3A = arith.constant 0 : i32
        %dma_wait3A_27 = tpu.memref_slice %arg9[%while3A_21, %dma_wait3A] : memref<80x128xi32, #tpu.memory_space<vmem>> -> memref<1x128xi32, #tpu.memory_space<vmem>>
        %dma_wait3A_28 = tpu.memref_squeeze %dma_wait3A_27 : memref<1x128xi32, #tpu.memory_space<vmem>> -> memref<128xi32, #tpu.memory_space<vmem>>
        %dma_wait3A_29 = arith.constant 0 : i32
        %dma_wait3A_30 = arith.constant 0 : i32
        %dma_wait3A_31 = tpu.memref_slice %arg2[%dma_wait3A_29, %dma_wait3A_30] : memref<10240x128xf32, #tpu.memory_space<hbm>> -> memref<10240x128xf32, #tpu.memory_space<hbm>>
        tpu.wait_indirect_dma semaphore(%run_scoped3A : memref<!tpu.dma_semaphore, #tpu.memory_space<semaphore_mem>>) src(%dma_wait3A_31 : memref<10240x128xf32, #tpu.memory_space<hbm>>) dst(%arg11 : memref<128x128xf32, #tpu.memory_space<vmem>>)
        tpu.yield
      }) : () -> ()
      "tpu.region"() ({
        %run_scoped3A = tpu.sem_alloc : memref<!tpu.dma_semaphore, #tpu.memory_space<semaphore_mem>>
        %dma_start3A = arith.constant 0 : i32
        %dma_start3A_22 = tpu.memref_slice %arg10[%while3A_21, %dma_start3A] : memref<80x128xi32, #tpu.memory_space<vmem>> -> memref<1x128xi32, #tpu.memory_space<vmem>>
        %dma_start3A_23 = tpu.memref_squeeze %dma_start3A_22 : memref<1x128xi32, #tpu.memory_space<vmem>> -> memref<128xi32, #tpu.memory_space<vmem>>
        %dma_start3A_24 = arith.constant 0 : i32
        %dma_start3A_25 = arith.constant 0 : i32
        %dma_start3A_26 = tpu.memref_slice %arg12[%dma_start3A_24, %dma_start3A_25] : memref<10240x128xf32, #tpu.memory_space<vmem_shared>> -> memref<10240x128xf32, #tpu.memory_space<vmem_shared>>
        tpu.enqueue_indirect_dma source(%arg11 : memref<128x128xf32, #tpu.memory_space<vmem>>) target(%dma_start3A_26 : memref<10240x128xf32, #tpu.memory_space<vmem_shared>>) offsets(%dma_start3A_23 : memref<128xi32, #tpu.memory_space<vmem>>) semaphore(%run_scoped3A : memref<!tpu.dma_semaphore, #tpu.memory_space<semaphore_mem>>) {add = true}
        %dma_wait3A = arith.constant 0 : i32
        %dma_wait3A_27 = tpu.memref_slice %arg10[%while3A_21, %dma_wait3A] : memref<80x128xi32, #tpu.memory_space<vmem>> -> memref<1x128xi32, #tpu.memory_space<vmem>>
        %dma_wait3A_28 = tpu.memref_squeeze %dma_wait3A_27 : memref<1x128xi32, #tpu.memory_space<vmem>> -> memref<128xi32, #tpu.memory_space<vmem>>
        %dma_wait3A_29 = arith.constant 0 : i32
        %dma_wait3A_30 = arith.constant 0 : i32
        %dma_wait3A_31 = tpu.memref_slice %arg12[%dma_wait3A_29, %dma_wait3A_30] : memref<10240x128xf32, #tpu.memory_space<vmem_shared>> -> memref<10240x128xf32, #tpu.memory_space<vmem_shared>>
        tpu.wait_indirect_dma semaphore(%run_scoped3A : memref<!tpu.dma_semaphore, #tpu.memory_space<semaphore_mem>>) src(%arg11 : memref<128x128xf32, #tpu.memory_space<vmem>>) dst(%dma_wait3A_31 : memref<10240x128xf32, #tpu.memory_space<vmem_shared>>)
        tpu.yield
      }) : () -> ()
    }
    %barrier3A_20 = arith.constant 0 : index
    tpu.barrier barrier_id(%barrier3A_20)
    "tpu.region"() ({
      %run_scoped3A = tpu.sem_alloc : memref<!tpu.dma_semaphore, #tpu.memory_space<semaphore_mem>>
      %dma_start3A = arith.constant 0 : i32
      %dma_start3A_21 = arith.constant 0 : i32
      %dma_start3A_22 = tpu.memref_slice %arg8[%arg0, %dma_start3A, %dma_start3A_21] : memref<2x10240x128xf32, #tpu.memory_space<hbm>> -> memref<1x10240x128xf32, #tpu.memory_space<hbm>>
      %dma_start3A_23 = tpu.memref_squeeze %dma_start3A_22 : memref<1x10240x128xf32, #tpu.memory_space<hbm>> -> memref<10240x128xf32, #tpu.memory_space<hbm>>
      %dma_start3A_24 = arith.constant 0 : i32
      %dma_start3A_25 = tpu.memref_slice %dma_start3A_23[%mul3A_0, %dma_start3A_24] : memref<10240x128xf32, #tpu.memory_space<hbm>> -> memref<640x128xf32, #tpu.memory_space<hbm>>
      %dma_start3A_26 = arith.constant 0 : i32
      %dma_start3A_27 = tpu.memref_slice %arg12[%mul3A_0, %dma_start3A_26] : memref<10240x128xf32, #tpu.memory_space<vmem_shared>> -> memref<640x128xf32, #tpu.memory_space<vmem_shared>>
      tpu.enqueue_dma source(%dma_start3A_27 : memref<640x128xf32, #tpu.memory_space<vmem_shared>>) target(%dma_start3A_25 : memref<640x128xf32, #tpu.memory_space<hbm>>) target_semaphore(%run_scoped3A : memref<!tpu.dma_semaphore, #tpu.memory_space<semaphore_mem>>)
      %dma_wait3A = arith.constant 0 : i32
      %dma_wait3A_28 = arith.constant 0 : i32
      %dma_wait3A_29 = tpu.memref_slice %arg8[%arg0, %dma_wait3A, %dma_wait3A_28] : memref<2x10240x128xf32, #tpu.memory_space<hbm>> -> memref<1x10240x128xf32, #tpu.memory_space<hbm>>
      %dma_wait3A_30 = tpu.memref_squeeze %dma_wait3A_29 : memref<1x10240x128xf32, #tpu.memory_space<hbm>> -> memref<10240x128xf32, #tpu.memory_space<hbm>>
      %dma_wait3A_31 = arith.constant 0 : i32
      %dma_wait3A_32 = tpu.memref_slice %dma_wait3A_30[%mul3A_0, %dma_wait3A_31] : memref<10240x128xf32, #tpu.memory_space<hbm>> -> memref<640x128xf32, #tpu.memory_space<hbm>>
      %dma_wait3A_33 = arith.constant 0 : i32
      %dma_wait3A_34 = tpu.memref_slice %arg12[%mul3A_0, %dma_wait3A_33] : memref<10240x128xf32, #tpu.memory_space<vmem_shared>> -> memref<640x128xf32, #tpu.memory_space<vmem_shared>>
      tpu.wait_dma2 semaphore(%run_scoped3A : memref<!tpu.dma_semaphore, #tpu.memory_space<semaphore_mem>>) src(%dma_wait3A_34 : memref<640x128xf32, #tpu.memory_space<vmem_shared>>) dst(%dma_wait3A_32 : memref<640x128xf32, #tpu.memory_space<hbm>>)
      tpu.yield
    }) : () -> ()
    return
  }
}

#map = affine_map<(d0, d1) -> (0, 0)>
#map1 = affine_map<(d0, d1) -> (0, 0, 0)>
module attributes {stable_mosaic.version = 14 : i64} {
  func.func @_sc_spmv_body(%arg0: i32, %arg1: i32, %arg2: memref<10240x128xf32, #tpu.memory_space<hbm>>, %arg3: memref<16x80x128xi32, #tpu.memory_space<hbm>>, %arg4: memref<16x80x128xi32, #tpu.memory_space<hbm>>, %arg5: memref<16x77x128xi32, #tpu.memory_space<hbm>>, %arg6: memref<16x77x128xi32, #tpu.memory_space<hbm>>, %arg7: memref<10240x128xf32, #tpu.memory_space<hbm>>, %arg8: memref<2x10240x128xf32, #tpu.memory_space<hbm>>, %arg9: memref<80x128xi32, #tpu.memory_space<vmem>>, %arg10: memref<80x128xi32, #tpu.memory_space<vmem>>, %arg11: memref<128x128xf32, #tpu.memory_space<vmem>>, %arg12: memref<10240x128xf32, #tpu.memory_space<vmem_shared>>) attributes {dimension_semantics = [#tpu.dimension_semantics<core_parallel>, #tpu.dimension_semantics<subcore_parallel>], iteration_bounds = array<i64: 2, 16>, scalar_prefetch = 0 : i64, scratch_operands = 4 : i64, tpu.core_type = #tpu.core_type<sc_vector_subcore>, window_params = [{transform_indices = #map}, {transform_indices = #map1}, {transform_indices = #map1}, {transform_indices = #map1}, {transform_indices = #map1}, {transform_indices = #map}, {transform_indices = #map1}]} {
    %mul3A = arith.constant 640 : i32
    %mul3A_0 = arith.muli %arg1, %mul3A : i32
    "tpu.region"() ({
      %run_scoped3A = tpu.sem_alloc : memref<!tpu.dma_semaphore, #tpu.memory_space<semaphore_mem>>
      %dma_start3A = arith.constant 0 : i32
      %dma_start3A_21 = tpu.memref_slice %arg12[%mul3A_0, %dma_start3A] : memref<10240x128xf32, #tpu.memory_space<vmem_shared>> -> memref<640x128xf32, #tpu.memory_space<vmem_shared>>
      %dma_start3A_22 = arith.constant 0 : i32
      %dma_start3A_23 = tpu.memref_slice %arg7[%mul3A_0, %dma_start3A_22] : memref<10240x128xf32, #tpu.memory_space<hbm>> -> memref<640x128xf32, #tpu.memory_space<hbm>>
      tpu.enqueue_dma source(%dma_start3A_23 : memref<640x128xf32, #tpu.memory_space<hbm>>) target(%dma_start3A_21 : memref<640x128xf32, #tpu.memory_space<vmem_shared>>) target_semaphore(%run_scoped3A : memref<!tpu.dma_semaphore, #tpu.memory_space<semaphore_mem>>)
      %dma_wait3A = arith.constant 0 : i32
      %dma_wait3A_24 = tpu.memref_slice %arg12[%mul3A_0, %dma_wait3A] : memref<10240x128xf32, #tpu.memory_space<vmem_shared>> -> memref<640x128xf32, #tpu.memory_space<vmem_shared>>
      %dma_wait3A_25 = arith.constant 0 : i32
      %dma_wait3A_26 = tpu.memref_slice %arg7[%mul3A_0, %dma_wait3A_25] : memref<10240x128xf32, #tpu.memory_space<hbm>> -> memref<640x128xf32, #tpu.memory_space<hbm>>
      tpu.wait_dma2 semaphore(%run_scoped3A : memref<!tpu.dma_semaphore, #tpu.memory_space<semaphore_mem>>) src(%dma_wait3A_26 : memref<640x128xf32, #tpu.memory_space<hbm>>) dst(%dma_wait3A_24 : memref<640x128xf32, #tpu.memory_space<vmem_shared>>)
      tpu.yield
    }) : () -> ()
    %eq3A = arith.constant 0 : i32
    %eq3A_1 = arith.cmpi eq, %arg0, %eq3A : i32
    %convert_element_type3A = arith.extui %eq3A_1 : i1 to i32
    %cond3A = arith.constant 0 : i32
    %cond3A_2 = arith.cmpi ne, %convert_element_type3A, %cond3A : i32
    scf.if %cond3A_2 {
      "tpu.region"() ({
        %run_scoped3A = tpu.sem_alloc : memref<!tpu.dma_semaphore, #tpu.memory_space<semaphore_mem>>
        %dma_start3A = arith.constant 0 : i32
        %dma_start3A_21 = arith.constant 0 : i32
        %dma_start3A_22 = tpu.memref_slice %arg9[%dma_start3A, %dma_start3A_21] : memref<80x128xi32, #tpu.memory_space<vmem>> -> memref<80x128xi32, #tpu.memory_space<vmem>>
        %dma_start3A_23 = arith.constant 0 : i32
        %dma_start3A_24 = arith.constant 0 : i32
        %dma_start3A_25 = tpu.memref_slice %arg3[%arg1, %dma_start3A_23, %dma_start3A_24] : memref<16x80x128xi32, #tpu.memory_space<hbm>> -> memref<1x80x128xi32, #tpu.memory_space<hbm>>
        %dma_start3A_26 = tpu.memref_squeeze %dma_start3A_25 : memref<1x80x128xi32, #tpu.memory_space<hbm>> -> memref<80x128xi32, #tpu.memory_space<hbm>>
        %dma_start3A_27 = arith.constant 0 : i32
        %dma_start3A_28 = arith.constant 0 : i32
        %dma_start3A_29 = tpu.memref_slice %arg9[%dma_start3A_27, %dma_start3A_28] : memref<80x128xi32, #tpu.memory_space<vmem>> -> memref<80x128xi32, #tpu.memory_space<vmem>>
        %dma_start3A_30 = arith.constant 0 : i32
        %dma_start3A_31 = arith.constant 0 : i32
        %dma_start3A_32 = tpu.memref_slice %arg3[%arg1, %dma_start3A_30, %dma_start3A_31] : memref<16x80x128xi32, #tpu.memory_space<hbm>> -> memref<1x80x128xi32, #tpu.memory_space<hbm>>
        %dma_start3A_33 = tpu.memref_squeeze %dma_start3A_32 : memref<1x80x128xi32, #tpu.memory_space<hbm>> -> memref<80x128xi32, #tpu.memory_space<hbm>>
        tpu.enqueue_dma source(%dma_start3A_33 : memref<80x128xi32, #tpu.memory_space<hbm>>) target(%dma_start3A_29 : memref<80x128xi32, #tpu.memory_space<vmem>>) target_semaphore(%run_scoped3A : memref<!tpu.dma_semaphore, #tpu.memory_space<semaphore_mem>>)
        %dma_wait3A = arith.constant 0 : i32
        %dma_wait3A_34 = arith.constant 0 : i32
        %dma_wait3A_35 = tpu.memref_slice %arg9[%dma_wait3A, %dma_wait3A_34] : memref<80x128xi32, #tpu.memory_space<vmem>> -> memref<80x128xi32, #tpu.memory_space<vmem>>
        %dma_wait3A_36 = arith.constant 0 : i32
        %dma_wait3A_37 = arith.constant 0 : i32
        %dma_wait3A_38 = tpu.memref_slice %arg3[%arg1, %dma_wait3A_36, %dma_wait3A_37] : memref<16x80x128xi32, #tpu.memory_space<hbm>> -> memref<1x80x128xi32, #tpu.memory_space<hbm>>
        %dma_wait3A_39 = tpu.memref_squeeze %dma_wait3A_38 : memref<1x80x128xi32, #tpu.memory_space<hbm>> -> memref<80x128xi32, #tpu.memory_space<hbm>>
        %dma_wait3A_40 = arith.constant 0 : i32
        %dma_wait3A_41 = arith.constant 0 : i32
        %dma_wait3A_42 = tpu.memref_slice %arg9[%dma_wait3A_40, %dma_wait3A_41] : memref<80x128xi32, #tpu.memory_space<vmem>> -> memref<80x128xi32, #tpu.memory_space<vmem>>
        %dma_wait3A_43 = arith.constant 0 : i32
        %dma_wait3A_44 = arith.constant 0 : i32
        %dma_wait3A_45 = tpu.memref_slice %arg3[%arg1, %dma_wait3A_43, %dma_wait3A_44] : memref<16x80x128xi32, #tpu.memory_space<hbm>> -> memref<1x80x128xi32, #tpu.memory_space<hbm>>
        %dma_wait3A_46 = tpu.memref_squeeze %dma_wait3A_45 : memref<1x80x128xi32, #tpu.memory_space<hbm>> -> memref<80x128xi32, #tpu.memory_space<hbm>>
        tpu.wait_dma2 semaphore(%run_scoped3A : memref<!tpu.dma_semaphore, #tpu.memory_space<semaphore_mem>>) src(%dma_wait3A_46 : memref<80x128xi32, #tpu.memory_space<hbm>>) dst(%dma_wait3A_42 : memref<80x128xi32, #tpu.memory_space<vmem>>)
        tpu.yield
      }) : () -> ()
      "tpu.region"() ({
        %run_scoped3A = tpu.sem_alloc : memref<!tpu.dma_semaphore, #tpu.memory_space<semaphore_mem>>
        %dma_start3A = arith.constant 0 : i32
        %dma_start3A_21 = arith.constant 0 : i32
        %dma_start3A_22 = tpu.memref_slice %arg10[%dma_start3A, %dma_start3A_21] : memref<80x128xi32, #tpu.memory_space<vmem>> -> memref<80x128xi32, #tpu.memory_space<vmem>>
        %dma_start3A_23 = arith.constant 0 : i32
        %dma_start3A_24 = arith.constant 0 : i32
        %dma_start3A_25 = tpu.memref_slice %arg4[%arg1, %dma_start3A_23, %dma_start3A_24] : memref<16x80x128xi32, #tpu.memory_space<hbm>> -> memref<1x80x128xi32, #tpu.memory_space<hbm>>
        %dma_start3A_26 = tpu.memref_squeeze %dma_start3A_25 : memref<1x80x128xi32, #tpu.memory_space<hbm>> -> memref<80x128xi32, #tpu.memory_space<hbm>>
        %dma_start3A_27 = arith.constant 0 : i32
        %dma_start3A_28 = arith.constant 0 : i32
        %dma_start3A_29 = tpu.memref_slice %arg10[%dma_start3A_27, %dma_start3A_28] : memref<80x128xi32, #tpu.memory_space<vmem>> -> memref<80x128xi32, #tpu.memory_space<vmem>>
        %dma_start3A_30 = arith.constant 0 : i32
        %dma_start3A_31 = arith.constant 0 : i32
        %dma_start3A_32 = tpu.memref_slice %arg4[%arg1, %dma_start3A_30, %dma_start3A_31] : memref<16x80x128xi32, #tpu.memory_space<hbm>> -> memref<1x80x128xi32, #tpu.memory_space<hbm>>
        %dma_start3A_33 = tpu.memref_squeeze %dma_start3A_32 : memref<1x80x128xi32, #tpu.memory_space<hbm>> -> memref<80x128xi32, #tpu.memory_space<hbm>>
        tpu.enqueue_dma source(%dma_start3A_33 : memref<80x128xi32, #tpu.memory_space<hbm>>) target(%dma_start3A_29 : memref<80x128xi32, #tpu.memory_space<vmem>>) target_semaphore(%run_scoped3A : memref<!tpu.dma_semaphore, #tpu.memory_space<semaphore_mem>>)
        %dma_wait3A = arith.constant 0 : i32
        %dma_wait3A_34 = arith.constant 0 : i32
        %dma_wait3A_35 = tpu.memref_slice %arg10[%dma_wait3A, %dma_wait3A_34] : memref<80x128xi32, #tpu.memory_space<vmem>> -> memref<80x128xi32, #tpu.memory_space<vmem>>
        %dma_wait3A_36 = arith.constant 0 : i32
        %dma_wait3A_37 = arith.constant 0 : i32
        %dma_wait3A_38 = tpu.memref_slice %arg4[%arg1, %dma_wait3A_36, %dma_wait3A_37] : memref<16x80x128xi32, #tpu.memory_space<hbm>> -> memref<1x80x128xi32, #tpu.memory_space<hbm>>
        %dma_wait3A_39 = tpu.memref_squeeze %dma_wait3A_38 : memref<1x80x128xi32, #tpu.memory_space<hbm>> -> memref<80x128xi32, #tpu.memory_space<hbm>>
        %dma_wait3A_40 = arith.constant 0 : i32
        %dma_wait3A_41 = arith.constant 0 : i32
        %dma_wait3A_42 = tpu.memref_slice %arg10[%dma_wait3A_40, %dma_wait3A_41] : memref<80x128xi32, #tpu.memory_space<vmem>> -> memref<80x128xi32, #tpu.memory_space<vmem>>
        %dma_wait3A_43 = arith.constant 0 : i32
        %dma_wait3A_44 = arith.constant 0 : i32
        %dma_wait3A_45 = tpu.memref_slice %arg4[%arg1, %dma_wait3A_43, %dma_wait3A_44] : memref<16x80x128xi32, #tpu.memory_space<hbm>> -> memref<1x80x128xi32, #tpu.memory_space<hbm>>
        %dma_wait3A_46 = tpu.memref_squeeze %dma_wait3A_45 : memref<1x80x128xi32, #tpu.memory_space<hbm>> -> memref<80x128xi32, #tpu.memory_space<hbm>>
        tpu.wait_dma2 semaphore(%run_scoped3A : memref<!tpu.dma_semaphore, #tpu.memory_space<semaphore_mem>>) src(%dma_wait3A_46 : memref<80x128xi32, #tpu.memory_space<hbm>>) dst(%dma_wait3A_42 : memref<80x128xi32, #tpu.memory_space<vmem>>)
        tpu.yield
      }) : () -> ()
    } else {
    }
    %eq3A_3 = arith.constant 1 : i32
    %eq3A_4 = arith.cmpi eq, %arg0, %eq3A_3 : i32
    %convert_element_type3A_5 = arith.extui %eq3A_4 : i1 to i32
    %cond3A_6 = arith.constant 0 : i32
    %cond3A_7 = arith.cmpi ne, %convert_element_type3A_5, %cond3A_6 : i32
    scf.if %cond3A_7 {
      "tpu.region"() ({
        %run_scoped3A = tpu.sem_alloc : memref<!tpu.dma_semaphore, #tpu.memory_space<semaphore_mem>>
        %dma_start3A = arith.constant 0 : i32
        %dma_start3A_21 = arith.constant 0 : i32
        %dma_start3A_22 = tpu.memref_slice %arg9[%dma_start3A, %dma_start3A_21] : memref<80x128xi32, #tpu.memory_space<vmem>> -> memref<77x128xi32, #tpu.memory_space<vmem>>
        %dma_start3A_23 = arith.constant 0 : i32
        %dma_start3A_24 = arith.constant 0 : i32
        %dma_start3A_25 = tpu.memref_slice %arg5[%arg1, %dma_start3A_23, %dma_start3A_24] : memref<16x77x128xi32, #tpu.memory_space<hbm>> -> memref<1x77x128xi32, #tpu.memory_space<hbm>>
        %dma_start3A_26 = tpu.memref_squeeze %dma_start3A_25 : memref<1x77x128xi32, #tpu.memory_space<hbm>> -> memref<77x128xi32, #tpu.memory_space<hbm>>
        %dma_start3A_27 = arith.constant 0 : i32
        %dma_start3A_28 = arith.constant 0 : i32
        %dma_start3A_29 = tpu.memref_slice %arg9[%dma_start3A_27, %dma_start3A_28] : memref<80x128xi32, #tpu.memory_space<vmem>> -> memref<77x128xi32, #tpu.memory_space<vmem>>
        %dma_start3A_30 = arith.constant 0 : i32
        %dma_start3A_31 = arith.constant 0 : i32
        %dma_start3A_32 = tpu.memref_slice %arg5[%arg1, %dma_start3A_30, %dma_start3A_31] : memref<16x77x128xi32, #tpu.memory_space<hbm>> -> memref<1x77x128xi32, #tpu.memory_space<hbm>>
        %dma_start3A_33 = tpu.memref_squeeze %dma_start3A_32 : memref<1x77x128xi32, #tpu.memory_space<hbm>> -> memref<77x128xi32, #tpu.memory_space<hbm>>
        tpu.enqueue_dma source(%dma_start3A_33 : memref<77x128xi32, #tpu.memory_space<hbm>>) target(%dma_start3A_29 : memref<77x128xi32, #tpu.memory_space<vmem>>) target_semaphore(%run_scoped3A : memref<!tpu.dma_semaphore, #tpu.memory_space<semaphore_mem>>)
        %dma_wait3A = arith.constant 0 : i32
        %dma_wait3A_34 = arith.constant 0 : i32
        %dma_wait3A_35 = tpu.memref_slice %arg9[%dma_wait3A, %dma_wait3A_34] : memref<80x128xi32, #tpu.memory_space<vmem>> -> memref<77x128xi32, #tpu.memory_space<vmem>>
        %dma_wait3A_36 = arith.constant 0 : i32
        %dma_wait3A_37 = arith.constant 0 : i32
        %dma_wait3A_38 = tpu.memref_slice %arg5[%arg1, %dma_wait3A_36, %dma_wait3A_37] : memref<16x77x128xi32, #tpu.memory_space<hbm>> -> memref<1x77x128xi32, #tpu.memory_space<hbm>>
        %dma_wait3A_39 = tpu.memref_squeeze %dma_wait3A_38 : memref<1x77x128xi32, #tpu.memory_space<hbm>> -> memref<77x128xi32, #tpu.memory_space<hbm>>
        %dma_wait3A_40 = arith.constant 0 : i32
        %dma_wait3A_41 = arith.constant 0 : i32
        %dma_wait3A_42 = tpu.memref_slice %arg9[%dma_wait3A_40, %dma_wait3A_41] : memref<80x128xi32, #tpu.memory_space<vmem>> -> memref<77x128xi32, #tpu.memory_space<vmem>>
        %dma_wait3A_43 = arith.constant 0 : i32
        %dma_wait3A_44 = arith.constant 0 : i32
        %dma_wait3A_45 = tpu.memref_slice %arg5[%arg1, %dma_wait3A_43, %dma_wait3A_44] : memref<16x77x128xi32, #tpu.memory_space<hbm>> -> memref<1x77x128xi32, #tpu.memory_space<hbm>>
        %dma_wait3A_46 = tpu.memref_squeeze %dma_wait3A_45 : memref<1x77x128xi32, #tpu.memory_space<hbm>> -> memref<77x128xi32, #tpu.memory_space<hbm>>
        tpu.wait_dma2 semaphore(%run_scoped3A : memref<!tpu.dma_semaphore, #tpu.memory_space<semaphore_mem>>) src(%dma_wait3A_46 : memref<77x128xi32, #tpu.memory_space<hbm>>) dst(%dma_wait3A_42 : memref<77x128xi32, #tpu.memory_space<vmem>>)
        tpu.yield
      }) : () -> ()
      "tpu.region"() ({
        %run_scoped3A = tpu.sem_alloc : memref<!tpu.dma_semaphore, #tpu.memory_space<semaphore_mem>>
        %dma_start3A = arith.constant 0 : i32
        %dma_start3A_21 = arith.constant 0 : i32
        %dma_start3A_22 = tpu.memref_slice %arg10[%dma_start3A, %dma_start3A_21] : memref<80x128xi32, #tpu.memory_space<vmem>> -> memref<77x128xi32, #tpu.memory_space<vmem>>
        %dma_start3A_23 = arith.constant 0 : i32
        %dma_start3A_24 = arith.constant 0 : i32
        %dma_start3A_25 = tpu.memref_slice %arg6[%arg1, %dma_start3A_23, %dma_start3A_24] : memref<16x77x128xi32, #tpu.memory_space<hbm>> -> memref<1x77x128xi32, #tpu.memory_space<hbm>>
        %dma_start3A_26 = tpu.memref_squeeze %dma_start3A_25 : memref<1x77x128xi32, #tpu.memory_space<hbm>> -> memref<77x128xi32, #tpu.memory_space<hbm>>
        %dma_start3A_27 = arith.constant 0 : i32
        %dma_start3A_28 = arith.constant 0 : i32
        %dma_start3A_29 = tpu.memref_slice %arg10[%dma_start3A_27, %dma_start3A_28] : memref<80x128xi32, #tpu.memory_space<vmem>> -> memref<77x128xi32, #tpu.memory_space<vmem>>
        %dma_start3A_30 = arith.constant 0 : i32
        %dma_start3A_31 = arith.constant 0 : i32
        %dma_start3A_32 = tpu.memref_slice %arg6[%arg1, %dma_start3A_30, %dma_start3A_31] : memref<16x77x128xi32, #tpu.memory_space<hbm>> -> memref<1x77x128xi32, #tpu.memory_space<hbm>>
        %dma_start3A_33 = tpu.memref_squeeze %dma_start3A_32 : memref<1x77x128xi32, #tpu.memory_space<hbm>> -> memref<77x128xi32, #tpu.memory_space<hbm>>
        tpu.enqueue_dma source(%dma_start3A_33 : memref<77x128xi32, #tpu.memory_space<hbm>>) target(%dma_start3A_29 : memref<77x128xi32, #tpu.memory_space<vmem>>) target_semaphore(%run_scoped3A : memref<!tpu.dma_semaphore, #tpu.memory_space<semaphore_mem>>)
        %dma_wait3A = arith.constant 0 : i32
        %dma_wait3A_34 = arith.constant 0 : i32
        %dma_wait3A_35 = tpu.memref_slice %arg10[%dma_wait3A, %dma_wait3A_34] : memref<80x128xi32, #tpu.memory_space<vmem>> -> memref<77x128xi32, #tpu.memory_space<vmem>>
        %dma_wait3A_36 = arith.constant 0 : i32
        %dma_wait3A_37 = arith.constant 0 : i32
        %dma_wait3A_38 = tpu.memref_slice %arg6[%arg1, %dma_wait3A_36, %dma_wait3A_37] : memref<16x77x128xi32, #tpu.memory_space<hbm>> -> memref<1x77x128xi32, #tpu.memory_space<hbm>>
        %dma_wait3A_39 = tpu.memref_squeeze %dma_wait3A_38 : memref<1x77x128xi32, #tpu.memory_space<hbm>> -> memref<77x128xi32, #tpu.memory_space<hbm>>
        %dma_wait3A_40 = arith.constant 0 : i32
        %dma_wait3A_41 = arith.constant 0 : i32
        %dma_wait3A_42 = tpu.memref_slice %arg10[%dma_wait3A_40, %dma_wait3A_41] : memref<80x128xi32, #tpu.memory_space<vmem>> -> memref<77x128xi32, #tpu.memory_space<vmem>>
        %dma_wait3A_43 = arith.constant 0 : i32
        %dma_wait3A_44 = arith.constant 0 : i32
        %dma_wait3A_45 = tpu.memref_slice %arg6[%arg1, %dma_wait3A_43, %dma_wait3A_44] : memref<16x77x128xi32, #tpu.memory_space<hbm>> -> memref<1x77x128xi32, #tpu.memory_space<hbm>>
        %dma_wait3A_46 = tpu.memref_squeeze %dma_wait3A_45 : memref<1x77x128xi32, #tpu.memory_space<hbm>> -> memref<77x128xi32, #tpu.memory_space<hbm>>
        tpu.wait_dma2 semaphore(%run_scoped3A : memref<!tpu.dma_semaphore, #tpu.memory_space<semaphore_mem>>) src(%dma_wait3A_46 : memref<77x128xi32, #tpu.memory_space<hbm>>) dst(%dma_wait3A_42 : memref<77x128xi32, #tpu.memory_space<vmem>>)
        tpu.yield
      }) : () -> ()
    } else {
    }
    %barrier3A = arith.constant 0 : index
    tpu.barrier barrier_id(%barrier3A)
    %eq3A_8 = arith.constant 0 : i32
    %eq3A_9 = arith.cmpi eq, %arg0, %eq3A_8 : i32
    %jit3A = arith.constant 80 : i32
    %jit3A_10 = arith.constant 77 : i32
    %select_n3A = arith.select %eq3A_9, %jit3A, %jit3A_10 : i32
    %while3A = arith.constant 0 : i32
    %while3A_11 = arith.constant 0 : i32
    %while3A_12 = arith.subi %select_n3A, %while3A_11 : i32
    %while3A_13 = arith.addi %while3A_11, %while3A_12 : i32
    %while3A_14 = arith.constant 1 : i32
    %while3A_15 = arith.divsi %while3A_12, %while3A_14 : i32
    %while3A_16 = arith.muli %while3A_15, %while3A_14 : i32
    %while3A_17 = arith.addi %while3A_11, %while3A_16 : i32
    %while3A_18 = arith.constant 1 : i32
    scf.for %while3A_21 = %while3A_11 to %while3A_17 step %while3A_18  : i32 {
      "tpu.region"() ({
        %run_scoped3A = tpu.sem_alloc : memref<!tpu.dma_semaphore, #tpu.memory_space<semaphore_mem>>
        %dma_start3A = arith.constant 0 : i32
        %dma_start3A_22 = tpu.memref_slice %arg9[%while3A_21, %dma_start3A] : memref<80x128xi32, #tpu.memory_space<vmem>> -> memref<1x128xi32, #tpu.memory_space<vmem>>
        %dma_start3A_23 = tpu.memref_squeeze %dma_start3A_22 : memref<1x128xi32, #tpu.memory_space<vmem>> -> memref<128xi32, #tpu.memory_space<vmem>>
        %dma_start3A_24 = arith.constant 0 : i32
        %dma_start3A_25 = arith.constant 0 : i32
        %dma_start3A_26 = tpu.memref_slice %arg2[%dma_start3A_24, %dma_start3A_25] : memref<10240x128xf32, #tpu.memory_space<hbm>> -> memref<10240x128xf32, #tpu.memory_space<hbm>>
        tpu.enqueue_indirect_dma source(%dma_start3A_26 : memref<10240x128xf32, #tpu.memory_space<hbm>>) target(%arg11 : memref<128x128xf32, #tpu.memory_space<vmem>>) offsets(%dma_start3A_23 : memref<128xi32, #tpu.memory_space<vmem>>) semaphore(%run_scoped3A : memref<!tpu.dma_semaphore, #tpu.memory_space<semaphore_mem>>)
        %dma_wait3A = arith.constant 0 : i32
        %dma_wait3A_27 = tpu.memref_slice %arg9[%while3A_21, %dma_wait3A] : memref<80x128xi32, #tpu.memory_space<vmem>> -> memref<1x128xi32, #tpu.memory_space<vmem>>
        %dma_wait3A_28 = tpu.memref_squeeze %dma_wait3A_27 : memref<1x128xi32, #tpu.memory_space<vmem>> -> memref<128xi32, #tpu.memory_space<vmem>>
        %dma_wait3A_29 = arith.constant 0 : i32
        %dma_wait3A_30 = arith.constant 0 : i32
        %dma_wait3A_31 = tpu.memref_slice %arg2[%dma_wait3A_29, %dma_wait3A_30] : memref<10240x128xf32, #tpu.memory_space<hbm>> -> memref<10240x128xf32, #tpu.memory_space<hbm>>
        tpu.wait_indirect_dma semaphore(%run_scoped3A : memref<!tpu.dma_semaphore, #tpu.memory_space<semaphore_mem>>) src(%dma_wait3A_31 : memref<10240x128xf32, #tpu.memory_space<hbm>>) dst(%arg11 : memref<128x128xf32, #tpu.memory_space<vmem>>)
        tpu.yield
      }) : () -> ()
      "tpu.region"() ({
        %run_scoped3A = tpu.sem_alloc : memref<!tpu.dma_semaphore, #tpu.memory_space<semaphore_mem>>
        %dma_start3A = arith.constant 0 : i32
        %dma_start3A_22 = tpu.memref_slice %arg10[%while3A_21, %dma_start3A] : memref<80x128xi32, #tpu.memory_space<vmem>> -> memref<1x128xi32, #tpu.memory_space<vmem>>
        %dma_start3A_23 = tpu.memref_squeeze %dma_start3A_22 : memref<1x128xi32, #tpu.memory_space<vmem>> -> memref<128xi32, #tpu.memory_space<vmem>>
        %dma_start3A_24 = arith.constant 0 : i32
        %dma_start3A_25 = arith.constant 0 : i32
        %dma_start3A_26 = tpu.memref_slice %arg12[%dma_start3A_24, %dma_start3A_25] : memref<10240x128xf32, #tpu.memory_space<vmem_shared>> -> memref<10240x128xf32, #tpu.memory_space<vmem_shared>>
        tpu.enqueue_indirect_dma source(%arg11 : memref<128x128xf32, #tpu.memory_space<vmem>>) target(%dma_start3A_26 : memref<10240x128xf32, #tpu.memory_space<vmem_shared>>) offsets(%dma_start3A_23 : memref<128xi32, #tpu.memory_space<vmem>>) semaphore(%run_scoped3A : memref<!tpu.dma_semaphore, #tpu.memory_space<semaphore_mem>>) {add = true}
        %dma_wait3A = arith.constant 0 : i32
        %dma_wait3A_27 = tpu.memref_slice %arg10[%while3A_21, %dma_wait3A] : memref<80x128xi32, #tpu.memory_space<vmem>> -> memref<1x128xi32, #tpu.memory_space<vmem>>
        %dma_wait3A_28 = tpu.memref_squeeze %dma_wait3A_27 : memref<1x128xi32, #tpu.memory_space<vmem>> -> memref<128xi32, #tpu.memory_space<vmem>>
        %dma_wait3A_29 = arith.constant 0 : i32
        %dma_wait3A_30 = arith.constant 0 : i32
        %dma_wait3A_31 = tpu.memref_slice %arg12[%dma_wait3A_29, %dma_wait3A_30] : memref<10240x128xf32, #tpu.memory_space<vmem_shared>> -> memref<10240x128xf32, #tpu.memory_space<vmem_shared>>
        tpu.wait_indirect_dma semaphore(%run_scoped3A : memref<!tpu.dma_semaphore, #tpu.memory_space<semaphore_mem>>) src(%arg11 : memref<128x128xf32, #tpu.memory_space<vmem>>) dst(%dma_wait3A_31 : memref<10240x128xf32, #tpu.memory_space<vmem_shared>>)
        tpu.yield
      }) : () -> ()
    }
    %while3A_19 = arith.constant 1 : i32
    scf.for %while3A_21 = %while3A_17 to %while3A_13 step %while3A_19  : i32 {
      "tpu.region"() ({
        %run_scoped3A = tpu.sem_alloc : memref<!tpu.dma_semaphore, #tpu.memory_space<semaphore_mem>>
        %dma_start3A = arith.constant 0 : i32
        %dma_start3A_22 = tpu.memref_slice %arg9[%while3A_21, %dma_start3A] : memref<80x128xi32, #tpu.memory_space<vmem>> -> memref<1x128xi32, #tpu.memory_space<vmem>>
        %dma_start3A_23 = tpu.memref_squeeze %dma_start3A_22 : memref<1x128xi32, #tpu.memory_space<vmem>> -> memref<128xi32, #tpu.memory_space<vmem>>
        %dma_start3A_24 = arith.constant 0 : i32
        %dma_start3A_25 = arith.constant 0 : i32
        %dma_start3A_26 = tpu.memref_slice %arg2[%dma_start3A_24, %dma_start3A_25] : memref<10240x128xf32, #tpu.memory_space<hbm>> -> memref<10240x128xf32, #tpu.memory_space<hbm>>
        tpu.enqueue_indirect_dma source(%dma_start3A_26 : memref<10240x128xf32, #tpu.memory_space<hbm>>) target(%arg11 : memref<128x128xf32, #tpu.memory_space<vmem>>) offsets(%dma_start3A_23 : memref<128xi32, #tpu.memory_space<vmem>>) semaphore(%run_scoped3A : memref<!tpu.dma_semaphore, #tpu.memory_space<semaphore_mem>>)
        %dma_wait3A = arith.constant 0 : i32
        %dma_wait3A_27 = tpu.memref_slice %arg9[%while3A_21, %dma_wait3A] : memref<80x128xi32, #tpu.memory_space<vmem>> -> memref<1x128xi32, #tpu.memory_space<vmem>>
        %dma_wait3A_28 = tpu.memref_squeeze %dma_wait3A_27 : memref<1x128xi32, #tpu.memory_space<vmem>> -> memref<128xi32, #tpu.memory_space<vmem>>
        %dma_wait3A_29 = arith.constant 0 : i32
        %dma_wait3A_30 = arith.constant 0 : i32
        %dma_wait3A_31 = tpu.memref_slice %arg2[%dma_wait3A_29, %dma_wait3A_30] : memref<10240x128xf32, #tpu.memory_space<hbm>> -> memref<10240x128xf32, #tpu.memory_space<hbm>>
        tpu.wait_indirect_dma semaphore(%run_scoped3A : memref<!tpu.dma_semaphore, #tpu.memory_space<semaphore_mem>>) src(%dma_wait3A_31 : memref<10240x128xf32, #tpu.memory_space<hbm>>) dst(%arg11 : memref<128x128xf32, #tpu.memory_space<vmem>>)
        tpu.yield
      }) : () -> ()
      "tpu.region"() ({
        %run_scoped3A = tpu.sem_alloc : memref<!tpu.dma_semaphore, #tpu.memory_space<semaphore_mem>>
        %dma_start3A = arith.constant 0 : i32
        %dma_start3A_22 = tpu.memref_slice %arg10[%while3A_21, %dma_start3A] : memref<80x128xi32, #tpu.memory_space<vmem>> -> memref<1x128xi32, #tpu.memory_space<vmem>>
        %dma_start3A_23 = tpu.memref_squeeze %dma_start3A_22 : memref<1x128xi32, #tpu.memory_space<vmem>> -> memref<128xi32, #tpu.memory_space<vmem>>
        %dma_start3A_24 = arith.constant 0 : i32
        %dma_start3A_25 = arith.constant 0 : i32
        %dma_start3A_26 = tpu.memref_slice %arg12[%dma_start3A_24, %dma_start3A_25] : memref<10240x128xf32, #tpu.memory_space<vmem_shared>> -> memref<10240x128xf32, #tpu.memory_space<vmem_shared>>
        tpu.enqueue_indirect_dma source(%arg11 : memref<128x128xf32, #tpu.memory_space<vmem>>) target(%dma_start3A_26 : memref<10240x128xf32, #tpu.memory_space<vmem_shared>>) offsets(%dma_start3A_23 : memref<128xi32, #tpu.memory_space<vmem>>) semaphore(%run_scoped3A : memref<!tpu.dma_semaphore, #tpu.memory_space<semaphore_mem>>) {add = true}
        %dma_wait3A = arith.constant 0 : i32
        %dma_wait3A_27 = tpu.memref_slice %arg10[%while3A_21, %dma_wait3A] : memref<80x128xi32, #tpu.memory_space<vmem>> -> memref<1x128xi32, #tpu.memory_space<vmem>>
        %dma_wait3A_28 = tpu.memref_squeeze %dma_wait3A_27 : memref<1x128xi32, #tpu.memory_space<vmem>> -> memref<128xi32, #tpu.memory_space<vmem>>
        %dma_wait3A_29 = arith.constant 0 : i32
        %dma_wait3A_30 = arith.constant 0 : i32
        %dma_wait3A_31 = tpu.memref_slice %arg12[%dma_wait3A_29, %dma_wait3A_30] : memref<10240x128xf32, #tpu.memory_space<vmem_shared>> -> memref<10240x128xf32, #tpu.memory_space<vmem_shared>>
        tpu.wait_indirect_dma semaphore(%run_scoped3A : memref<!tpu.dma_semaphore, #tpu.memory_space<semaphore_mem>>) src(%arg11 : memref<128x128xf32, #tpu.memory_space<vmem>>) dst(%dma_wait3A_31 : memref<10240x128xf32, #tpu.memory_space<vmem_shared>>)
        tpu.yield
      }) : () -> ()
    }
    %barrier3A_20 = arith.constant 0 : index
    tpu.barrier barrier_id(%barrier3A_20)
    "tpu.region"() ({
      %run_scoped3A = tpu.sem_alloc : memref<!tpu.dma_semaphore, #tpu.memory_space<semaphore_mem>>
      %dma_start3A = arith.constant 0 : i32
      %dma_start3A_21 = arith.constant 0 : i32
      %dma_start3A_22 = tpu.memref_slice %arg8[%arg0, %dma_start3A, %dma_start3A_21] : memref<2x10240x128xf32, #tpu.memory_space<hbm>> -> memref<1x10240x128xf32, #tpu.memory_space<hbm>>
      %dma_start3A_23 = tpu.memref_squeeze %dma_start3A_22 : memref<1x10240x128xf32, #tpu.memory_space<hbm>> -> memref<10240x128xf32, #tpu.memory_space<hbm>>
      %dma_start3A_24 = arith.constant 0 : i32
      %dma_start3A_25 = tpu.memref_slice %dma_start3A_23[%mul3A_0, %dma_start3A_24] : memref<10240x128xf32, #tpu.memory_space<hbm>> -> memref<640x128xf32, #tpu.memory_space<hbm>>
      %dma_start3A_26 = arith.constant 0 : i32
      %dma_start3A_27 = tpu.memref_slice %arg12[%mul3A_0, %dma_start3A_26] : memref<10240x128xf32, #tpu.memory_space<vmem_shared>> -> memref<640x128xf32, #tpu.memory_space<vmem_shared>>
      tpu.enqueue_dma source(%dma_start3A_27 : memref<640x128xf32, #tpu.memory_space<vmem_shared>>) target(%dma_start3A_25 : memref<640x128xf32, #tpu.memory_space<hbm>>) target_semaphore(%run_scoped3A : memref<!tpu.dma_semaphore, #tpu.memory_space<semaphore_mem>>)
      %dma_wait3A = arith.constant 0 : i32
      %dma_wait3A_28 = arith.constant 0 : i32
      %dma_wait3A_29 = tpu.memref_slice %arg8[%arg0, %dma_wait3A, %dma_wait3A_28] : memref<2x10240x128xf32, #tpu.memory_space<hbm>> -> memref<1x10240x128xf32, #tpu.memory_space<hbm>>
      %dma_wait3A_30 = tpu.memref_squeeze %dma_wait3A_29 : memref<1x10240x128xf32, #tpu.memory_space<hbm>> -> memref<10240x128xf32, #tpu.memory_space<hbm>>
      %dma_wait3A_31 = arith.constant 0 : i32
      %dma_wait3A_32 = tpu.memref_slice %dma_wait3A_30[%mul3A_0, %dma_wait3A_31] : memref<10240x128xf32, #tpu.memory_space<hbm>> -> memref<640x128xf32, #tpu.memory_space<hbm>>
      %dma_wait3A_33 = arith.constant 0 : i32
      %dma_wait3A_34 = tpu.memref_slice %arg12[%mul3A_0, %dma_wait3A_33] : memref<10240x128xf32, #tpu.memory_space<vmem_shared>> -> memref<640x128xf32, #tpu.memory_space<vmem_shared>>
      tpu.wait_dma2 semaphore(%run_scoped3A : memref<!tpu.dma_semaphore, #tpu.memory_space<semaphore_mem>>) src(%dma_wait3A_34 : memref<640x128xf32, #tpu.memory_space<vmem_shared>>) dst(%dma_wait3A_32 : memref<640x128xf32, #tpu.memory_space<hbm>>)
      tpu.yield
    }) : () -> ()
    return
  }
}

#map = affine_map<(d0, d1) -> (0, 0, 0)>
#map1 = affine_map<(d0, d1) -> (0)>
#map2 = affine_map<(d0, d1) -> (0, 0)>
module attributes {stable_mosaic.version = 14 : i64} {
  func.func @_sc_deg_body(%arg0: i32, %arg1: i32, %arg2: memref<32x79x128xi32, #tpu.memory_space<hbm>>, %arg3: memref<128xf32, #tpu.memory_space<hbm>>, %arg4: memref<10240xf32, #tpu.memory_space<hbm>>, %arg5: memref<2x10240xf32, #tpu.memory_space<hbm>>, %arg6: memref<79x128xi32, #tpu.memory_space<vmem>>, %arg7: memref<128xf32, #tpu.memory_space<vmem>>, %arg8: memref<10240xf32, #tpu.memory_space<vmem_shared>>) attributes {dimension_semantics = [#tpu.dimension_semantics<core_parallel>, #tpu.dimension_semantics<subcore_parallel>], iteration_bounds = array<i64: 2, 16>, scalar_prefetch = 0 : i64, scratch_operands = 3 : i64, tpu.core_type = #tpu.core_type<sc_vector_subcore>, window_params = [{transform_indices = #map}, {transform_indices = #map1}, {transform_indices = #map1}, {transform_indices = #map2}]} {
    %mul3A = arith.constant 16 : i32
    %mul3A_0 = arith.muli %arg0, %mul3A : i32
    %add3A = arith.addi %mul3A_0, %arg1 : i32
    %mul3A_1 = arith.constant 640 : i32
    %mul3A_2 = arith.muli %arg1, %mul3A_1 : i32
    "tpu.region"() ({
      %run_scoped3A = tpu.sem_alloc : memref<!tpu.dma_semaphore, #tpu.memory_space<semaphore_mem>>
      %dma_start3A = tpu.memref_slice %arg8[%mul3A_2] : memref<10240xf32, #tpu.memory_space<vmem_shared>> -> memref<640xf32, #tpu.memory_space<vmem_shared>>
      %dma_start3A_9 = tpu.memref_slice %arg4[%mul3A_2] : memref<10240xf32, #tpu.memory_space<hbm>> -> memref<640xf32, #tpu.memory_space<hbm>>
      tpu.enqueue_dma source(%dma_start3A_9 : memref<640xf32, #tpu.memory_space<hbm>>) target(%dma_start3A : memref<640xf32, #tpu.memory_space<vmem_shared>>) target_semaphore(%run_scoped3A : memref<!tpu.dma_semaphore, #tpu.memory_space<semaphore_mem>>)
      %dma_wait3A = tpu.memref_slice %arg8[%mul3A_2] : memref<10240xf32, #tpu.memory_space<vmem_shared>> -> memref<640xf32, #tpu.memory_space<vmem_shared>>
      %dma_wait3A_10 = tpu.memref_slice %arg4[%mul3A_2] : memref<10240xf32, #tpu.memory_space<hbm>> -> memref<640xf32, #tpu.memory_space<hbm>>
      tpu.wait_dma2 semaphore(%run_scoped3A : memref<!tpu.dma_semaphore, #tpu.memory_space<semaphore_mem>>) src(%dma_wait3A_10 : memref<640xf32, #tpu.memory_space<hbm>>) dst(%dma_wait3A : memref<640xf32, #tpu.memory_space<vmem_shared>>)
      tpu.yield
    }) : () -> ()
    "tpu.region"() ({
      %run_scoped3A = tpu.sem_alloc : memref<!tpu.dma_semaphore, #tpu.memory_space<semaphore_mem>>
      %dma_start3A = arith.constant 0 : i32
      %dma_start3A_9 = arith.constant 0 : i32
      %dma_start3A_10 = tpu.memref_slice %arg2[%add3A, %dma_start3A, %dma_start3A_9] : memref<32x79x128xi32, #tpu.memory_space<hbm>> -> memref<1x79x128xi32, #tpu.memory_space<hbm>>
      %dma_start3A_11 = tpu.memref_squeeze %dma_start3A_10 : memref<1x79x128xi32, #tpu.memory_space<hbm>> -> memref<79x128xi32, #tpu.memory_space<hbm>>
      %dma_start3A_12 = arith.constant 0 : i32
      %dma_start3A_13 = arith.constant 0 : i32
      %dma_start3A_14 = tpu.memref_slice %arg2[%add3A, %dma_start3A_12, %dma_start3A_13] : memref<32x79x128xi32, #tpu.memory_space<hbm>> -> memref<1x79x128xi32, #tpu.memory_space<hbm>>
      %dma_start3A_15 = tpu.memref_squeeze %dma_start3A_14 : memref<1x79x128xi32, #tpu.memory_space<hbm>> -> memref<79x128xi32, #tpu.memory_space<hbm>>
      tpu.enqueue_dma source(%dma_start3A_15 : memref<79x128xi32, #tpu.memory_space<hbm>>) target(%arg6 : memref<79x128xi32, #tpu.memory_space<vmem>>) target_semaphore(%run_scoped3A : memref<!tpu.dma_semaphore, #tpu.memory_space<semaphore_mem>>)
      %dma_wait3A = arith.constant 0 : i32
      %dma_wait3A_16 = arith.constant 0 : i32
      %dma_wait3A_17 = tpu.memref_slice %arg2[%add3A, %dma_wait3A, %dma_wait3A_16] : memref<32x79x128xi32, #tpu.memory_space<hbm>> -> memref<1x79x128xi32, #tpu.memory_space<hbm>>
      %dma_wait3A_18 = tpu.memref_squeeze %dma_wait3A_17 : memref<1x79x128xi32, #tpu.memory_space<hbm>> -> memref<79x128xi32, #tpu.memory_space<hbm>>
      %dma_wait3A_19 = arith.constant 0 : i32
      %dma_wait3A_20 = arith.constant 0 : i32
      %dma_wait3A_21 = tpu.memref_slice %arg2[%add3A, %dma_wait3A_19, %dma_wait3A_20] : memref<32x79x128xi32, #tpu.memory_space<hbm>> -> memref<1x79x128xi32, #tpu.memory_space<hbm>>
      %dma_wait3A_22 = tpu.memref_squeeze %dma_wait3A_21 : memref<1x79x128xi32, #tpu.memory_space<hbm>> -> memref<79x128xi32, #tpu.memory_space<hbm>>
      tpu.wait_dma2 semaphore(%run_scoped3A : memref<!tpu.dma_semaphore, #tpu.memory_space<semaphore_mem>>) src(%dma_wait3A_22 : memref<79x128xi32, #tpu.memory_space<hbm>>) dst(%arg6 : memref<79x128xi32, #tpu.memory_space<vmem>>)
      tpu.yield
    }) : () -> ()
    "tpu.region"() ({
      %run_scoped3A = tpu.sem_alloc : memref<!tpu.dma_semaphore, #tpu.memory_space<semaphore_mem>>
      tpu.enqueue_dma source(%arg3 : memref<128xf32, #tpu.memory_space<hbm>>) target(%arg7 : memref<128xf32, #tpu.memory_space<vmem>>) target_semaphore(%run_scoped3A : memref<!tpu.dma_semaphore, #tpu.memory_space<semaphore_mem>>)
      tpu.wait_dma2 semaphore(%run_scoped3A : memref<!tpu.dma_semaphore, #tpu.memory_space<semaphore_mem>>) src(%arg3 : memref<128xf32, #tpu.memory_space<hbm>>) dst(%arg7 : memref<128xf32, #tpu.memory_space<vmem>>)
      tpu.yield
    }) : () -> ()
    %barrier3A = arith.constant 0 : index
    tpu.barrier barrier_id(%barrier3A)
    %scan3A = arith.constant 0 : i32
    %scan3A_3 = arith.constant 0 : i32
    %scan3A_4 = arith.constant 79 : i32
    %scan3A_5 = arith.addi %scan3A_3, %scan3A_4 : i32
    %scan3A_6 = arith.constant 1 : i32
    scf.for %scan3A_9 = %scan3A_3 to %scan3A_5 step %scan3A_6  : i32 {
      "tpu.region"() ({
        %run_scoped3A = tpu.sem_alloc : memref<!tpu.dma_semaphore, #tpu.memory_space<semaphore_mem>>
        %dma_start3A = arith.constant 0 : i32
        %dma_start3A_10 = tpu.memref_slice %arg6[%scan3A_9, %dma_start3A] : memref<79x128xi32, #tpu.memory_space<vmem>> -> memref<1x128xi32, #tpu.memory_space<vmem>>
        %dma_start3A_11 = tpu.memref_squeeze %dma_start3A_10 : memref<1x128xi32, #tpu.memory_space<vmem>> -> memref<128xi32, #tpu.memory_space<vmem>>
        %dma_start3A_12 = arith.constant 0 : i32
        %dma_start3A_13 = tpu.memref_slice %arg8[%dma_start3A_12] : memref<10240xf32, #tpu.memory_space<vmem_shared>> -> memref<10240xf32, #tpu.memory_space<vmem_shared>>
        tpu.enqueue_indirect_dma source(%arg7 : memref<128xf32, #tpu.memory_space<vmem>>) target(%dma_start3A_13 : memref<10240xf32, #tpu.memory_space<vmem_shared>>) offsets(%dma_start3A_11 : memref<128xi32, #tpu.memory_space<vmem>>) semaphore(%run_scoped3A : memref<!tpu.dma_semaphore, #tpu.memory_space<semaphore_mem>>) {add = true}
        %dma_wait3A = arith.constant 0 : i32
        %dma_wait3A_14 = tpu.memref_slice %arg6[%scan3A_9, %dma_wait3A] : memref<79x128xi32, #tpu.memory_space<vmem>> -> memref<1x128xi32, #tpu.memory_space<vmem>>
        %dma_wait3A_15 = tpu.memref_squeeze %dma_wait3A_14 : memref<1x128xi32, #tpu.memory_space<vmem>> -> memref<128xi32, #tpu.memory_space<vmem>>
        %dma_wait3A_16 = arith.constant 0 : i32
        %dma_wait3A_17 = tpu.memref_slice %arg8[%dma_wait3A_16] : memref<10240xf32, #tpu.memory_space<vmem_shared>> -> memref<10240xf32, #tpu.memory_space<vmem_shared>>
        tpu.wait_indirect_dma semaphore(%run_scoped3A : memref<!tpu.dma_semaphore, #tpu.memory_space<semaphore_mem>>) src(%arg7 : memref<128xf32, #tpu.memory_space<vmem>>) dst(%dma_wait3A_17 : memref<10240xf32, #tpu.memory_space<vmem_shared>>)
        tpu.yield
      }) : () -> ()
    }
    %scan3A_7 = arith.constant 79 : i32
    %barrier3A_8 = arith.constant 0 : index
    tpu.barrier barrier_id(%barrier3A_8)
    "tpu.region"() ({
      %run_scoped3A = tpu.sem_alloc : memref<!tpu.dma_semaphore, #tpu.memory_space<semaphore_mem>>
      %dma_start3A = arith.constant 0 : i32
      %dma_start3A_9 = tpu.memref_slice %arg5[%arg0, %dma_start3A] : memref<2x10240xf32, #tpu.memory_space<hbm>> -> memref<1x10240xf32, #tpu.memory_space<hbm>>
      %dma_start3A_10 = tpu.memref_squeeze %dma_start3A_9 : memref<1x10240xf32, #tpu.memory_space<hbm>> -> memref<10240xf32, #tpu.memory_space<hbm>>
      %dma_start3A_11 = tpu.memref_slice %dma_start3A_10[%mul3A_2] : memref<10240xf32, #tpu.memory_space<hbm>> -> memref<640xf32, #tpu.memory_space<hbm>>
      %dma_start3A_12 = tpu.memref_slice %arg8[%mul3A_2] : memref<10240xf32, #tpu.memory_space<vmem_shared>> -> memref<640xf32, #tpu.memory_space<vmem_shared>>
      tpu.enqueue_dma source(%dma_start3A_12 : memref<640xf32, #tpu.memory_space<vmem_shared>>) target(%dma_start3A_11 : memref<640xf32, #tpu.memory_space<hbm>>) target_semaphore(%run_scoped3A : memref<!tpu.dma_semaphore, #tpu.memory_space<semaphore_mem>>)
      %dma_wait3A = arith.constant 0 : i32
      %dma_wait3A_13 = tpu.memref_slice %arg5[%arg0, %dma_wait3A] : memref<2x10240xf32, #tpu.memory_space<hbm>> -> memref<1x10240xf32, #tpu.memory_space<hbm>>
      %dma_wait3A_14 = tpu.memref_squeeze %dma_wait3A_13 : memref<1x10240xf32, #tpu.memory_space<hbm>> -> memref<10240xf32, #tpu.memory_space<hbm>>
      %dma_wait3A_15 = tpu.memref_slice %dma_wait3A_14[%mul3A_2] : memref<10240xf32, #tpu.memory_space<hbm>> -> memref<640xf32, #tpu.memory_space<hbm>>
      %dma_wait3A_16 = tpu.memref_slice %arg8[%mul3A_2] : memref<10240xf32, #tpu.memory_space<vmem_shared>> -> memref<640xf32, #tpu.memory_space<vmem_shared>>
      tpu.wait_dma2 semaphore(%run_scoped3A : memref<!tpu.dma_semaphore, #tpu.memory_space<semaphore_mem>>) src(%dma_wait3A_16 : memref<640xf32, #tpu.memory_space<vmem_shared>>) dst(%dma_wait3A_15 : memref<640xf32, #tpu.memory_space<hbm>>)
      tpu.yield
    }) : () -> ()
    return
  }
}

#map = affine_map<(d0, d1) -> (0, 0)>
#map1 = affine_map<(d0, d1) -> (0, 0, 0)>
module attributes {stable_mosaic.version = 14 : i64} {
  func.func @_sc_spmv_body(%arg0: i32, %arg1: i32, %arg2: memref<10240x128xf32, #tpu.memory_space<hbm>>, %arg3: memref<16x80x128xi32, #tpu.memory_space<hbm>>, %arg4: memref<16x80x128xi32, #tpu.memory_space<hbm>>, %arg5: memref<16x77x128xi32, #tpu.memory_space<hbm>>, %arg6: memref<16x77x128xi32, #tpu.memory_space<hbm>>, %arg7: memref<10240x128xf32, #tpu.memory_space<hbm>>, %arg8: memref<2x10240x128xf32, #tpu.memory_space<hbm>>, %arg9: memref<80x128xi32, #tpu.memory_space<vmem>>, %arg10: memref<80x128xi32, #tpu.memory_space<vmem>>, %arg11: memref<128x128xf32, #tpu.memory_space<vmem>>, %arg12: memref<10240x128xf32, #tpu.memory_space<vmem_shared>>) attributes {dimension_semantics = [#tpu.dimension_semantics<core_parallel>, #tpu.dimension_semantics<subcore_parallel>], iteration_bounds = array<i64: 2, 16>, scalar_prefetch = 0 : i64, scratch_operands = 4 : i64, tpu.core_type = #tpu.core_type<sc_vector_subcore>, window_params = [{transform_indices = #map}, {transform_indices = #map1}, {transform_indices = #map1}, {transform_indices = #map1}, {transform_indices = #map1}, {transform_indices = #map}, {transform_indices = #map1}]} {
    %mul3A = arith.constant 640 : i32
    %mul3A_0 = arith.muli %arg1, %mul3A : i32
    "tpu.region"() ({
      %run_scoped3A = tpu.sem_alloc : memref<!tpu.dma_semaphore, #tpu.memory_space<semaphore_mem>>
      %dma_start3A = arith.constant 0 : i32
      %dma_start3A_21 = tpu.memref_slice %arg12[%mul3A_0, %dma_start3A] : memref<10240x128xf32, #tpu.memory_space<vmem_shared>> -> memref<640x128xf32, #tpu.memory_space<vmem_shared>>
      %dma_start3A_22 = arith.constant 0 : i32
      %dma_start3A_23 = tpu.memref_slice %arg7[%mul3A_0, %dma_start3A_22] : memref<10240x128xf32, #tpu.memory_space<hbm>> -> memref<640x128xf32, #tpu.memory_space<hbm>>
      tpu.enqueue_dma source(%dma_start3A_23 : memref<640x128xf32, #tpu.memory_space<hbm>>) target(%dma_start3A_21 : memref<640x128xf32, #tpu.memory_space<vmem_shared>>) target_semaphore(%run_scoped3A : memref<!tpu.dma_semaphore, #tpu.memory_space<semaphore_mem>>)
      %dma_wait3A = arith.constant 0 : i32
      %dma_wait3A_24 = tpu.memref_slice %arg12[%mul3A_0, %dma_wait3A] : memref<10240x128xf32, #tpu.memory_space<vmem_shared>> -> memref<640x128xf32, #tpu.memory_space<vmem_shared>>
      %dma_wait3A_25 = arith.constant 0 : i32
      %dma_wait3A_26 = tpu.memref_slice %arg7[%mul3A_0, %dma_wait3A_25] : memref<10240x128xf32, #tpu.memory_space<hbm>> -> memref<640x128xf32, #tpu.memory_space<hbm>>
      tpu.wait_dma2 semaphore(%run_scoped3A : memref<!tpu.dma_semaphore, #tpu.memory_space<semaphore_mem>>) src(%dma_wait3A_26 : memref<640x128xf32, #tpu.memory_space<hbm>>) dst(%dma_wait3A_24 : memref<640x128xf32, #tpu.memory_space<vmem_shared>>)
      tpu.yield
    }) : () -> ()
    %eq3A = arith.constant 0 : i32
    %eq3A_1 = arith.cmpi eq, %arg0, %eq3A : i32
    %convert_element_type3A = arith.extui %eq3A_1 : i1 to i32
    %cond3A = arith.constant 0 : i32
    %cond3A_2 = arith.cmpi ne, %convert_element_type3A, %cond3A : i32
    scf.if %cond3A_2 {
      "tpu.region"() ({
        %run_scoped3A = tpu.sem_alloc : memref<!tpu.dma_semaphore, #tpu.memory_space<semaphore_mem>>
        %dma_start3A = arith.constant 0 : i32
        %dma_start3A_21 = arith.constant 0 : i32
        %dma_start3A_22 = tpu.memref_slice %arg9[%dma_start3A, %dma_start3A_21] : memref<80x128xi32, #tpu.memory_space<vmem>> -> memref<80x128xi32, #tpu.memory_space<vmem>>
        %dma_start3A_23 = arith.constant 0 : i32
        %dma_start3A_24 = arith.constant 0 : i32
        %dma_start3A_25 = tpu.memref_slice %arg3[%arg1, %dma_start3A_23, %dma_start3A_24] : memref<16x80x128xi32, #tpu.memory_space<hbm>> -> memref<1x80x128xi32, #tpu.memory_space<hbm>>
        %dma_start3A_26 = tpu.memref_squeeze %dma_start3A_25 : memref<1x80x128xi32, #tpu.memory_space<hbm>> -> memref<80x128xi32, #tpu.memory_space<hbm>>
        %dma_start3A_27 = arith.constant 0 : i32
        %dma_start3A_28 = arith.constant 0 : i32
        %dma_start3A_29 = tpu.memref_slice %arg9[%dma_start3A_27, %dma_start3A_28] : memref<80x128xi32, #tpu.memory_space<vmem>> -> memref<80x128xi32, #tpu.memory_space<vmem>>
        %dma_start3A_30 = arith.constant 0 : i32
        %dma_start3A_31 = arith.constant 0 : i32
        %dma_start3A_32 = tpu.memref_slice %arg3[%arg1, %dma_start3A_30, %dma_start3A_31] : memref<16x80x128xi32, #tpu.memory_space<hbm>> -> memref<1x80x128xi32, #tpu.memory_space<hbm>>
        %dma_start3A_33 = tpu.memref_squeeze %dma_start3A_32 : memref<1x80x128xi32, #tpu.memory_space<hbm>> -> memref<80x128xi32, #tpu.memory_space<hbm>>
        tpu.enqueue_dma source(%dma_start3A_33 : memref<80x128xi32, #tpu.memory_space<hbm>>) target(%dma_start3A_29 : memref<80x128xi32, #tpu.memory_space<vmem>>) target_semaphore(%run_scoped3A : memref<!tpu.dma_semaphore, #tpu.memory_space<semaphore_mem>>)
        %dma_wait3A = arith.constant 0 : i32
        %dma_wait3A_34 = arith.constant 0 : i32
        %dma_wait3A_35 = tpu.memref_slice %arg9[%dma_wait3A, %dma_wait3A_34] : memref<80x128xi32, #tpu.memory_space<vmem>> -> memref<80x128xi32, #tpu.memory_space<vmem>>
        %dma_wait3A_36 = arith.constant 0 : i32
        %dma_wait3A_37 = arith.constant 0 : i32
        %dma_wait3A_38 = tpu.memref_slice %arg3[%arg1, %dma_wait3A_36, %dma_wait3A_37] : memref<16x80x128xi32, #tpu.memory_space<hbm>> -> memref<1x80x128xi32, #tpu.memory_space<hbm>>
        %dma_wait3A_39 = tpu.memref_squeeze %dma_wait3A_38 : memref<1x80x128xi32, #tpu.memory_space<hbm>> -> memref<80x128xi32, #tpu.memory_space<hbm>>
        %dma_wait3A_40 = arith.constant 0 : i32
        %dma_wait3A_41 = arith.constant 0 : i32
        %dma_wait3A_42 = tpu.memref_slice %arg9[%dma_wait3A_40, %dma_wait3A_41] : memref<80x128xi32, #tpu.memory_space<vmem>> -> memref<80x128xi32, #tpu.memory_space<vmem>>
        %dma_wait3A_43 = arith.constant 0 : i32
        %dma_wait3A_44 = arith.constant 0 : i32
        %dma_wait3A_45 = tpu.memref_slice %arg3[%arg1, %dma_wait3A_43, %dma_wait3A_44] : memref<16x80x128xi32, #tpu.memory_space<hbm>> -> memref<1x80x128xi32, #tpu.memory_space<hbm>>
        %dma_wait3A_46 = tpu.memref_squeeze %dma_wait3A_45 : memref<1x80x128xi32, #tpu.memory_space<hbm>> -> memref<80x128xi32, #tpu.memory_space<hbm>>
        tpu.wait_dma2 semaphore(%run_scoped3A : memref<!tpu.dma_semaphore, #tpu.memory_space<semaphore_mem>>) src(%dma_wait3A_46 : memref<80x128xi32, #tpu.memory_space<hbm>>) dst(%dma_wait3A_42 : memref<80x128xi32, #tpu.memory_space<vmem>>)
        tpu.yield
      }) : () -> ()
      "tpu.region"() ({
        %run_scoped3A = tpu.sem_alloc : memref<!tpu.dma_semaphore, #tpu.memory_space<semaphore_mem>>
        %dma_start3A = arith.constant 0 : i32
        %dma_start3A_21 = arith.constant 0 : i32
        %dma_start3A_22 = tpu.memref_slice %arg10[%dma_start3A, %dma_start3A_21] : memref<80x128xi32, #tpu.memory_space<vmem>> -> memref<80x128xi32, #tpu.memory_space<vmem>>
        %dma_start3A_23 = arith.constant 0 : i32
        %dma_start3A_24 = arith.constant 0 : i32
        %dma_start3A_25 = tpu.memref_slice %arg4[%arg1, %dma_start3A_23, %dma_start3A_24] : memref<16x80x128xi32, #tpu.memory_space<hbm>> -> memref<1x80x128xi32, #tpu.memory_space<hbm>>
        %dma_start3A_26 = tpu.memref_squeeze %dma_start3A_25 : memref<1x80x128xi32, #tpu.memory_space<hbm>> -> memref<80x128xi32, #tpu.memory_space<hbm>>
        %dma_start3A_27 = arith.constant 0 : i32
        %dma_start3A_28 = arith.constant 0 : i32
        %dma_start3A_29 = tpu.memref_slice %arg10[%dma_start3A_27, %dma_start3A_28] : memref<80x128xi32, #tpu.memory_space<vmem>> -> memref<80x128xi32, #tpu.memory_space<vmem>>
        %dma_start3A_30 = arith.constant 0 : i32
        %dma_start3A_31 = arith.constant 0 : i32
        %dma_start3A_32 = tpu.memref_slice %arg4[%arg1, %dma_start3A_30, %dma_start3A_31] : memref<16x80x128xi32, #tpu.memory_space<hbm>> -> memref<1x80x128xi32, #tpu.memory_space<hbm>>
        %dma_start3A_33 = tpu.memref_squeeze %dma_start3A_32 : memref<1x80x128xi32, #tpu.memory_space<hbm>> -> memref<80x128xi32, #tpu.memory_space<hbm>>
        tpu.enqueue_dma source(%dma_start3A_33 : memref<80x128xi32, #tpu.memory_space<hbm>>) target(%dma_start3A_29 : memref<80x128xi32, #tpu.memory_space<vmem>>) target_semaphore(%run_scoped3A : memref<!tpu.dma_semaphore, #tpu.memory_space<semaphore_mem>>)
        %dma_wait3A = arith.constant 0 : i32
        %dma_wait3A_34 = arith.constant 0 : i32
        %dma_wait3A_35 = tpu.memref_slice %arg10[%dma_wait3A, %dma_wait3A_34] : memref<80x128xi32, #tpu.memory_space<vmem>> -> memref<80x128xi32, #tpu.memory_space<vmem>>
        %dma_wait3A_36 = arith.constant 0 : i32
        %dma_wait3A_37 = arith.constant 0 : i32
        %dma_wait3A_38 = tpu.memref_slice %arg4[%arg1, %dma_wait3A_36, %dma_wait3A_37] : memref<16x80x128xi32, #tpu.memory_space<hbm>> -> memref<1x80x128xi32, #tpu.memory_space<hbm>>
        %dma_wait3A_39 = tpu.memref_squeeze %dma_wait3A_38 : memref<1x80x128xi32, #tpu.memory_space<hbm>> -> memref<80x128xi32, #tpu.memory_space<hbm>>
        %dma_wait3A_40 = arith.constant 0 : i32
        %dma_wait3A_41 = arith.constant 0 : i32
        %dma_wait3A_42 = tpu.memref_slice %arg10[%dma_wait3A_40, %dma_wait3A_41] : memref<80x128xi32, #tpu.memory_space<vmem>> -> memref<80x128xi32, #tpu.memory_space<vmem>>
        %dma_wait3A_43 = arith.constant 0 : i32
        %dma_wait3A_44 = arith.constant 0 : i32
        %dma_wait3A_45 = tpu.memref_slice %arg4[%arg1, %dma_wait3A_43, %dma_wait3A_44] : memref<16x80x128xi32, #tpu.memory_space<hbm>> -> memref<1x80x128xi32, #tpu.memory_space<hbm>>
        %dma_wait3A_46 = tpu.memref_squeeze %dma_wait3A_45 : memref<1x80x128xi32, #tpu.memory_space<hbm>> -> memref<80x128xi32, #tpu.memory_space<hbm>>
        tpu.wait_dma2 semaphore(%run_scoped3A : memref<!tpu.dma_semaphore, #tpu.memory_space<semaphore_mem>>) src(%dma_wait3A_46 : memref<80x128xi32, #tpu.memory_space<hbm>>) dst(%dma_wait3A_42 : memref<80x128xi32, #tpu.memory_space<vmem>>)
        tpu.yield
      }) : () -> ()
    } else {
    }
    %eq3A_3 = arith.constant 1 : i32
    %eq3A_4 = arith.cmpi eq, %arg0, %eq3A_3 : i32
    %convert_element_type3A_5 = arith.extui %eq3A_4 : i1 to i32
    %cond3A_6 = arith.constant 0 : i32
    %cond3A_7 = arith.cmpi ne, %convert_element_type3A_5, %cond3A_6 : i32
    scf.if %cond3A_7 {
      "tpu.region"() ({
        %run_scoped3A = tpu.sem_alloc : memref<!tpu.dma_semaphore, #tpu.memory_space<semaphore_mem>>
        %dma_start3A = arith.constant 0 : i32
        %dma_start3A_21 = arith.constant 0 : i32
        %dma_start3A_22 = tpu.memref_slice %arg9[%dma_start3A, %dma_start3A_21] : memref<80x128xi32, #tpu.memory_space<vmem>> -> memref<77x128xi32, #tpu.memory_space<vmem>>
        %dma_start3A_23 = arith.constant 0 : i32
        %dma_start3A_24 = arith.constant 0 : i32
        %dma_start3A_25 = tpu.memref_slice %arg5[%arg1, %dma_start3A_23, %dma_start3A_24] : memref<16x77x128xi32, #tpu.memory_space<hbm>> -> memref<1x77x128xi32, #tpu.memory_space<hbm>>
        %dma_start3A_26 = tpu.memref_squeeze %dma_start3A_25 : memref<1x77x128xi32, #tpu.memory_space<hbm>> -> memref<77x128xi32, #tpu.memory_space<hbm>>
        %dma_start3A_27 = arith.constant 0 : i32
        %dma_start3A_28 = arith.constant 0 : i32
        %dma_start3A_29 = tpu.memref_slice %arg9[%dma_start3A_27, %dma_start3A_28] : memref<80x128xi32, #tpu.memory_space<vmem>> -> memref<77x128xi32, #tpu.memory_space<vmem>>
        %dma_start3A_30 = arith.constant 0 : i32
        %dma_start3A_31 = arith.constant 0 : i32
        %dma_start3A_32 = tpu.memref_slice %arg5[%arg1, %dma_start3A_30, %dma_start3A_31] : memref<16x77x128xi32, #tpu.memory_space<hbm>> -> memref<1x77x128xi32, #tpu.memory_space<hbm>>
        %dma_start3A_33 = tpu.memref_squeeze %dma_start3A_32 : memref<1x77x128xi32, #tpu.memory_space<hbm>> -> memref<77x128xi32, #tpu.memory_space<hbm>>
        tpu.enqueue_dma source(%dma_start3A_33 : memref<77x128xi32, #tpu.memory_space<hbm>>) target(%dma_start3A_29 : memref<77x128xi32, #tpu.memory_space<vmem>>) target_semaphore(%run_scoped3A : memref<!tpu.dma_semaphore, #tpu.memory_space<semaphore_mem>>)
        %dma_wait3A = arith.constant 0 : i32
        %dma_wait3A_34 = arith.constant 0 : i32
        %dma_wait3A_35 = tpu.memref_slice %arg9[%dma_wait3A, %dma_wait3A_34] : memref<80x128xi32, #tpu.memory_space<vmem>> -> memref<77x128xi32, #tpu.memory_space<vmem>>
        %dma_wait3A_36 = arith.constant 0 : i32
        %dma_wait3A_37 = arith.constant 0 : i32
        %dma_wait3A_38 = tpu.memref_slice %arg5[%arg1, %dma_wait3A_36, %dma_wait3A_37] : memref<16x77x128xi32, #tpu.memory_space<hbm>> -> memref<1x77x128xi32, #tpu.memory_space<hbm>>
        %dma_wait3A_39 = tpu.memref_squeeze %dma_wait3A_38 : memref<1x77x128xi32, #tpu.memory_space<hbm>> -> memref<77x128xi32, #tpu.memory_space<hbm>>
        %dma_wait3A_40 = arith.constant 0 : i32
        %dma_wait3A_41 = arith.constant 0 : i32
        %dma_wait3A_42 = tpu.memref_slice %arg9[%dma_wait3A_40, %dma_wait3A_41] : memref<80x128xi32, #tpu.memory_space<vmem>> -> memref<77x128xi32, #tpu.memory_space<vmem>>
        %dma_wait3A_43 = arith.constant 0 : i32
        %dma_wait3A_44 = arith.constant 0 : i32
        %dma_wait3A_45 = tpu.memref_slice %arg5[%arg1, %dma_wait3A_43, %dma_wait3A_44] : memref<16x77x128xi32, #tpu.memory_space<hbm>> -> memref<1x77x128xi32, #tpu.memory_space<hbm>>
        %dma_wait3A_46 = tpu.memref_squeeze %dma_wait3A_45 : memref<1x77x128xi32, #tpu.memory_space<hbm>> -> memref<77x128xi32, #tpu.memory_space<hbm>>
        tpu.wait_dma2 semaphore(%run_scoped3A : memref<!tpu.dma_semaphore, #tpu.memory_space<semaphore_mem>>) src(%dma_wait3A_46 : memref<77x128xi32, #tpu.memory_space<hbm>>) dst(%dma_wait3A_42 : memref<77x128xi32, #tpu.memory_space<vmem>>)
        tpu.yield
      }) : () -> ()
      "tpu.region"() ({
        %run_scoped3A = tpu.sem_alloc : memref<!tpu.dma_semaphore, #tpu.memory_space<semaphore_mem>>
        %dma_start3A = arith.constant 0 : i32
        %dma_start3A_21 = arith.constant 0 : i32
        %dma_start3A_22 = tpu.memref_slice %arg10[%dma_start3A, %dma_start3A_21] : memref<80x128xi32, #tpu.memory_space<vmem>> -> memref<77x128xi32, #tpu.memory_space<vmem>>
        %dma_start3A_23 = arith.constant 0 : i32
        %dma_start3A_24 = arith.constant 0 : i32
        %dma_start3A_25 = tpu.memref_slice %arg6[%arg1, %dma_start3A_23, %dma_start3A_24] : memref<16x77x128xi32, #tpu.memory_space<hbm>> -> memref<1x77x128xi32, #tpu.memory_space<hbm>>
        %dma_start3A_26 = tpu.memref_squeeze %dma_start3A_25 : memref<1x77x128xi32, #tpu.memory_space<hbm>> -> memref<77x128xi32, #tpu.memory_space<hbm>>
        %dma_start3A_27 = arith.constant 0 : i32
        %dma_start3A_28 = arith.constant 0 : i32
        %dma_start3A_29 = tpu.memref_slice %arg10[%dma_start3A_27, %dma_start3A_28] : memref<80x128xi32, #tpu.memory_space<vmem>> -> memref<77x128xi32, #tpu.memory_space<vmem>>
        %dma_start3A_30 = arith.constant 0 : i32
        %dma_start3A_31 = arith.constant 0 : i32
        %dma_start3A_32 = tpu.memref_slice %arg6[%arg1, %dma_start3A_30, %dma_start3A_31] : memref<16x77x128xi32, #tpu.memory_space<hbm>> -> memref<1x77x128xi32, #tpu.memory_space<hbm>>
        %dma_start3A_33 = tpu.memref_squeeze %dma_start3A_32 : memref<1x77x128xi32, #tpu.memory_space<hbm>> -> memref<77x128xi32, #tpu.memory_space<hbm>>
        tpu.enqueue_dma source(%dma_start3A_33 : memref<77x128xi32, #tpu.memory_space<hbm>>) target(%dma_start3A_29 : memref<77x128xi32, #tpu.memory_space<vmem>>) target_semaphore(%run_scoped3A : memref<!tpu.dma_semaphore, #tpu.memory_space<semaphore_mem>>)
        %dma_wait3A = arith.constant 0 : i32
        %dma_wait3A_34 = arith.constant 0 : i32
        %dma_wait3A_35 = tpu.memref_slice %arg10[%dma_wait3A, %dma_wait3A_34] : memref<80x128xi32, #tpu.memory_space<vmem>> -> memref<77x128xi32, #tpu.memory_space<vmem>>
        %dma_wait3A_36 = arith.constant 0 : i32
        %dma_wait3A_37 = arith.constant 0 : i32
        %dma_wait3A_38 = tpu.memref_slice %arg6[%arg1, %dma_wait3A_36, %dma_wait3A_37] : memref<16x77x128xi32, #tpu.memory_space<hbm>> -> memref<1x77x128xi32, #tpu.memory_space<hbm>>
        %dma_wait3A_39 = tpu.memref_squeeze %dma_wait3A_38 : memref<1x77x128xi32, #tpu.memory_space<hbm>> -> memref<77x128xi32, #tpu.memory_space<hbm>>
        %dma_wait3A_40 = arith.constant 0 : i32
        %dma_wait3A_41 = arith.constant 0 : i32
        %dma_wait3A_42 = tpu.memref_slice %arg10[%dma_wait3A_40, %dma_wait3A_41] : memref<80x128xi32, #tpu.memory_space<vmem>> -> memref<77x128xi32, #tpu.memory_space<vmem>>
        %dma_wait3A_43 = arith.constant 0 : i32
        %dma_wait3A_44 = arith.constant 0 : i32
        %dma_wait3A_45 = tpu.memref_slice %arg6[%arg1, %dma_wait3A_43, %dma_wait3A_44] : memref<16x77x128xi32, #tpu.memory_space<hbm>> -> memref<1x77x128xi32, #tpu.memory_space<hbm>>
        %dma_wait3A_46 = tpu.memref_squeeze %dma_wait3A_45 : memref<1x77x128xi32, #tpu.memory_space<hbm>> -> memref<77x128xi32, #tpu.memory_space<hbm>>
        tpu.wait_dma2 semaphore(%run_scoped3A : memref<!tpu.dma_semaphore, #tpu.memory_space<semaphore_mem>>) src(%dma_wait3A_46 : memref<77x128xi32, #tpu.memory_space<hbm>>) dst(%dma_wait3A_42 : memref<77x128xi32, #tpu.memory_space<vmem>>)
        tpu.yield
      }) : () -> ()
    } else {
    }
    %barrier3A = arith.constant 0 : index
    tpu.barrier barrier_id(%barrier3A)
    %eq3A_8 = arith.constant 0 : i32
    %eq3A_9 = arith.cmpi eq, %arg0, %eq3A_8 : i32
    %jit3A = arith.constant 80 : i32
    %jit3A_10 = arith.constant 77 : i32
    %select_n3A = arith.select %eq3A_9, %jit3A, %jit3A_10 : i32
    %while3A = arith.constant 0 : i32
    %while3A_11 = arith.constant 0 : i32
    %while3A_12 = arith.subi %select_n3A, %while3A_11 : i32
    %while3A_13 = arith.addi %while3A_11, %while3A_12 : i32
    %while3A_14 = arith.constant 1 : i32
    %while3A_15 = arith.divsi %while3A_12, %while3A_14 : i32
    %while3A_16 = arith.muli %while3A_15, %while3A_14 : i32
    %while3A_17 = arith.addi %while3A_11, %while3A_16 : i32
    %while3A_18 = arith.constant 1 : i32
    scf.for %while3A_21 = %while3A_11 to %while3A_17 step %while3A_18  : i32 {
      "tpu.region"() ({
        %run_scoped3A = tpu.sem_alloc : memref<!tpu.dma_semaphore, #tpu.memory_space<semaphore_mem>>
        %dma_start3A = arith.constant 0 : i32
        %dma_start3A_22 = tpu.memref_slice %arg9[%while3A_21, %dma_start3A] : memref<80x128xi32, #tpu.memory_space<vmem>> -> memref<1x128xi32, #tpu.memory_space<vmem>>
        %dma_start3A_23 = tpu.memref_squeeze %dma_start3A_22 : memref<1x128xi32, #tpu.memory_space<vmem>> -> memref<128xi32, #tpu.memory_space<vmem>>
        %dma_start3A_24 = arith.constant 0 : i32
        %dma_start3A_25 = arith.constant 0 : i32
        %dma_start3A_26 = tpu.memref_slice %arg2[%dma_start3A_24, %dma_start3A_25] : memref<10240x128xf32, #tpu.memory_space<hbm>> -> memref<10240x128xf32, #tpu.memory_space<hbm>>
        tpu.enqueue_indirect_dma source(%dma_start3A_26 : memref<10240x128xf32, #tpu.memory_space<hbm>>) target(%arg11 : memref<128x128xf32, #tpu.memory_space<vmem>>) offsets(%dma_start3A_23 : memref<128xi32, #tpu.memory_space<vmem>>) semaphore(%run_scoped3A : memref<!tpu.dma_semaphore, #tpu.memory_space<semaphore_mem>>)
        %dma_wait3A = arith.constant 0 : i32
        %dma_wait3A_27 = tpu.memref_slice %arg9[%while3A_21, %dma_wait3A] : memref<80x128xi32, #tpu.memory_space<vmem>> -> memref<1x128xi32, #tpu.memory_space<vmem>>
        %dma_wait3A_28 = tpu.memref_squeeze %dma_wait3A_27 : memref<1x128xi32, #tpu.memory_space<vmem>> -> memref<128xi32, #tpu.memory_space<vmem>>
        %dma_wait3A_29 = arith.constant 0 : i32
        %dma_wait3A_30 = arith.constant 0 : i32
        %dma_wait3A_31 = tpu.memref_slice %arg2[%dma_wait3A_29, %dma_wait3A_30] : memref<10240x128xf32, #tpu.memory_space<hbm>> -> memref<10240x128xf32, #tpu.memory_space<hbm>>
        tpu.wait_indirect_dma semaphore(%run_scoped3A : memref<!tpu.dma_semaphore, #tpu.memory_space<semaphore_mem>>) src(%dma_wait3A_31 : memref<10240x128xf32, #tpu.memory_space<hbm>>) dst(%arg11 : memref<128x128xf32, #tpu.memory_space<vmem>>)
        tpu.yield
      }) : () -> ()
      "tpu.region"() ({
        %run_scoped3A = tpu.sem_alloc : memref<!tpu.dma_semaphore, #tpu.memory_space<semaphore_mem>>
        %dma_start3A = arith.constant 0 : i32
        %dma_start3A_22 = tpu.memref_slice %arg10[%while3A_21, %dma_start3A] : memref<80x128xi32, #tpu.memory_space<vmem>> -> memref<1x128xi32, #tpu.memory_space<vmem>>
        %dma_start3A_23 = tpu.memref_squeeze %dma_start3A_22 : memref<1x128xi32, #tpu.memory_space<vmem>> -> memref<128xi32, #tpu.memory_space<vmem>>
        %dma_start3A_24 = arith.constant 0 : i32
        %dma_start3A_25 = arith.constant 0 : i32
        %dma_start3A_26 = tpu.memref_slice %arg12[%dma_start3A_24, %dma_start3A_25] : memref<10240x128xf32, #tpu.memory_space<vmem_shared>> -> memref<10240x128xf32, #tpu.memory_space<vmem_shared>>
        tpu.enqueue_indirect_dma source(%arg11 : memref<128x128xf32, #tpu.memory_space<vmem>>) target(%dma_start3A_26 : memref<10240x128xf32, #tpu.memory_space<vmem_shared>>) offsets(%dma_start3A_23 : memref<128xi32, #tpu.memory_space<vmem>>) semaphore(%run_scoped3A : memref<!tpu.dma_semaphore, #tpu.memory_space<semaphore_mem>>) {add = true}
        %dma_wait3A = arith.constant 0 : i32
        %dma_wait3A_27 = tpu.memref_slice %arg10[%while3A_21, %dma_wait3A] : memref<80x128xi32, #tpu.memory_space<vmem>> -> memref<1x128xi32, #tpu.memory_space<vmem>>
        %dma_wait3A_28 = tpu.memref_squeeze %dma_wait3A_27 : memref<1x128xi32, #tpu.memory_space<vmem>> -> memref<128xi32, #tpu.memory_space<vmem>>
        %dma_wait3A_29 = arith.constant 0 : i32
        %dma_wait3A_30 = arith.constant 0 : i32
        %dma_wait3A_31 = tpu.memref_slice %arg12[%dma_wait3A_29, %dma_wait3A_30] : memref<10240x128xf32, #tpu.memory_space<vmem_shared>> -> memref<10240x128xf32, #tpu.memory_space<vmem_shared>>
        tpu.wait_indirect_dma semaphore(%run_scoped3A : memref<!tpu.dma_semaphore, #tpu.memory_space<semaphore_mem>>) src(%arg11 : memref<128x128xf32, #tpu.memory_space<vmem>>) dst(%dma_wait3A_31 : memref<10240x128xf32, #tpu.memory_space<vmem_shared>>)
        tpu.yield
      }) : () -> ()
    }
    %while3A_19 = arith.constant 1 : i32
    scf.for %while3A_21 = %while3A_17 to %while3A_13 step %while3A_19  : i32 {
      "tpu.region"() ({
        %run_scoped3A = tpu.sem_alloc : memref<!tpu.dma_semaphore, #tpu.memory_space<semaphore_mem>>
        %dma_start3A = arith.constant 0 : i32
        %dma_start3A_22 = tpu.memref_slice %arg9[%while3A_21, %dma_start3A] : memref<80x128xi32, #tpu.memory_space<vmem>> -> memref<1x128xi32, #tpu.memory_space<vmem>>
        %dma_start3A_23 = tpu.memref_squeeze %dma_start3A_22 : memref<1x128xi32, #tpu.memory_space<vmem>> -> memref<128xi32, #tpu.memory_space<vmem>>
        %dma_start3A_24 = arith.constant 0 : i32
        %dma_start3A_25 = arith.constant 0 : i32
        %dma_start3A_26 = tpu.memref_slice %arg2[%dma_start3A_24, %dma_start3A_25] : memref<10240x128xf32, #tpu.memory_space<hbm>> -> memref<10240x128xf32, #tpu.memory_space<hbm>>
        tpu.enqueue_indirect_dma source(%dma_start3A_26 : memref<10240x128xf32, #tpu.memory_space<hbm>>) target(%arg11 : memref<128x128xf32, #tpu.memory_space<vmem>>) offsets(%dma_start3A_23 : memref<128xi32, #tpu.memory_space<vmem>>) semaphore(%run_scoped3A : memref<!tpu.dma_semaphore, #tpu.memory_space<semaphore_mem>>)
        %dma_wait3A = arith.constant 0 : i32
        %dma_wait3A_27 = tpu.memref_slice %arg9[%while3A_21, %dma_wait3A] : memref<80x128xi32, #tpu.memory_space<vmem>> -> memref<1x128xi32, #tpu.memory_space<vmem>>
        %dma_wait3A_28 = tpu.memref_squeeze %dma_wait3A_27 : memref<1x128xi32, #tpu.memory_space<vmem>> -> memref<128xi32, #tpu.memory_space<vmem>>
        %dma_wait3A_29 = arith.constant 0 : i32
        %dma_wait3A_30 = arith.constant 0 : i32
        %dma_wait3A_31 = tpu.memref_slice %arg2[%dma_wait3A_29, %dma_wait3A_30] : memref<10240x128xf32, #tpu.memory_space<hbm>> -> memref<10240x128xf32, #tpu.memory_space<hbm>>
        tpu.wait_indirect_dma semaphore(%run_scoped3A : memref<!tpu.dma_semaphore, #tpu.memory_space<semaphore_mem>>) src(%dma_wait3A_31 : memref<10240x128xf32, #tpu.memory_space<hbm>>) dst(%arg11 : memref<128x128xf32, #tpu.memory_space<vmem>>)
        tpu.yield
      }) : () -> ()
      "tpu.region"() ({
        %run_scoped3A = tpu.sem_alloc : memref<!tpu.dma_semaphore, #tpu.memory_space<semaphore_mem>>
        %dma_start3A = arith.constant 0 : i32
        %dma_start3A_22 = tpu.memref_slice %arg10[%while3A_21, %dma_start3A] : memref<80x128xi32, #tpu.memory_space<vmem>> -> memref<1x128xi32, #tpu.memory_space<vmem>>
        %dma_start3A_23 = tpu.memref_squeeze %dma_start3A_22 : memref<1x128xi32, #tpu.memory_space<vmem>> -> memref<128xi32, #tpu.memory_space<vmem>>
        %dma_start3A_24 = arith.constant 0 : i32
        %dma_start3A_25 = arith.constant 0 : i32
        %dma_start3A_26 = tpu.memref_slice %arg12[%dma_start3A_24, %dma_start3A_25] : memref<10240x128xf32, #tpu.memory_space<vmem_shared>> -> memref<10240x128xf32, #tpu.memory_space<vmem_shared>>
        tpu.enqueue_indirect_dma source(%arg11 : memref<128x128xf32, #tpu.memory_space<vmem>>) target(%dma_start3A_26 : memref<10240x128xf32, #tpu.memory_space<vmem_shared>>) offsets(%dma_start3A_23 : memref<128xi32, #tpu.memory_space<vmem>>) semaphore(%run_scoped3A : memref<!tpu.dma_semaphore, #tpu.memory_space<semaphore_mem>>) {add = true}
        %dma_wait3A = arith.constant 0 : i32
        %dma_wait3A_27 = tpu.memref_slice %arg10[%while3A_21, %dma_wait3A] : memref<80x128xi32, #tpu.memory_space<vmem>> -> memref<1x128xi32, #tpu.memory_space<vmem>>
        %dma_wait3A_28 = tpu.memref_squeeze %dma_wait3A_27 : memref<1x128xi32, #tpu.memory_space<vmem>> -> memref<128xi32, #tpu.memory_space<vmem>>
        %dma_wait3A_29 = arith.constant 0 : i32
        %dma_wait3A_30 = arith.constant 0 : i32
        %dma_wait3A_31 = tpu.memref_slice %arg12[%dma_wait3A_29, %dma_wait3A_30] : memref<10240x128xf32, #tpu.memory_space<vmem_shared>> -> memref<10240x128xf32, #tpu.memory_space<vmem_shared>>
        tpu.wait_indirect_dma semaphore(%run_scoped3A : memref<!tpu.dma_semaphore, #tpu.memory_space<semaphore_mem>>) src(%arg11 : memref<128x128xf32, #tpu.memory_space<vmem>>) dst(%dma_wait3A_31 : memref<10240x128xf32, #tpu.memory_space<vmem_shared>>)
        tpu.yield
      }) : () -> ()
    }
    %barrier3A_20 = arith.constant 0 : index
    tpu.barrier barrier_id(%barrier3A_20)
    "tpu.region"() ({
      %run_scoped3A = tpu.sem_alloc : memref<!tpu.dma_semaphore, #tpu.memory_space<semaphore_mem>>
      %dma_start3A = arith.constant 0 : i32
      %dma_start3A_21 = arith.constant 0 : i32
      %dma_start3A_22 = tpu.memref_slice %arg8[%arg0, %dma_start3A, %dma_start3A_21] : memref<2x10240x128xf32, #tpu.memory_space<hbm>> -> memref<1x10240x128xf32, #tpu.memory_space<hbm>>
      %dma_start3A_23 = tpu.memref_squeeze %dma_start3A_22 : memref<1x10240x128xf32, #tpu.memory_space<hbm>> -> memref<10240x128xf32, #tpu.memory_space<hbm>>
      %dma_start3A_24 = arith.constant 0 : i32
      %dma_start3A_25 = tpu.memref_slice %dma_start3A_23[%mul3A_0, %dma_start3A_24] : memref<10240x128xf32, #tpu.memory_space<hbm>> -> memref<640x128xf32, #tpu.memory_space<hbm>>
      %dma_start3A_26 = arith.constant 0 : i32
      %dma_start3A_27 = tpu.memref_slice %arg12[%mul3A_0, %dma_start3A_26] : memref<10240x128xf32, #tpu.memory_space<vmem_shared>> -> memref<640x128xf32, #tpu.memory_space<vmem_shared>>
      tpu.enqueue_dma source(%dma_start3A_27 : memref<640x128xf32, #tpu.memory_space<vmem_shared>>) target(%dma_start3A_25 : memref<640x128xf32, #tpu.memory_space<hbm>>) target_semaphore(%run_scoped3A : memref<!tpu.dma_semaphore, #tpu.memory_space<semaphore_mem>>)
      %dma_wait3A = arith.constant 0 : i32
      %dma_wait3A_28 = arith.constant 0 : i32
      %dma_wait3A_29 = tpu.memref_slice %arg8[%arg0, %dma_wait3A, %dma_wait3A_28] : memref<2x10240x128xf32, #tpu.memory_space<hbm>> -> memref<1x10240x128xf32, #tpu.memory_space<hbm>>
      %dma_wait3A_30 = tpu.memref_squeeze %dma_wait3A_29 : memref<1x10240x128xf32, #tpu.memory_space<hbm>> -> memref<10240x128xf32, #tpu.memory_space<hbm>>
      %dma_wait3A_31 = arith.constant 0 : i32
      %dma_wait3A_32 = tpu.memref_slice %dma_wait3A_30[%mul3A_0, %dma_wait3A_31] : memref<10240x128xf32, #tpu.memory_space<hbm>> -> memref<640x128xf32, #tpu.memory_space<hbm>>
      %dma_wait3A_33 = arith.constant 0 : i32
      %dma_wait3A_34 = tpu.memref_slice %arg12[%mul3A_0, %dma_wait3A_33] : memref<10240x128xf32, #tpu.memory_space<vmem_shared>> -> memref<640x128xf32, #tpu.memory_space<vmem_shared>>
      tpu.wait_dma2 semaphore(%run_scoped3A : memref<!tpu.dma_semaphore, #tpu.memory_space<semaphore_mem>>) src(%dma_wait3A_34 : memref<640x128xf32, #tpu.memory_space<vmem_shared>>) dst(%dma_wait3A_32 : memref<640x128xf32, #tpu.memory_space<hbm>>)
      tpu.yield
    }) : () -> ()
    return
  }
}

#map = affine_map<(d0, d1) -> (0, 0)>
#map1 = affine_map<(d0, d1) -> (0, 0, 0)>
module attributes {stable_mosaic.version = 14 : i64} {
  func.func @_sc_spmv_body(%arg0: i32, %arg1: i32, %arg2: memref<10240x128xf32, #tpu.memory_space<hbm>>, %arg3: memref<16x80x128xi32, #tpu.memory_space<hbm>>, %arg4: memref<16x80x128xi32, #tpu.memory_space<hbm>>, %arg5: memref<16x77x128xi32, #tpu.memory_space<hbm>>, %arg6: memref<16x77x128xi32, #tpu.memory_space<hbm>>, %arg7: memref<10240x128xf32, #tpu.memory_space<hbm>>, %arg8: memref<2x10240x128xf32, #tpu.memory_space<hbm>>, %arg9: memref<80x128xi32, #tpu.memory_space<vmem>>, %arg10: memref<80x128xi32, #tpu.memory_space<vmem>>, %arg11: memref<128x128xf32, #tpu.memory_space<vmem>>, %arg12: memref<10240x128xf32, #tpu.memory_space<vmem_shared>>) attributes {dimension_semantics = [#tpu.dimension_semantics<core_parallel>, #tpu.dimension_semantics<subcore_parallel>], iteration_bounds = array<i64: 2, 16>, scalar_prefetch = 0 : i64, scratch_operands = 4 : i64, tpu.core_type = #tpu.core_type<sc_vector_subcore>, window_params = [{transform_indices = #map}, {transform_indices = #map1}, {transform_indices = #map1}, {transform_indices = #map1}, {transform_indices = #map1}, {transform_indices = #map}, {transform_indices = #map1}]} {
    %mul3A = arith.constant 640 : i32
    %mul3A_0 = arith.muli %arg1, %mul3A : i32
    "tpu.region"() ({
      %run_scoped3A = tpu.sem_alloc : memref<!tpu.dma_semaphore, #tpu.memory_space<semaphore_mem>>
      %dma_start3A = arith.constant 0 : i32
      %dma_start3A_21 = tpu.memref_slice %arg12[%mul3A_0, %dma_start3A] : memref<10240x128xf32, #tpu.memory_space<vmem_shared>> -> memref<640x128xf32, #tpu.memory_space<vmem_shared>>
      %dma_start3A_22 = arith.constant 0 : i32
      %dma_start3A_23 = tpu.memref_slice %arg7[%mul3A_0, %dma_start3A_22] : memref<10240x128xf32, #tpu.memory_space<hbm>> -> memref<640x128xf32, #tpu.memory_space<hbm>>
      tpu.enqueue_dma source(%dma_start3A_23 : memref<640x128xf32, #tpu.memory_space<hbm>>) target(%dma_start3A_21 : memref<640x128xf32, #tpu.memory_space<vmem_shared>>) target_semaphore(%run_scoped3A : memref<!tpu.dma_semaphore, #tpu.memory_space<semaphore_mem>>)
      %dma_wait3A = arith.constant 0 : i32
      %dma_wait3A_24 = tpu.memref_slice %arg12[%mul3A_0, %dma_wait3A] : memref<10240x128xf32, #tpu.memory_space<vmem_shared>> -> memref<640x128xf32, #tpu.memory_space<vmem_shared>>
      %dma_wait3A_25 = arith.constant 0 : i32
      %dma_wait3A_26 = tpu.memref_slice %arg7[%mul3A_0, %dma_wait3A_25] : memref<10240x128xf32, #tpu.memory_space<hbm>> -> memref<640x128xf32, #tpu.memory_space<hbm>>
      tpu.wait_dma2 semaphore(%run_scoped3A : memref<!tpu.dma_semaphore, #tpu.memory_space<semaphore_mem>>) src(%dma_wait3A_26 : memref<640x128xf32, #tpu.memory_space<hbm>>) dst(%dma_wait3A_24 : memref<640x128xf32, #tpu.memory_space<vmem_shared>>)
      tpu.yield
    }) : () -> ()
    %eq3A = arith.constant 0 : i32
    %eq3A_1 = arith.cmpi eq, %arg0, %eq3A : i32
    %convert_element_type3A = arith.extui %eq3A_1 : i1 to i32
    %cond3A = arith.constant 0 : i32
    %cond3A_2 = arith.cmpi ne, %convert_element_type3A, %cond3A : i32
    scf.if %cond3A_2 {
      "tpu.region"() ({
        %run_scoped3A = tpu.sem_alloc : memref<!tpu.dma_semaphore, #tpu.memory_space<semaphore_mem>>
        %dma_start3A = arith.constant 0 : i32
        %dma_start3A_21 = arith.constant 0 : i32
        %dma_start3A_22 = tpu.memref_slice %arg9[%dma_start3A, %dma_start3A_21] : memref<80x128xi32, #tpu.memory_space<vmem>> -> memref<80x128xi32, #tpu.memory_space<vmem>>
        %dma_start3A_23 = arith.constant 0 : i32
        %dma_start3A_24 = arith.constant 0 : i32
        %dma_start3A_25 = tpu.memref_slice %arg3[%arg1, %dma_start3A_23, %dma_start3A_24] : memref<16x80x128xi32, #tpu.memory_space<hbm>> -> memref<1x80x128xi32, #tpu.memory_space<hbm>>
        %dma_start3A_26 = tpu.memref_squeeze %dma_start3A_25 : memref<1x80x128xi32, #tpu.memory_space<hbm>> -> memref<80x128xi32, #tpu.memory_space<hbm>>
        %dma_start3A_27 = arith.constant 0 : i32
        %dma_start3A_28 = arith.constant 0 : i32
        %dma_start3A_29 = tpu.memref_slice %arg9[%dma_start3A_27, %dma_start3A_28] : memref<80x128xi32, #tpu.memory_space<vmem>> -> memref<80x128xi32, #tpu.memory_space<vmem>>
        %dma_start3A_30 = arith.constant 0 : i32
        %dma_start3A_31 = arith.constant 0 : i32
        %dma_start3A_32 = tpu.memref_slice %arg3[%arg1, %dma_start3A_30, %dma_start3A_31] : memref<16x80x128xi32, #tpu.memory_space<hbm>> -> memref<1x80x128xi32, #tpu.memory_space<hbm>>
        %dma_start3A_33 = tpu.memref_squeeze %dma_start3A_32 : memref<1x80x128xi32, #tpu.memory_space<hbm>> -> memref<80x128xi32, #tpu.memory_space<hbm>>
        tpu.enqueue_dma source(%dma_start3A_33 : memref<80x128xi32, #tpu.memory_space<hbm>>) target(%dma_start3A_29 : memref<80x128xi32, #tpu.memory_space<vmem>>) target_semaphore(%run_scoped3A : memref<!tpu.dma_semaphore, #tpu.memory_space<semaphore_mem>>)
        %dma_wait3A = arith.constant 0 : i32
        %dma_wait3A_34 = arith.constant 0 : i32
        %dma_wait3A_35 = tpu.memref_slice %arg9[%dma_wait3A, %dma_wait3A_34] : memref<80x128xi32, #tpu.memory_space<vmem>> -> memref<80x128xi32, #tpu.memory_space<vmem>>
        %dma_wait3A_36 = arith.constant 0 : i32
        %dma_wait3A_37 = arith.constant 0 : i32
        %dma_wait3A_38 = tpu.memref_slice %arg3[%arg1, %dma_wait3A_36, %dma_wait3A_37] : memref<16x80x128xi32, #tpu.memory_space<hbm>> -> memref<1x80x128xi32, #tpu.memory_space<hbm>>
        %dma_wait3A_39 = tpu.memref_squeeze %dma_wait3A_38 : memref<1x80x128xi32, #tpu.memory_space<hbm>> -> memref<80x128xi32, #tpu.memory_space<hbm>>
        %dma_wait3A_40 = arith.constant 0 : i32
        %dma_wait3A_41 = arith.constant 0 : i32
        %dma_wait3A_42 = tpu.memref_slice %arg9[%dma_wait3A_40, %dma_wait3A_41] : memref<80x128xi32, #tpu.memory_space<vmem>> -> memref<80x128xi32, #tpu.memory_space<vmem>>
        %dma_wait3A_43 = arith.constant 0 : i32
        %dma_wait3A_44 = arith.constant 0 : i32
        %dma_wait3A_45 = tpu.memref_slice %arg3[%arg1, %dma_wait3A_43, %dma_wait3A_44] : memref<16x80x128xi32, #tpu.memory_space<hbm>> -> memref<1x80x128xi32, #tpu.memory_space<hbm>>
        %dma_wait3A_46 = tpu.memref_squeeze %dma_wait3A_45 : memref<1x80x128xi32, #tpu.memory_space<hbm>> -> memref<80x128xi32, #tpu.memory_space<hbm>>
        tpu.wait_dma2 semaphore(%run_scoped3A : memref<!tpu.dma_semaphore, #tpu.memory_space<semaphore_mem>>) src(%dma_wait3A_46 : memref<80x128xi32, #tpu.memory_space<hbm>>) dst(%dma_wait3A_42 : memref<80x128xi32, #tpu.memory_space<vmem>>)
        tpu.yield
      }) : () -> ()
      "tpu.region"() ({
        %run_scoped3A = tpu.sem_alloc : memref<!tpu.dma_semaphore, #tpu.memory_space<semaphore_mem>>
        %dma_start3A = arith.constant 0 : i32
        %dma_start3A_21 = arith.constant 0 : i32
        %dma_start3A_22 = tpu.memref_slice %arg10[%dma_start3A, %dma_start3A_21] : memref<80x128xi32, #tpu.memory_space<vmem>> -> memref<80x128xi32, #tpu.memory_space<vmem>>
        %dma_start3A_23 = arith.constant 0 : i32
        %dma_start3A_24 = arith.constant 0 : i32
        %dma_start3A_25 = tpu.memref_slice %arg4[%arg1, %dma_start3A_23, %dma_start3A_24] : memref<16x80x128xi32, #tpu.memory_space<hbm>> -> memref<1x80x128xi32, #tpu.memory_space<hbm>>
        %dma_start3A_26 = tpu.memref_squeeze %dma_start3A_25 : memref<1x80x128xi32, #tpu.memory_space<hbm>> -> memref<80x128xi32, #tpu.memory_space<hbm>>
        %dma_start3A_27 = arith.constant 0 : i32
        %dma_start3A_28 = arith.constant 0 : i32
        %dma_start3A_29 = tpu.memref_slice %arg10[%dma_start3A_27, %dma_start3A_28] : memref<80x128xi32, #tpu.memory_space<vmem>> -> memref<80x128xi32, #tpu.memory_space<vmem>>
        %dma_start3A_30 = arith.constant 0 : i32
        %dma_start3A_31 = arith.constant 0 : i32
        %dma_start3A_32 = tpu.memref_slice %arg4[%arg1, %dma_start3A_30, %dma_start3A_31] : memref<16x80x128xi32, #tpu.memory_space<hbm>> -> memref<1x80x128xi32, #tpu.memory_space<hbm>>
        %dma_start3A_33 = tpu.memref_squeeze %dma_start3A_32 : memref<1x80x128xi32, #tpu.memory_space<hbm>> -> memref<80x128xi32, #tpu.memory_space<hbm>>
        tpu.enqueue_dma source(%dma_start3A_33 : memref<80x128xi32, #tpu.memory_space<hbm>>) target(%dma_start3A_29 : memref<80x128xi32, #tpu.memory_space<vmem>>) target_semaphore(%run_scoped3A : memref<!tpu.dma_semaphore, #tpu.memory_space<semaphore_mem>>)
        %dma_wait3A = arith.constant 0 : i32
        %dma_wait3A_34 = arith.constant 0 : i32
        %dma_wait3A_35 = tpu.memref_slice %arg10[%dma_wait3A, %dma_wait3A_34] : memref<80x128xi32, #tpu.memory_space<vmem>> -> memref<80x128xi32, #tpu.memory_space<vmem>>
        %dma_wait3A_36 = arith.constant 0 : i32
        %dma_wait3A_37 = arith.constant 0 : i32
        %dma_wait3A_38 = tpu.memref_slice %arg4[%arg1, %dma_wait3A_36, %dma_wait3A_37] : memref<16x80x128xi32, #tpu.memory_space<hbm>> -> memref<1x80x128xi32, #tpu.memory_space<hbm>>
        %dma_wait3A_39 = tpu.memref_squeeze %dma_wait3A_38 : memref<1x80x128xi32, #tpu.memory_space<hbm>> -> memref<80x128xi32, #tpu.memory_space<hbm>>
        %dma_wait3A_40 = arith.constant 0 : i32
        %dma_wait3A_41 = arith.constant 0 : i32
        %dma_wait3A_42 = tpu.memref_slice %arg10[%dma_wait3A_40, %dma_wait3A_41] : memref<80x128xi32, #tpu.memory_space<vmem>> -> memref<80x128xi32, #tpu.memory_space<vmem>>
        %dma_wait3A_43 = arith.constant 0 : i32
        %dma_wait3A_44 = arith.constant 0 : i32
        %dma_wait3A_45 = tpu.memref_slice %arg4[%arg1, %dma_wait3A_43, %dma_wait3A_44] : memref<16x80x128xi32, #tpu.memory_space<hbm>> -> memref<1x80x128xi32, #tpu.memory_space<hbm>>
        %dma_wait3A_46 = tpu.memref_squeeze %dma_wait3A_45 : memref<1x80x128xi32, #tpu.memory_space<hbm>> -> memref<80x128xi32, #tpu.memory_space<hbm>>
        tpu.wait_dma2 semaphore(%run_scoped3A : memref<!tpu.dma_semaphore, #tpu.memory_space<semaphore_mem>>) src(%dma_wait3A_46 : memref<80x128xi32, #tpu.memory_space<hbm>>) dst(%dma_wait3A_42 : memref<80x128xi32, #tpu.memory_space<vmem>>)
        tpu.yield
      }) : () -> ()
    } else {
    }
    %eq3A_3 = arith.constant 1 : i32
    %eq3A_4 = arith.cmpi eq, %arg0, %eq3A_3 : i32
    %convert_element_type3A_5 = arith.extui %eq3A_4 : i1 to i32
    %cond3A_6 = arith.constant 0 : i32
    %cond3A_7 = arith.cmpi ne, %convert_element_type3A_5, %cond3A_6 : i32
    scf.if %cond3A_7 {
      "tpu.region"() ({
        %run_scoped3A = tpu.sem_alloc : memref<!tpu.dma_semaphore, #tpu.memory_space<semaphore_mem>>
        %dma_start3A = arith.constant 0 : i32
        %dma_start3A_21 = arith.constant 0 : i32
        %dma_start3A_22 = tpu.memref_slice %arg9[%dma_start3A, %dma_start3A_21] : memref<80x128xi32, #tpu.memory_space<vmem>> -> memref<77x128xi32, #tpu.memory_space<vmem>>
        %dma_start3A_23 = arith.constant 0 : i32
        %dma_start3A_24 = arith.constant 0 : i32
        %dma_start3A_25 = tpu.memref_slice %arg5[%arg1, %dma_start3A_23, %dma_start3A_24] : memref<16x77x128xi32, #tpu.memory_space<hbm>> -> memref<1x77x128xi32, #tpu.memory_space<hbm>>
        %dma_start3A_26 = tpu.memref_squeeze %dma_start3A_25 : memref<1x77x128xi32, #tpu.memory_space<hbm>> -> memref<77x128xi32, #tpu.memory_space<hbm>>
        %dma_start3A_27 = arith.constant 0 : i32
        %dma_start3A_28 = arith.constant 0 : i32
        %dma_start3A_29 = tpu.memref_slice %arg9[%dma_start3A_27, %dma_start3A_28] : memref<80x128xi32, #tpu.memory_space<vmem>> -> memref<77x128xi32, #tpu.memory_space<vmem>>
        %dma_start3A_30 = arith.constant 0 : i32
        %dma_start3A_31 = arith.constant 0 : i32
        %dma_start3A_32 = tpu.memref_slice %arg5[%arg1, %dma_start3A_30, %dma_start3A_31] : memref<16x77x128xi32, #tpu.memory_space<hbm>> -> memref<1x77x128xi32, #tpu.memory_space<hbm>>
        %dma_start3A_33 = tpu.memref_squeeze %dma_start3A_32 : memref<1x77x128xi32, #tpu.memory_space<hbm>> -> memref<77x128xi32, #tpu.memory_space<hbm>>
        tpu.enqueue_dma source(%dma_start3A_33 : memref<77x128xi32, #tpu.memory_space<hbm>>) target(%dma_start3A_29 : memref<77x128xi32, #tpu.memory_space<vmem>>) target_semaphore(%run_scoped3A : memref<!tpu.dma_semaphore, #tpu.memory_space<semaphore_mem>>)
        %dma_wait3A = arith.constant 0 : i32
        %dma_wait3A_34 = arith.constant 0 : i32
        %dma_wait3A_35 = tpu.memref_slice %arg9[%dma_wait3A, %dma_wait3A_34] : memref<80x128xi32, #tpu.memory_space<vmem>> -> memref<77x128xi32, #tpu.memory_space<vmem>>
        %dma_wait3A_36 = arith.constant 0 : i32
        %dma_wait3A_37 = arith.constant 0 : i32
        %dma_wait3A_38 = tpu.memref_slice %arg5[%arg1, %dma_wait3A_36, %dma_wait3A_37] : memref<16x77x128xi32, #tpu.memory_space<hbm>> -> memref<1x77x128xi32, #tpu.memory_space<hbm>>
        %dma_wait3A_39 = tpu.memref_squeeze %dma_wait3A_38 : memref<1x77x128xi32, #tpu.memory_space<hbm>> -> memref<77x128xi32, #tpu.memory_space<hbm>>
        %dma_wait3A_40 = arith.constant 0 : i32
        %dma_wait3A_41 = arith.constant 0 : i32
        %dma_wait3A_42 = tpu.memref_slice %arg9[%dma_wait3A_40, %dma_wait3A_41] : memref<80x128xi32, #tpu.memory_space<vmem>> -> memref<77x128xi32, #tpu.memory_space<vmem>>
        %dma_wait3A_43 = arith.constant 0 : i32
        %dma_wait3A_44 = arith.constant 0 : i32
        %dma_wait3A_45 = tpu.memref_slice %arg5[%arg1, %dma_wait3A_43, %dma_wait3A_44] : memref<16x77x128xi32, #tpu.memory_space<hbm>> -> memref<1x77x128xi32, #tpu.memory_space<hbm>>
        %dma_wait3A_46 = tpu.memref_squeeze %dma_wait3A_45 : memref<1x77x128xi32, #tpu.memory_space<hbm>> -> memref<77x128xi32, #tpu.memory_space<hbm>>
        tpu.wait_dma2 semaphore(%run_scoped3A : memref<!tpu.dma_semaphore, #tpu.memory_space<semaphore_mem>>) src(%dma_wait3A_46 : memref<77x128xi32, #tpu.memory_space<hbm>>) dst(%dma_wait3A_42 : memref<77x128xi32, #tpu.memory_space<vmem>>)
        tpu.yield
      }) : () -> ()
      "tpu.region"() ({
        %run_scoped3A = tpu.sem_alloc : memref<!tpu.dma_semaphore, #tpu.memory_space<semaphore_mem>>
        %dma_start3A = arith.constant 0 : i32
        %dma_start3A_21 = arith.constant 0 : i32
        %dma_start3A_22 = tpu.memref_slice %arg10[%dma_start3A, %dma_start3A_21] : memref<80x128xi32, #tpu.memory_space<vmem>> -> memref<77x128xi32, #tpu.memory_space<vmem>>
        %dma_start3A_23 = arith.constant 0 : i32
        %dma_start3A_24 = arith.constant 0 : i32
        %dma_start3A_25 = tpu.memref_slice %arg6[%arg1, %dma_start3A_23, %dma_start3A_24] : memref<16x77x128xi32, #tpu.memory_space<hbm>> -> memref<1x77x128xi32, #tpu.memory_space<hbm>>
        %dma_start3A_26 = tpu.memref_squeeze %dma_start3A_25 : memref<1x77x128xi32, #tpu.memory_space<hbm>> -> memref<77x128xi32, #tpu.memory_space<hbm>>
        %dma_start3A_27 = arith.constant 0 : i32
        %dma_start3A_28 = arith.constant 0 : i32
        %dma_start3A_29 = tpu.memref_slice %arg10[%dma_start3A_27, %dma_start3A_28] : memref<80x128xi32, #tpu.memory_space<vmem>> -> memref<77x128xi32, #tpu.memory_space<vmem>>
        %dma_start3A_30 = arith.constant 0 : i32
        %dma_start3A_31 = arith.constant 0 : i32
        %dma_start3A_32 = tpu.memref_slice %arg6[%arg1, %dma_start3A_30, %dma_start3A_31] : memref<16x77x128xi32, #tpu.memory_space<hbm>> -> memref<1x77x128xi32, #tpu.memory_space<hbm>>
        %dma_start3A_33 = tpu.memref_squeeze %dma_start3A_32 : memref<1x77x128xi32, #tpu.memory_space<hbm>> -> memref<77x128xi32, #tpu.memory_space<hbm>>
        tpu.enqueue_dma source(%dma_start3A_33 : memref<77x128xi32, #tpu.memory_space<hbm>>) target(%dma_start3A_29 : memref<77x128xi32, #tpu.memory_space<vmem>>) target_semaphore(%run_scoped3A : memref<!tpu.dma_semaphore, #tpu.memory_space<semaphore_mem>>)
        %dma_wait3A = arith.constant 0 : i32
        %dma_wait3A_34 = arith.constant 0 : i32
        %dma_wait3A_35 = tpu.memref_slice %arg10[%dma_wait3A, %dma_wait3A_34] : memref<80x128xi32, #tpu.memory_space<vmem>> -> memref<77x128xi32, #tpu.memory_space<vmem>>
        %dma_wait3A_36 = arith.constant 0 : i32
        %dma_wait3A_37 = arith.constant 0 : i32
        %dma_wait3A_38 = tpu.memref_slice %arg6[%arg1, %dma_wait3A_36, %dma_wait3A_37] : memref<16x77x128xi32, #tpu.memory_space<hbm>> -> memref<1x77x128xi32, #tpu.memory_space<hbm>>
        %dma_wait3A_39 = tpu.memref_squeeze %dma_wait3A_38 : memref<1x77x128xi32, #tpu.memory_space<hbm>> -> memref<77x128xi32, #tpu.memory_space<hbm>>
        %dma_wait3A_40 = arith.constant 0 : i32
        %dma_wait3A_41 = arith.constant 0 : i32
        %dma_wait3A_42 = tpu.memref_slice %arg10[%dma_wait3A_40, %dma_wait3A_41] : memref<80x128xi32, #tpu.memory_space<vmem>> -> memref<77x128xi32, #tpu.memory_space<vmem>>
        %dma_wait3A_43 = arith.constant 0 : i32
        %dma_wait3A_44 = arith.constant 0 : i32
        %dma_wait3A_45 = tpu.memref_slice %arg6[%arg1, %dma_wait3A_43, %dma_wait3A_44] : memref<16x77x128xi32, #tpu.memory_space<hbm>> -> memref<1x77x128xi32, #tpu.memory_space<hbm>>
        %dma_wait3A_46 = tpu.memref_squeeze %dma_wait3A_45 : memref<1x77x128xi32, #tpu.memory_space<hbm>> -> memref<77x128xi32, #tpu.memory_space<hbm>>
        tpu.wait_dma2 semaphore(%run_scoped3A : memref<!tpu.dma_semaphore, #tpu.memory_space<semaphore_mem>>) src(%dma_wait3A_46 : memref<77x128xi32, #tpu.memory_space<hbm>>) dst(%dma_wait3A_42 : memref<77x128xi32, #tpu.memory_space<vmem>>)
        tpu.yield
      }) : () -> ()
    } else {
    }
    %barrier3A = arith.constant 0 : index
    tpu.barrier barrier_id(%barrier3A)
    %eq3A_8 = arith.constant 0 : i32
    %eq3A_9 = arith.cmpi eq, %arg0, %eq3A_8 : i32
    %jit3A = arith.constant 80 : i32
    %jit3A_10 = arith.constant 77 : i32
    %select_n3A = arith.select %eq3A_9, %jit3A, %jit3A_10 : i32
    %while3A = arith.constant 0 : i32
    %while3A_11 = arith.constant 0 : i32
    %while3A_12 = arith.subi %select_n3A, %while3A_11 : i32
    %while3A_13 = arith.addi %while3A_11, %while3A_12 : i32
    %while3A_14 = arith.constant 1 : i32
    %while3A_15 = arith.divsi %while3A_12, %while3A_14 : i32
    %while3A_16 = arith.muli %while3A_15, %while3A_14 : i32
    %while3A_17 = arith.addi %while3A_11, %while3A_16 : i32
    %while3A_18 = arith.constant 1 : i32
    scf.for %while3A_21 = %while3A_11 to %while3A_17 step %while3A_18  : i32 {
      "tpu.region"() ({
        %run_scoped3A = tpu.sem_alloc : memref<!tpu.dma_semaphore, #tpu.memory_space<semaphore_mem>>
        %dma_start3A = arith.constant 0 : i32
        %dma_start3A_22 = tpu.memref_slice %arg9[%while3A_21, %dma_start3A] : memref<80x128xi32, #tpu.memory_space<vmem>> -> memref<1x128xi32, #tpu.memory_space<vmem>>
        %dma_start3A_23 = tpu.memref_squeeze %dma_start3A_22 : memref<1x128xi32, #tpu.memory_space<vmem>> -> memref<128xi32, #tpu.memory_space<vmem>>
        %dma_start3A_24 = arith.constant 0 : i32
        %dma_start3A_25 = arith.constant 0 : i32
        %dma_start3A_26 = tpu.memref_slice %arg2[%dma_start3A_24, %dma_start3A_25] : memref<10240x128xf32, #tpu.memory_space<hbm>> -> memref<10240x128xf32, #tpu.memory_space<hbm>>
        tpu.enqueue_indirect_dma source(%dma_start3A_26 : memref<10240x128xf32, #tpu.memory_space<hbm>>) target(%arg11 : memref<128x128xf32, #tpu.memory_space<vmem>>) offsets(%dma_start3A_23 : memref<128xi32, #tpu.memory_space<vmem>>) semaphore(%run_scoped3A : memref<!tpu.dma_semaphore, #tpu.memory_space<semaphore_mem>>)
        %dma_wait3A = arith.constant 0 : i32
        %dma_wait3A_27 = tpu.memref_slice %arg9[%while3A_21, %dma_wait3A] : memref<80x128xi32, #tpu.memory_space<vmem>> -> memref<1x128xi32, #tpu.memory_space<vmem>>
        %dma_wait3A_28 = tpu.memref_squeeze %dma_wait3A_27 : memref<1x128xi32, #tpu.memory_space<vmem>> -> memref<128xi32, #tpu.memory_space<vmem>>
        %dma_wait3A_29 = arith.constant 0 : i32
        %dma_wait3A_30 = arith.constant 0 : i32
        %dma_wait3A_31 = tpu.memref_slice %arg2[%dma_wait3A_29, %dma_wait3A_30] : memref<10240x128xf32, #tpu.memory_space<hbm>> -> memref<10240x128xf32, #tpu.memory_space<hbm>>
        tpu.wait_indirect_dma semaphore(%run_scoped3A : memref<!tpu.dma_semaphore, #tpu.memory_space<semaphore_mem>>) src(%dma_wait3A_31 : memref<10240x128xf32, #tpu.memory_space<hbm>>) dst(%arg11 : memref<128x128xf32, #tpu.memory_space<vmem>>)
        tpu.yield
      }) : () -> ()
      "tpu.region"() ({
        %run_scoped3A = tpu.sem_alloc : memref<!tpu.dma_semaphore, #tpu.memory_space<semaphore_mem>>
        %dma_start3A = arith.constant 0 : i32
        %dma_start3A_22 = tpu.memref_slice %arg10[%while3A_21, %dma_start3A] : memref<80x128xi32, #tpu.memory_space<vmem>> -> memref<1x128xi32, #tpu.memory_space<vmem>>
        %dma_start3A_23 = tpu.memref_squeeze %dma_start3A_22 : memref<1x128xi32, #tpu.memory_space<vmem>> -> memref<128xi32, #tpu.memory_space<vmem>>
        %dma_start3A_24 = arith.constant 0 : i32
        %dma_start3A_25 = arith.constant 0 : i32
        %dma_start3A_26 = tpu.memref_slice %arg12[%dma_start3A_24, %dma_start3A_25] : memref<10240x128xf32, #tpu.memory_space<vmem_shared>> -> memref<10240x128xf32, #tpu.memory_space<vmem_shared>>
        tpu.enqueue_indirect_dma source(%arg11 : memref<128x128xf32, #tpu.memory_space<vmem>>) target(%dma_start3A_26 : memref<10240x128xf32, #tpu.memory_space<vmem_shared>>) offsets(%dma_start3A_23 : memref<128xi32, #tpu.memory_space<vmem>>) semaphore(%run_scoped3A : memref<!tpu.dma_semaphore, #tpu.memory_space<semaphore_mem>>) {add = true}
        %dma_wait3A = arith.constant 0 : i32
        %dma_wait3A_27 = tpu.memref_slice %arg10[%while3A_21, %dma_wait3A] : memref<80x128xi32, #tpu.memory_space<vmem>> -> memref<1x128xi32, #tpu.memory_space<vmem>>
        %dma_wait3A_28 = tpu.memref_squeeze %dma_wait3A_27 : memref<1x128xi32, #tpu.memory_space<vmem>> -> memref<128xi32, #tpu.memory_space<vmem>>
        %dma_wait3A_29 = arith.constant 0 : i32
        %dma_wait3A_30 = arith.constant 0 : i32
        %dma_wait3A_31 = tpu.memref_slice %arg12[%dma_wait3A_29, %dma_wait3A_30] : memref<10240x128xf32, #tpu.memory_space<vmem_shared>> -> memref<10240x128xf32, #tpu.memory_space<vmem_shared>>
        tpu.wait_indirect_dma semaphore(%run_scoped3A : memref<!tpu.dma_semaphore, #tpu.memory_space<semaphore_mem>>) src(%arg11 : memref<128x128xf32, #tpu.memory_space<vmem>>) dst(%dma_wait3A_31 : memref<10240x128xf32, #tpu.memory_space<vmem_shared>>)
        tpu.yield
      }) : () -> ()
    }
    %while3A_19 = arith.constant 1 : i32
    scf.for %while3A_21 = %while3A_17 to %while3A_13 step %while3A_19  : i32 {
      "tpu.region"() ({
        %run_scoped3A = tpu.sem_alloc : memref<!tpu.dma_semaphore, #tpu.memory_space<semaphore_mem>>
        %dma_start3A = arith.constant 0 : i32
        %dma_start3A_22 = tpu.memref_slice %arg9[%while3A_21, %dma_start3A] : memref<80x128xi32, #tpu.memory_space<vmem>> -> memref<1x128xi32, #tpu.memory_space<vmem>>
        %dma_start3A_23 = tpu.memref_squeeze %dma_start3A_22 : memref<1x128xi32, #tpu.memory_space<vmem>> -> memref<128xi32, #tpu.memory_space<vmem>>
        %dma_start3A_24 = arith.constant 0 : i32
        %dma_start3A_25 = arith.constant 0 : i32
        %dma_start3A_26 = tpu.memref_slice %arg2[%dma_start3A_24, %dma_start3A_25] : memref<10240x128xf32, #tpu.memory_space<hbm>> -> memref<10240x128xf32, #tpu.memory_space<hbm>>
        tpu.enqueue_indirect_dma source(%dma_start3A_26 : memref<10240x128xf32, #tpu.memory_space<hbm>>) target(%arg11 : memref<128x128xf32, #tpu.memory_space<vmem>>) offsets(%dma_start3A_23 : memref<128xi32, #tpu.memory_space<vmem>>) semaphore(%run_scoped3A : memref<!tpu.dma_semaphore, #tpu.memory_space<semaphore_mem>>)
        %dma_wait3A = arith.constant 0 : i32
        %dma_wait3A_27 = tpu.memref_slice %arg9[%while3A_21, %dma_wait3A] : memref<80x128xi32, #tpu.memory_space<vmem>> -> memref<1x128xi32, #tpu.memory_space<vmem>>
        %dma_wait3A_28 = tpu.memref_squeeze %dma_wait3A_27 : memref<1x128xi32, #tpu.memory_space<vmem>> -> memref<128xi32, #tpu.memory_space<vmem>>
        %dma_wait3A_29 = arith.constant 0 : i32
        %dma_wait3A_30 = arith.constant 0 : i32
        %dma_wait3A_31 = tpu.memref_slice %arg2[%dma_wait3A_29, %dma_wait3A_30] : memref<10240x128xf32, #tpu.memory_space<hbm>> -> memref<10240x128xf32, #tpu.memory_space<hbm>>
        tpu.wait_indirect_dma semaphore(%run_scoped3A : memref<!tpu.dma_semaphore, #tpu.memory_space<semaphore_mem>>) src(%dma_wait3A_31 : memref<10240x128xf32, #tpu.memory_space<hbm>>) dst(%arg11 : memref<128x128xf32, #tpu.memory_space<vmem>>)
        tpu.yield
      }) : () -> ()
      "tpu.region"() ({
        %run_scoped3A = tpu.sem_alloc : memref<!tpu.dma_semaphore, #tpu.memory_space<semaphore_mem>>
        %dma_start3A = arith.constant 0 : i32
        %dma_start3A_22 = tpu.memref_slice %arg10[%while3A_21, %dma_start3A] : memref<80x128xi32, #tpu.memory_space<vmem>> -> memref<1x128xi32, #tpu.memory_space<vmem>>
        %dma_start3A_23 = tpu.memref_squeeze %dma_start3A_22 : memref<1x128xi32, #tpu.memory_space<vmem>> -> memref<128xi32, #tpu.memory_space<vmem>>
        %dma_start3A_24 = arith.constant 0 : i32
        %dma_start3A_25 = arith.constant 0 : i32
        %dma_start3A_26 = tpu.memref_slice %arg12[%dma_start3A_24, %dma_start3A_25] : memref<10240x128xf32, #tpu.memory_space<vmem_shared>> -> memref<10240x128xf32, #tpu.memory_space<vmem_shared>>
        tpu.enqueue_indirect_dma source(%arg11 : memref<128x128xf32, #tpu.memory_space<vmem>>) target(%dma_start3A_26 : memref<10240x128xf32, #tpu.memory_space<vmem_shared>>) offsets(%dma_start3A_23 : memref<128xi32, #tpu.memory_space<vmem>>) semaphore(%run_scoped3A : memref<!tpu.dma_semaphore, #tpu.memory_space<semaphore_mem>>) {add = true}
        %dma_wait3A = arith.constant 0 : i32
        %dma_wait3A_27 = tpu.memref_slice %arg10[%while3A_21, %dma_wait3A] : memref<80x128xi32, #tpu.memory_space<vmem>> -> memref<1x128xi32, #tpu.memory_space<vmem>>
        %dma_wait3A_28 = tpu.memref_squeeze %dma_wait3A_27 : memref<1x128xi32, #tpu.memory_space<vmem>> -> memref<128xi32, #tpu.memory_space<vmem>>
        %dma_wait3A_29 = arith.constant 0 : i32
        %dma_wait3A_30 = arith.constant 0 : i32
        %dma_wait3A_31 = tpu.memref_slice %arg12[%dma_wait3A_29, %dma_wait3A_30] : memref<10240x128xf32, #tpu.memory_space<vmem_shared>> -> memref<10240x128xf32, #tpu.memory_space<vmem_shared>>
        tpu.wait_indirect_dma semaphore(%run_scoped3A : memref<!tpu.dma_semaphore, #tpu.memory_space<semaphore_mem>>) src(%arg11 : memref<128x128xf32, #tpu.memory_space<vmem>>) dst(%dma_wait3A_31 : memref<10240x128xf32, #tpu.memory_space<vmem_shared>>)
        tpu.yield
      }) : () -> ()
    }
    %barrier3A_20 = arith.constant 0 : index
    tpu.barrier barrier_id(%barrier3A_20)
    "tpu.region"() ({
      %run_scoped3A = tpu.sem_alloc : memref<!tpu.dma_semaphore, #tpu.memory_space<semaphore_mem>>
      %dma_start3A = arith.constant 0 : i32
      %dma_start3A_21 = arith.constant 0 : i32
      %dma_start3A_22 = tpu.memref_slice %arg8[%arg0, %dma_start3A, %dma_start3A_21] : memref<2x10240x128xf32, #tpu.memory_space<hbm>> -> memref<1x10240x128xf32, #tpu.memory_space<hbm>>
      %dma_start3A_23 = tpu.memref_squeeze %dma_start3A_22 : memref<1x10240x128xf32, #tpu.memory_space<hbm>> -> memref<10240x128xf32, #tpu.memory_space<hbm>>
      %dma_start3A_24 = arith.constant 0 : i32
      %dma_start3A_25 = tpu.memref_slice %dma_start3A_23[%mul3A_0, %dma_start3A_24] : memref<10240x128xf32, #tpu.memory_space<hbm>> -> memref<640x128xf32, #tpu.memory_space<hbm>>
      %dma_start3A_26 = arith.constant 0 : i32
      %dma_start3A_27 = tpu.memref_slice %arg12[%mul3A_0, %dma_start3A_26] : memref<10240x128xf32, #tpu.memory_space<vmem_shared>> -> memref<640x128xf32, #tpu.memory_space<vmem_shared>>
      tpu.enqueue_dma source(%dma_start3A_27 : memref<640x128xf32, #tpu.memory_space<vmem_shared>>) target(%dma_start3A_25 : memref<640x128xf32, #tpu.memory_space<hbm>>) target_semaphore(%run_scoped3A : memref<!tpu.dma_semaphore, #tpu.memory_space<semaphore_mem>>)
      %dma_wait3A = arith.constant 0 : i32
      %dma_wait3A_28 = arith.constant 0 : i32
      %dma_wait3A_29 = tpu.memref_slice %arg8[%arg0, %dma_wait3A, %dma_wait3A_28] : memref<2x10240x128xf32, #tpu.memory_space<hbm>> -> memref<1x10240x128xf32, #tpu.memory_space<hbm>>
      %dma_wait3A_30 = tpu.memref_squeeze %dma_wait3A_29 : memref<1x10240x128xf32, #tpu.memory_space<hbm>> -> memref<10240x128xf32, #tpu.memory_space<hbm>>
      %dma_wait3A_31 = arith.constant 0 : i32
      %dma_wait3A_32 = tpu.memref_slice %dma_wait3A_30[%mul3A_0, %dma_wait3A_31] : memref<10240x128xf32, #tpu.memory_space<hbm>> -> memref<640x128xf32, #tpu.memory_space<hbm>>
      %dma_wait3A_33 = arith.constant 0 : i32
      %dma_wait3A_34 = tpu.memref_slice %arg12[%mul3A_0, %dma_wait3A_33] : memref<10240x128xf32, #tpu.memory_space<vmem_shared>> -> memref<640x128xf32, #tpu.memory_space<vmem_shared>>
      tpu.wait_dma2 semaphore(%run_scoped3A : memref<!tpu.dma_semaphore, #tpu.memory_space<semaphore_mem>>) src(%dma_wait3A_34 : memref<640x128xf32, #tpu.memory_space<vmem_shared>>) dst(%dma_wait3A_32 : memref<640x128xf32, #tpu.memory_space<hbm>>)
      tpu.yield
    }) : () -> ()
    return
  }
}

module attributes {stable_mosaic.version = 14 : i64} {
  func.func @_scale1_body(%arg0: i32, %arg1: memref<512x128xf32, #tpu.memory_space<vmem>>, %arg2: memref<2x512xf32, #tpu.memory_space<vmem>>, %arg3: memref<512x128xf32, #tpu.memory_space<vmem>>) attributes {dimension_semantics = [#tpu.dimension_semantics<arbitrary>], iteration_bounds = array<i64: 20>, scalar_prefetch = 0 : i64, scratch_operands = 0 : i64, tpu.core_type = #tpu.core_type<tc>, window_params = [{transform_indices = @transform_0, window_bounds = array<i64: 512, 128>}, {transform_indices = @transform_1, window_bounds = array<i64: 2, 512>}, {transform_indices = @transform_2, window_bounds = array<i64: 512, 128>}]} {
    %get3A = arith.constant 0 : index
    %get3A_0 = arith.constant 0 : index
    %get3A_1 = vector.load %arg2[%get3A, %get3A_0] : memref<2x512xf32, #tpu.memory_space<vmem>>, vector<1x512xf32>
    %get3A_2 = vector.shape_cast %get3A_1 : vector<1x512xf32> to vector<512xf32>
    %get3A_3 = arith.constant 1 : index
    %get3A_4 = arith.constant 0 : index
    %get3A_5 = vector.load %arg2[%get3A_3, %get3A_4] : memref<2x512xf32, #tpu.memory_space<vmem>>, vector<1x512xf32>
    %get3A_6 = vector.shape_cast %get3A_5 : vector<1x512xf32> to vector<512xf32>
    %add3A = arith.addf %get3A_2, %get3A_6 : vector<512xf32>
    %gt3A = arith.constant 0.000000e+00 : f32
    %gt3A_7 = vector.broadcast %gt3A : f32 to vector<512xf32>
    %gt3A_8 = arith.cmpf ogt, %add3A, %gt3A_7 : vector<512xf32>
    %rsqrt3A = math.rsqrt %add3A : vector<512xf32>
    %jit3A = arith.constant 0.000000e+00 : f32
    %broadcast_in_dim3A = vector.broadcast %jit3A : f32 to vector<512xf32>
    %select_n3A = arith.select %gt3A_8, %rsqrt3A, %broadcast_in_dim3A : vector<512xi1>, vector<512xf32>
    %broadcast_in_dim3A_9 = vector.shape_cast %select_n3A : vector<512xf32> to vector<512x1xf32>
    %get3A_10 = arith.constant 0 : index
    %get3A_11 = arith.constant 0 : index
    %get3A_12 = vector.load %arg1[%get3A_10, %get3A_11] : memref<512x128xf32, #tpu.memory_space<vmem>>, vector<512x128xf32>
    %mul3A = vector.broadcast %broadcast_in_dim3A_9 : vector<512x1xf32> to vector<512x128xf32>
    %mul3A_13 = arith.mulf %mul3A, %get3A_12 : vector<512x128xf32>
    %swap3A = arith.constant 0 : index
    %swap3A_14 = arith.constant 0 : index
    %swap3A_15 = vector.load %arg3[%swap3A, %swap3A_14] : memref<512x128xf32, #tpu.memory_space<vmem>>, vector<512x128xf32>
    tpu.vector_store %arg3[%swap3A, %swap3A_14], %mul3A_13 {strides = array<i32>} : memref<512x128xf32, #tpu.memory_space<vmem>>, vector<512x128xf32>,
    return
  }
  func.func @transform_0(%arg0: i32) -> (i32, i32) {
    %c0_i32 = arith.constant 0 : i32
    %c0_i32_0 = arith.constant 0 : i32
    return %arg0, %c0_i32 : i32, i32
  }
  func.func @transform_1(%arg0: i32) -> (i32, i32) {
    %c0_i32 = arith.constant 0 : i32
    %c0_i32_0 = arith.constant 0 : i32
    return %c0_i32, %arg0 : i32, i32
  }
  func.func @transform_2(%arg0: i32) -> (i32, i32) {
    %c0_i32 = arith.constant 0 : i32
    %c0_i32_0 = arith.constant 0 : i32
    return %arg0, %c0_i32 : i32, i32
  }
}

module attributes {stable_mosaic.version = 14 : i64} {
  func.func @_scale2_body(%arg0: i32, %arg1: memref<2x512x128xf32, #tpu.memory_space<vmem>>, %arg2: memref<2x512xf32, #tpu.memory_space<vmem>>, %arg3: memref<512x128xf32, #tpu.memory_space<vmem>>) attributes {dimension_semantics = [#tpu.dimension_semantics<arbitrary>], iteration_bounds = array<i64: 20>, scalar_prefetch = 0 : i64, scratch_operands = 0 : i64, tpu.core_type = #tpu.core_type<tc>, window_params = [{transform_indices = @transform_0, window_bounds = array<i64: 2, 512, 128>}, {transform_indices = @transform_1, window_bounds = array<i64: 2, 512>}, {transform_indices = @transform_2, window_bounds = array<i64: 512, 128>}]} {
    %get3A = arith.constant 0 : index
    %get3A_0 = arith.constant 0 : index
    %get3A_1 = vector.load %arg2[%get3A, %get3A_0] : memref<2x512xf32, #tpu.memory_space<vmem>>, vector<1x512xf32>
    %get3A_2 = vector.shape_cast %get3A_1 : vector<1x512xf32> to vector<512xf32>
    %get3A_3 = arith.constant 1 : index
    %get3A_4 = arith.constant 0 : index
    %get3A_5 = vector.load %arg2[%get3A_3, %get3A_4] : memref<2x512xf32, #tpu.memory_space<vmem>>, vector<1x512xf32>
    %get3A_6 = vector.shape_cast %get3A_5 : vector<1x512xf32> to vector<512xf32>
    %add3A = arith.addf %get3A_2, %get3A_6 : vector<512xf32>
    %gt3A = arith.constant 0.000000e+00 : f32
    %gt3A_7 = vector.broadcast %gt3A : f32 to vector<512xf32>
    %gt3A_8 = arith.cmpf ogt, %add3A, %gt3A_7 : vector<512xf32>
    %rsqrt3A = math.rsqrt %add3A : vector<512xf32>
    %jit3A = arith.constant 0.000000e+00 : f32
    %broadcast_in_dim3A = vector.broadcast %jit3A : f32 to vector<512xf32>
    %select_n3A = arith.select %gt3A_8, %rsqrt3A, %broadcast_in_dim3A : vector<512xi1>, vector<512xf32>
    %mul3A = arith.mulf %select_n3A, %select_n3A : vector<512xf32>
    %broadcast_in_dim3A_9 = vector.shape_cast %mul3A : vector<512xf32> to vector<512x1xf32>
    %get3A_10 = arith.constant 0 : index
    %get3A_11 = arith.constant 0 : index
    %get3A_12 = arith.constant 0 : index
    %get3A_13 = vector.load %arg1[%get3A_10, %get3A_11, %get3A_12] : memref<2x512x128xf32, #tpu.memory_space<vmem>>, vector<1x512x128xf32>
    %get3A_14 = vector.shape_cast %get3A_13 : vector<1x512x128xf32> to vector<512x128xf32>
    %get3A_15 = arith.constant 1 : index
    %get3A_16 = arith.constant 0 : index
    %get3A_17 = arith.constant 0 : index
    %get3A_18 = vector.load %arg1[%get3A_15, %get3A_16, %get3A_17] : memref<2x512x128xf32, #tpu.memory_space<vmem>>, vector<1x512x128xf32>
    %get3A_19 = vector.shape_cast %get3A_18 : vector<1x512x128xf32> to vector<512x128xf32>
    %add3A_20 = arith.addf %get3A_14, %get3A_19 : vector<512x128xf32>
    %mul3A_21 = vector.broadcast %broadcast_in_dim3A_9 : vector<512x1xf32> to vector<512x128xf32>
    %mul3A_22 = arith.mulf %mul3A_21, %add3A_20 : vector<512x128xf32>
    %swap3A = arith.constant 0 : index
    %swap3A_23 = arith.constant 0 : index
    %swap3A_24 = vector.load %arg3[%swap3A, %swap3A_23] : memref<512x128xf32, #tpu.memory_space<vmem>>, vector<512x128xf32>
    tpu.vector_store %arg3[%swap3A, %swap3A_23], %mul3A_22 {strides = array<i32>} : memref<512x128xf32, #tpu.memory_space<vmem>>, vector<512x128xf32>,
    return
  }
  func.func @transform_0(%arg0: i32) -> (i32, i32, i32) {
    %c0_i32 = arith.constant 0 : i32
    %c0_i32_0 = arith.constant 0 : i32
    %c0_i32_1 = arith.constant 0 : i32
    return %c0_i32, %arg0, %c0_i32_0 : i32, i32, i32
  }
  func.func @transform_1(%arg0: i32) -> (i32, i32) {
    %c0_i32 = arith.constant 0 : i32
    %c0_i32_0 = arith.constant 0 : i32
    return %c0_i32, %arg0 : i32, i32
  }
  func.func @transform_2(%arg0: i32) -> (i32, i32) {
    %c0_i32 = arith.constant 0 : i32
    %c0_i32_0 = arith.constant 0 : i32
    return %arg0, %c0_i32 : i32, i32
  }
}

module attributes {stable_mosaic.version = 14 : i64} {
  func.func @_combine_body(%arg0: i32, %arg1: memref<512x128xf32, #tpu.memory_space<vmem>>, %arg2: memref<2x512x128xf32, #tpu.memory_space<vmem>>, %arg3: memref<2x512x128xf32, #tpu.memory_space<vmem>>, %arg4: memref<2x512xf32, #tpu.memory_space<vmem>>, %arg5: memref<3x128x128xf32, #tpu.memory_space<vmem>>, %arg6: memref<1x128xf32, #tpu.memory_space<vmem>>, %arg7: memref<512x128xf32, #tpu.memory_space<vmem>>, %arg8: memref<512x128xf32, #tpu.memory_space<vmem>>) attributes {dimension_semantics = [#tpu.dimension_semantics<arbitrary>], iteration_bounds = array<i64: 20>, scalar_prefetch = 0 : i64, scratch_operands = 0 : i64, tpu.core_type = #tpu.core_type<tc>, window_params = [{transform_indices = @transform_0, window_bounds = array<i64: 512, 128>}, {transform_indices = @transform_1, window_bounds = array<i64: 2, 512, 128>}, {transform_indices = @transform_2, window_bounds = array<i64: 2, 512, 128>}, {transform_indices = @transform_3, window_bounds = array<i64: 2, 512>}, {pipeline_mode = #tpu.pipeline_mode<synchronous>, transform_indices = @transform_4, window_bounds = array<i64: 3, 128, 128>}, {pipeline_mode = #tpu.pipeline_mode<synchronous>, transform_indices = @transform_5, window_bounds = array<i64: 1, 128>}, {transform_indices = @transform_6, window_bounds = array<i64: 512, 128>}, {transform_indices = @transform_7, window_bounds = array<i64: 512, 128>}]} {
    %get3A = arith.constant 0 : index
    %get3A_0 = arith.constant 0 : index
    %get3A_1 = vector.load %arg4[%get3A, %get3A_0] : memref<2x512xf32, #tpu.memory_space<vmem>>, vector<1x512xf32>
    %get3A_2 = vector.shape_cast %get3A_1 : vector<1x512xf32> to vector<512xf32>
    %get3A_3 = arith.constant 1 : index
    %get3A_4 = arith.constant 0 : index
    %get3A_5 = vector.load %arg4[%get3A_3, %get3A_4] : memref<2x512xf32, #tpu.memory_space<vmem>>, vector<1x512xf32>
    %get3A_6 = vector.shape_cast %get3A_5 : vector<1x512xf32> to vector<512xf32>
    %add3A = arith.addf %get3A_2, %get3A_6 : vector<512xf32>
    %gt3A = arith.constant 0.000000e+00 : f32
    %gt3A_7 = vector.broadcast %gt3A : f32 to vector<512xf32>
    %gt3A_8 = arith.cmpf ogt, %add3A, %gt3A_7 : vector<512xf32>
    %rsqrt3A = math.rsqrt %add3A : vector<512xf32>
    %jit3A = arith.constant 0.000000e+00 : f32
    %broadcast_in_dim3A = vector.broadcast %jit3A : f32 to vector<512xf32>
    %select_n3A = arith.select %gt3A_8, %rsqrt3A, %broadcast_in_dim3A : vector<512xi1>, vector<512xf32>
    %broadcast_in_dim3A_9 = vector.shape_cast %select_n3A : vector<512xf32> to vector<512x1xf32>
    %get3A_10 = arith.constant 0 : index
    %get3A_11 = arith.constant 0 : index
    %get3A_12 = arith.constant 0 : index
    %get3A_13 = vector.load %arg2[%get3A_10, %get3A_11, %get3A_12] : memref<2x512x128xf32, #tpu.memory_space<vmem>>, vector<1x512x128xf32>
    %get3A_14 = vector.shape_cast %get3A_13 : vector<1x512x128xf32> to vector<512x128xf32>
    %get3A_15 = arith.constant 1 : index
    %get3A_16 = arith.constant 0 : index
    %get3A_17 = arith.constant 0 : index
    %get3A_18 = vector.load %arg2[%get3A_15, %get3A_16, %get3A_17] : memref<2x512x128xf32, #tpu.memory_space<vmem>>, vector<1x512x128xf32>
    %get3A_19 = vector.shape_cast %get3A_18 : vector<1x512x128xf32> to vector<512x128xf32>
    %add3A_20 = arith.addf %get3A_14, %get3A_19 : vector<512x128xf32>
    %mul3A = vector.broadcast %broadcast_in_dim3A_9 : vector<512x1xf32> to vector<512x128xf32>
    %mul3A_21 = arith.mulf %mul3A, %add3A_20 : vector<512x128xf32>
    %broadcast_in_dim3A_22 = vector.shape_cast %select_n3A : vector<512xf32> to vector<512x1xf32>
    %get3A_23 = arith.constant 0 : index
    %get3A_24 = arith.constant 0 : index
    %get3A_25 = arith.constant 0 : index
    %get3A_26 = vector.load %arg3[%get3A_23, %get3A_24, %get3A_25] : memref<2x512x128xf32, #tpu.memory_space<vmem>>, vector<1x512x128xf32>
    %get3A_27 = vector.shape_cast %get3A_26 : vector<1x512x128xf32> to vector<512x128xf32>
    %get3A_28 = arith.constant 1 : index
    %get3A_29 = arith.constant 0 : index
    %get3A_30 = arith.constant 0 : index
    %get3A_31 = vector.load %arg3[%get3A_28, %get3A_29, %get3A_30] : memref<2x512x128xf32, #tpu.memory_space<vmem>>, vector<1x512x128xf32>
    %get3A_32 = vector.shape_cast %get3A_31 : vector<1x512x128xf32> to vector<512x128xf32>
    %add3A_33 = arith.addf %get3A_27, %get3A_32 : vector<512x128xf32>
    %mul3A_34 = vector.broadcast %broadcast_in_dim3A_22 : vector<512x1xf32> to vector<512x128xf32>
    %mul3A_35 = arith.mulf %mul3A_34, %add3A_33 : vector<512x128xf32>
    %get3A_36 = arith.constant 0 : index
    %get3A_37 = arith.constant 0 : index
    %get3A_38 = arith.constant 0 : index
    %get3A_39 = vector.load %arg5[%get3A_36, %get3A_37, %get3A_38] : memref<3x128x128xf32, #tpu.memory_space<vmem>>, vector<1x128x128xf32>
    %get3A_40 = vector.shape_cast %get3A_39 : vector<1x128x128xf32> to vector<128x128xf32>
    %get3A_41 = arith.constant 2 : index
    %get3A_42 = arith.constant 0 : index
    %get3A_43 = arith.constant 0 : index
    %get3A_44 = vector.load %arg5[%get3A_41, %get3A_42, %get3A_43] : memref<3x128x128xf32, #tpu.memory_space<vmem>>, vector<1x128x128xf32>
    %get3A_45 = vector.shape_cast %get3A_44 : vector<1x128x128xf32> to vector<128x128xf32>
    %sub3A = arith.subf %get3A_40, %get3A_45 : vector<128x128xf32>
    %get3A_46 = arith.constant 0 : index
    %get3A_47 = arith.constant 0 : index
    %get3A_48 = vector.load %arg1[%get3A_46, %get3A_47] : memref<512x128xf32, #tpu.memory_space<vmem>>, vector<512x128xf32>
    %dot_general3A = arith.constant dense<0.000000e+00> : vector<512x128xf32>
    %dot_general3A_49 = tpu.matmul %get3A_48, %sub3A, %dot_general3A {dimension_numbers = #tpu.dot_dimension_numbers<[1], [0], [0], [1], [0, 0, 1, 1], [], []>, transpose_lhs_hint = false} : vector<512x128xf32>, vector<128x128xf32>, vector<512x128xf32> -> vector<512x128xf32>
    %get3A_50 = arith.constant 1 : index
    %get3A_51 = arith.constant 0 : index
    %get3A_52 = arith.constant 0 : index
    %get3A_53 = vector.load %arg5[%get3A_50, %get3A_51, %get3A_52] : memref<3x128x128xf32, #tpu.memory_space<vmem>>, vector<1x128x128xf32>
    %get3A_54 = vector.shape_cast %get3A_53 : vector<1x128x128xf32> to vector<128x128xf32>
    %dot_general3A_55 = arith.constant dense<0.000000e+00> : vector<512x128xf32>
    %dot_general3A_56 = tpu.matmul %mul3A_21, %get3A_54, %dot_general3A_55 {dimension_numbers = #tpu.dot_dimension_numbers<[1], [0], [0], [1], [0, 0, 1, 1], [], []>, transpose_lhs_hint = false} : vector<512x128xf32>, vector<128x128xf32>, vector<512x128xf32> -> vector<512x128xf32>
    %sub3A_57 = arith.subf %dot_general3A_49, %dot_general3A_56 : vector<512x128xf32>
    %get3A_58 = arith.constant 2 : index
    %get3A_59 = arith.constant 0 : index
    %get3A_60 = arith.constant 0 : index
    %get3A_61 = vector.load %arg5[%get3A_58, %get3A_59, %get3A_60] : memref<3x128x128xf32, #tpu.memory_space<vmem>>, vector<1x128x128xf32>
    %get3A_62 = vector.shape_cast %get3A_61 : vector<1x128x128xf32> to vector<128x128xf32>
    %dot_general3A_63 = arith.constant dense<0.000000e+00> : vector<512x128xf32>
    %dot_general3A_64 = tpu.matmul %mul3A_35, %get3A_62, %dot_general3A_63 {dimension_numbers = #tpu.dot_dimension_numbers<[1], [0], [0], [1], [0, 0, 1, 1], [], []>, transpose_lhs_hint = false} : vector<512x128xf32>, vector<128x128xf32>, vector<512x128xf32> -> vector<512x128xf32>
    %mul3A_65 = arith.constant 2.000000e+00 : f32
    %mul3A_66 = vector.broadcast %mul3A_65 : f32 to vector<512x128xf32>
    %mul3A_67 = arith.mulf %mul3A_66, %dot_general3A_64 : vector<512x128xf32>
    %add3A_68 = arith.addf %sub3A_57, %mul3A_67 : vector<512x128xf32>
    %get3A_69 = arith.constant 0 : index
    %get3A_70 = arith.constant 0 : index
    %get3A_71 = vector.load %arg6[%get3A_69, %get3A_70] : memref<1x128xf32, #tpu.memory_space<vmem>>, vector<1x128xf32>
    %add3A_72 = vector.broadcast %get3A_71 : vector<1x128xf32> to vector<512x128xf32>
    %add3A_73 = arith.addf %add3A_68, %add3A_72 : vector<512x128xf32>
    %max3A = arith.constant 0.000000e+00 : f32
    %max3A_74 = vector.broadcast %max3A : f32 to vector<512x128xf32>
    %max3A_75 = arith.maximumf %add3A_73, %max3A_74 : vector<512x128xf32>
    %mul3A_76 = arith.constant 512 : i32
    %mul3A_77 = arith.muli %arg0, %mul3A_76 : i32
    %iota3A = tpu.iota {dimensions = array<i32: 0>} : vector<512x1xi32>
    %add3A_78 = vector.broadcast %mul3A_77 : i32 to vector<512x1xi32>
    %add3A_79 = arith.addi %add3A_78, %iota3A : vector<512x1xi32>
    %lt3A = arith.constant 10000 : i32
    %lt3A_80 = vector.broadcast %lt3A : i32 to vector<512x1xi32>
    %lt3A_81 = arith.cmpi slt, %add3A_79, %lt3A_80 : vector<512x1xi32>
    %jit3A_82 = arith.constant 0.000000e+00 : f32
    %broadcast_in_dim3A_83 = vector.shape_cast %lt3A_81 : vector<512x1xi1> to vector<512x1xi1>
    %broadcast_in_dim3A_84 = vector.broadcast %broadcast_in_dim3A_83 : vector<512x1xi1> to vector<512x128xi1>
    %broadcast_in_dim3A_85 = vector.broadcast %jit3A_82 : f32 to vector<512x128xf32>
    %select_n3A_86 = arith.select %broadcast_in_dim3A_84, %max3A_75, %broadcast_in_dim3A_85 : vector<512x128xi1>, vector<512x128xf32>
    %swap3A = arith.constant 0 : index
    %swap3A_87 = arith.constant 0 : index
    %swap3A_88 = vector.load %arg7[%swap3A, %swap3A_87] : memref<512x128xf32, #tpu.memory_space<vmem>>, vector<512x128xf32>
    tpu.vector_store %arg7[%swap3A, %swap3A_87], %select_n3A_86 {strides = array<i32>} : memref<512x128xf32, #tpu.memory_space<vmem>>, vector<512x128xf32>,
    %broadcast_in_dim3A_89 = vector.shape_cast %select_n3A : vector<512xf32> to vector<512x1xf32>
    %mul3A_90 = vector.broadcast %broadcast_in_dim3A_89 : vector<512x1xf32> to vector<512x128xf32>
    %mul3A_91 = arith.mulf %mul3A_90, %select_n3A_86 : vector<512x128xf32>
    %swap3A_92 = arith.constant 0 : index
    %swap3A_93 = arith.constant 0 : index
    %swap3A_94 = vector.load %arg8[%swap3A_92, %swap3A_93] : memref<512x128xf32, #tpu.memory_space<vmem>>, vector<512x128xf32>
    tpu.vector_store %arg8[%swap3A_92, %swap3A_93], %mul3A_91 {strides = array<i32>} : memref<512x128xf32, #tpu.memory_space<vmem>>, vector<512x128xf32>,
    return
  }
  func.func @transform_0(%arg0: i32) -> (i32, i32) {
    %c0_i32 = arith.constant 0 : i32
    %c0_i32_0 = arith.constant 0 : i32
    return %arg0, %c0_i32 : i32, i32
  }
  func.func @transform_1(%arg0: i32) -> (i32, i32, i32) {
    %c0_i32 = arith.constant 0 : i32
    %c0_i32_0 = arith.constant 0 : i32
    %c0_i32_1 = arith.constant 0 : i32
    return %c0_i32, %arg0, %c0_i32_0 : i32, i32, i32
  }
  func.func @transform_2(%arg0: i32) -> (i32, i32, i32) {
    %c0_i32 = arith.constant 0 : i32
    %c0_i32_0 = arith.constant 0 : i32
    %c0_i32_1 = arith.constant 0 : i32
    return %c0_i32, %arg0, %c0_i32_0 : i32, i32, i32
  }
  func.func @transform_3(%arg0: i32) -> (i32, i32) {
    %c0_i32 = arith.constant 0 : i32
    %c0_i32_0 = arith.constant 0 : i32
    return %c0_i32, %arg0 : i32, i32
  }
  func.func @transform_4(%arg0: i32) -> (i32, i32, i32) {
    %c0_i32 = arith.constant 0 : i32
    %c0_i32_0 = arith.constant 0 : i32
    %c0_i32_1 = arith.constant 0 : i32
    %c0_i32_2 = arith.constant 0 : i32
    return %c0_i32, %c0_i32_0, %c0_i32_1 : i32, i32, i32
  }
  func.func @transform_5(%arg0: i32) -> (i32, i32) {
    %c0_i32 = arith.constant 0 : i32
    %c0_i32_0 = arith.constant 0 : i32
    %c0_i32_1 = arith.constant 0 : i32
    return %c0_i32, %c0_i32_0 : i32, i32
  }
  func.func @transform_6(%arg0: i32) -> (i32, i32) {
    %c0_i32 = arith.constant 0 : i32
    %c0_i32_0 = arith.constant 0 : i32
    return %arg0, %c0_i32 : i32, i32
  }
  func.func @transform_7(%arg0: i32) -> (i32, i32) {
    %c0_i32 = arith.constant 0 : i32
    %c0_i32_0 = arith.constant 0 : i32
    return %arg0, %c0_i32 : i32, i32
  }
}

module attributes {stable_mosaic.version = 14 : i64} {
  func.func @_combine_body(%arg0: i32, %arg1: memref<512x128xf32, #tpu.memory_space<vmem>>, %arg2: memref<2x512x128xf32, #tpu.memory_space<vmem>>, %arg3: memref<2x512x128xf32, #tpu.memory_space<vmem>>, %arg4: memref<2x512xf32, #tpu.memory_space<vmem>>, %arg5: memref<3x128x128xf32, #tpu.memory_space<vmem>>, %arg6: memref<1x128xf32, #tpu.memory_space<vmem>>, %arg7: memref<512x128xf32, #tpu.memory_space<vmem>>) attributes {dimension_semantics = [#tpu.dimension_semantics<arbitrary>], iteration_bounds = array<i64: 20>, scalar_prefetch = 0 : i64, scratch_operands = 0 : i64, tpu.core_type = #tpu.core_type<tc>, window_params = [{transform_indices = @transform_0, window_bounds = array<i64: 512, 128>}, {transform_indices = @transform_1, window_bounds = array<i64: 2, 512, 128>}, {transform_indices = @transform_2, window_bounds = array<i64: 2, 512, 128>}, {transform_indices = @transform_3, window_bounds = array<i64: 2, 512>}, {pipeline_mode = #tpu.pipeline_mode<synchronous>, transform_indices = @transform_4, window_bounds = array<i64: 3, 128, 128>}, {pipeline_mode = #tpu.pipeline_mode<synchronous>, transform_indices = @transform_5, window_bounds = array<i64: 1, 128>}, {transform_indices = @transform_6, window_bounds = array<i64: 512, 128>}]} {
    %get3A = arith.constant 0 : index
    %get3A_0 = arith.constant 0 : index
    %get3A_1 = vector.load %arg4[%get3A, %get3A_0] : memref<2x512xf32, #tpu.memory_space<vmem>>, vector<1x512xf32>
    %get3A_2 = vector.shape_cast %get3A_1 : vector<1x512xf32> to vector<512xf32>
    %get3A_3 = arith.constant 1 : index
    %get3A_4 = arith.constant 0 : index
    %get3A_5 = vector.load %arg4[%get3A_3, %get3A_4] : memref<2x512xf32, #tpu.memory_space<vmem>>, vector<1x512xf32>
    %get3A_6 = vector.shape_cast %get3A_5 : vector<1x512xf32> to vector<512xf32>
    %add3A = arith.addf %get3A_2, %get3A_6 : vector<512xf32>
    %gt3A = arith.constant 0.000000e+00 : f32
    %gt3A_7 = vector.broadcast %gt3A : f32 to vector<512xf32>
    %gt3A_8 = arith.cmpf ogt, %add3A, %gt3A_7 : vector<512xf32>
    %rsqrt3A = math.rsqrt %add3A : vector<512xf32>
    %jit3A = arith.constant 0.000000e+00 : f32
    %broadcast_in_dim3A = vector.broadcast %jit3A : f32 to vector<512xf32>
    %select_n3A = arith.select %gt3A_8, %rsqrt3A, %broadcast_in_dim3A : vector<512xi1>, vector<512xf32>
    %broadcast_in_dim3A_9 = vector.shape_cast %select_n3A : vector<512xf32> to vector<512x1xf32>
    %get3A_10 = arith.constant 0 : index
    %get3A_11 = arith.constant 0 : index
    %get3A_12 = arith.constant 0 : index
    %get3A_13 = vector.load %arg2[%get3A_10, %get3A_11, %get3A_12] : memref<2x512x128xf32, #tpu.memory_space<vmem>>, vector<1x512x128xf32>
    %get3A_14 = vector.shape_cast %get3A_13 : vector<1x512x128xf32> to vector<512x128xf32>
    %get3A_15 = arith.constant 1 : index
    %get3A_16 = arith.constant 0 : index
    %get3A_17 = arith.constant 0 : index
    %get3A_18 = vector.load %arg2[%get3A_15, %get3A_16, %get3A_17] : memref<2x512x128xf32, #tpu.memory_space<vmem>>, vector<1x512x128xf32>
    %get3A_19 = vector.shape_cast %get3A_18 : vector<1x512x128xf32> to vector<512x128xf32>
    %add3A_20 = arith.addf %get3A_14, %get3A_19 : vector<512x128xf32>
    %mul3A = vector.broadcast %broadcast_in_dim3A_9 : vector<512x1xf32> to vector<512x128xf32>
    %mul3A_21 = arith.mulf %mul3A, %add3A_20 : vector<512x128xf32>
    %broadcast_in_dim3A_22 = vector.shape_cast %select_n3A : vector<512xf32> to vector<512x1xf32>
    %get3A_23 = arith.constant 0 : index
    %get3A_24 = arith.constant 0 : index
    %get3A_25 = arith.constant 0 : index
    %get3A_26 = vector.load %arg3[%get3A_23, %get3A_24, %get3A_25] : memref<2x512x128xf32, #tpu.memory_space<vmem>>, vector<1x512x128xf32>
    %get3A_27 = vector.shape_cast %get3A_26 : vector<1x512x128xf32> to vector<512x128xf32>
    %get3A_28 = arith.constant 1 : index
    %get3A_29 = arith.constant 0 : index
    %get3A_30 = arith.constant 0 : index
    %get3A_31 = vector.load %arg3[%get3A_28, %get3A_29, %get3A_30] : memref<2x512x128xf32, #tpu.memory_space<vmem>>, vector<1x512x128xf32>
    %get3A_32 = vector.shape_cast %get3A_31 : vector<1x512x128xf32> to vector<512x128xf32>
    %add3A_33 = arith.addf %get3A_27, %get3A_32 : vector<512x128xf32>
    %mul3A_34 = vector.broadcast %broadcast_in_dim3A_22 : vector<512x1xf32> to vector<512x128xf32>
    %mul3A_35 = arith.mulf %mul3A_34, %add3A_33 : vector<512x128xf32>
    %get3A_36 = arith.constant 0 : index
    %get3A_37 = arith.constant 0 : index
    %get3A_38 = arith.constant 0 : index
    %get3A_39 = vector.load %arg5[%get3A_36, %get3A_37, %get3A_38] : memref<3x128x128xf32, #tpu.memory_space<vmem>>, vector<1x128x128xf32>
    %get3A_40 = vector.shape_cast %get3A_39 : vector<1x128x128xf32> to vector<128x128xf32>
    %get3A_41 = arith.constant 2 : index
    %get3A_42 = arith.constant 0 : index
    %get3A_43 = arith.constant 0 : index
    %get3A_44 = vector.load %arg5[%get3A_41, %get3A_42, %get3A_43] : memref<3x128x128xf32, #tpu.memory_space<vmem>>, vector<1x128x128xf32>
    %get3A_45 = vector.shape_cast %get3A_44 : vector<1x128x128xf32> to vector<128x128xf32>
    %sub3A = arith.subf %get3A_40, %get3A_45 : vector<128x128xf32>
    %get3A_46 = arith.constant 0 : index
    %get3A_47 = arith.constant 0 : index
    %get3A_48 = vector.load %arg1[%get3A_46, %get3A_47] : memref<512x128xf32, #tpu.memory_space<vmem>>, vector<512x128xf32>
    %dot_general3A = arith.constant dense<0.000000e+00> : vector<512x128xf32>
    %dot_general3A_49 = tpu.matmul %get3A_48, %sub3A, %dot_general3A {dimension_numbers = #tpu.dot_dimension_numbers<[1], [0], [0], [1], [0, 0, 1, 1], [], []>, transpose_lhs_hint = false} : vector<512x128xf32>, vector<128x128xf32>, vector<512x128xf32> -> vector<512x128xf32>
    %get3A_50 = arith.constant 1 : index
    %get3A_51 = arith.constant 0 : index
    %get3A_52 = arith.constant 0 : index
    %get3A_53 = vector.load %arg5[%get3A_50, %get3A_51, %get3A_52] : memref<3x128x128xf32, #tpu.memory_space<vmem>>, vector<1x128x128xf32>
    %get3A_54 = vector.shape_cast %get3A_53 : vector<1x128x128xf32> to vector<128x128xf32>
    %dot_general3A_55 = arith.constant dense<0.000000e+00> : vector<512x128xf32>
    %dot_general3A_56 = tpu.matmul %mul3A_21, %get3A_54, %dot_general3A_55 {dimension_numbers = #tpu.dot_dimension_numbers<[1], [0], [0], [1], [0, 0, 1, 1], [], []>, transpose_lhs_hint = false} : vector<512x128xf32>, vector<128x128xf32>, vector<512x128xf32> -> vector<512x128xf32>
    %sub3A_57 = arith.subf %dot_general3A_49, %dot_general3A_56 : vector<512x128xf32>
    %get3A_58 = arith.constant 2 : index
    %get3A_59 = arith.constant 0 : index
    %get3A_60 = arith.constant 0 : index
    %get3A_61 = vector.load %arg5[%get3A_58, %get3A_59, %get3A_60] : memref<3x128x128xf32, #tpu.memory_space<vmem>>, vector<1x128x128xf32>
    %get3A_62 = vector.shape_cast %get3A_61 : vector<1x128x128xf32> to vector<128x128xf32>
    %dot_general3A_63 = arith.constant dense<0.000000e+00> : vector<512x128xf32>
    %dot_general3A_64 = tpu.matmul %mul3A_35, %get3A_62, %dot_general3A_63 {dimension_numbers = #tpu.dot_dimension_numbers<[1], [0], [0], [1], [0, 0, 1, 1], [], []>, transpose_lhs_hint = false} : vector<512x128xf32>, vector<128x128xf32>, vector<512x128xf32> -> vector<512x128xf32>
    %mul3A_65 = arith.constant 2.000000e+00 : f32
    %mul3A_66 = vector.broadcast %mul3A_65 : f32 to vector<512x128xf32>
    %mul3A_67 = arith.mulf %mul3A_66, %dot_general3A_64 : vector<512x128xf32>
    %add3A_68 = arith.addf %sub3A_57, %mul3A_67 : vector<512x128xf32>
    %get3A_69 = arith.constant 0 : index
    %get3A_70 = arith.constant 0 : index
    %get3A_71 = vector.load %arg6[%get3A_69, %get3A_70] : memref<1x128xf32, #tpu.memory_space<vmem>>, vector<1x128xf32>
    %add3A_72 = vector.broadcast %get3A_71 : vector<1x128xf32> to vector<512x128xf32>
    %add3A_73 = arith.addf %add3A_68, %add3A_72 : vector<512x128xf32>
    %swap3A = arith.constant 0 : index
    %swap3A_74 = arith.constant 0 : index
    %swap3A_75 = vector.load %arg7[%swap3A, %swap3A_74] : memref<512x128xf32, #tpu.memory_space<vmem>>, vector<512x128xf32>
    tpu.vector_store %arg7[%swap3A, %swap3A_74], %add3A_73 {strides = array<i32>} : memref<512x128xf32, #tpu.memory_space<vmem>>, vector<512x128xf32>,
    return
  }
  func.func @transform_0(%arg0: i32) -> (i32, i32) {
    %c0_i32 = arith.constant 0 : i32
    %c0_i32_0 = arith.constant 0 : i32
    return %arg0, %c0_i32 : i32, i32
  }
  func.func @transform_1(%arg0: i32) -> (i32, i32, i32) {
    %c0_i32 = arith.constant 0 : i32
    %c0_i32_0 = arith.constant 0 : i32
    %c0_i32_1 = arith.constant 0 : i32
    return %c0_i32, %arg0, %c0_i32_0 : i32, i32, i32
  }
  func.func @transform_2(%arg0: i32) -> (i32, i32, i32) {
    %c0_i32 = arith.constant 0 : i32
    %c0_i32_0 = arith.constant 0 : i32
    %c0_i32_1 = arith.constant 0 : i32
    return %c0_i32, %arg0, %c0_i32_0 : i32, i32, i32
  }
  func.func @transform_3(%arg0: i32) -> (i32, i32) {
    %c0_i32 = arith.constant 0 : i32
    %c0_i32_0 = arith.constant 0 : i32
    return %c0_i32, %arg0 : i32, i32
  }
  func.func @transform_4(%arg0: i32) -> (i32, i32, i32) {
    %c0_i32 = arith.constant 0 : i32
    %c0_i32_0 = arith.constant 0 : i32
    %c0_i32_1 = arith.constant 0 : i32
    %c0_i32_2 = arith.constant 0 : i32
    return %c0_i32, %c0_i32_0, %c0_i32_1 : i32, i32, i32
  }
  func.func @transform_5(%arg0: i32) -> (i32, i32) {
    %c0_i32 = arith.constant 0 : i32
    %c0_i32_0 = arith.constant 0 : i32
    %c0_i32_1 = arith.constant 0 : i32
    return %c0_i32, %c0_i32_0 : i32, i32
  }
  func.func @transform_6(%arg0: i32) -> (i32, i32) {
    %c0_i32 = arith.constant 0 : i32
    %c0_i32_0 = arith.constant 0 : i32
    return %arg0, %c0_i32 : i32, i32
  }
}

</mosaic_0001>

<sc_bundles>
// kernel: kernel.12.cloned.1.call-start
scs
__scs_entry_jumppad:
0x0: {  	(pc) =	sbr.rel $0x88, $3  }
0x1: {  	(tag) =	ssettag $0x0;
	lr =	simm.s32 $0x1  }
0x2: {  	[smem:$0x3F9B] =	sst lr;
	_ =	strace $0xD0000000  }
0x3: {  	_ = 	snop  }
0x4: {  	_ = 	snop  }
0x5: {  	_ = 	snop  }
0x6: {  	_ = 	snop  }
0x7: {  	_ = 	snop  }
__scs_overlays_trampoline_lowered:
0x8: {  	[smem:$0x3FAA] =	sst s0  }
0x9: {  	[smem:$0x3FAB] =	sst s1  }
0xa: {  	[smem:$0x3FAC] =	sst s2  }
0xb: {  	[smem:$0x3FAD] =	sst s3  }
0xc: {  	[smem:$0x3FAE] =	sst s4  }
0xd: {  	[smem:$0x3FAF] =	sst s5  }
0xe: {  	[smem:$0x3FB0] =	sst s6  }
0xf: {  	[smem:$0x3FB1] =	sst s7  }
0x10: {  	[smem:$0x3FB2] =	sst s8  }
0x11: {  	[smem:$0x3FB3] =	sst s9;
	s0 =	simm.s32 @!p0 $0x0  }
0x12: {  	s1 =	sld [smem:$0x3F99];
	s0 =	simm.s32 @p0 $0x1  }
0x13: {  	[smem:$0x3FB4] =	sst s0;
	s0 =	simm.s32 @!p1 $0x0  }
0x14: {  	s2 =	sld [smem:$0x3F98];
	s0 =	simm.s32 @p1 $0x1  }
0x15: {  	[smem:$0x3FB5] =	sst s0;
	s0 =	simm.s32 @!p2 $0x0  }
0x16: {  	s3 =	sld [smem:$0x3FDB];
	s0 =	simm.s32 @p2 $0x1  }
0x17: {  	s4 =	simm.s32 $0x1BF5;
	[smem:$0x3FB7] =	sst s0  }
0x18: {  	s0 =	sld [smem:$0x3F9A];
	_ =	swait.ge [sflag:s4], $0x0  }
0x19: {  	s7 =	sld [smem:$0x3F9B]  }
0x1a: {  	s8 =	sadd.s32 $0xFFFFE003, lr  }
0x1b: {  	s9 =	sadd.s32 $0xFFFFFEF7, lr;
	s5 =	simm.s32 $0xFFFFFFFF;
	p2 =	slt.u32 s8, $0xFFFFF086  }
0x1c: {  	p1 =	slt.u32 s9, $0xF7A;
	s5 =	simm.s32 @!p2 $0x0  }
0x1d: {  	s5 =	simm.s32 @p1 $0x1;
	p0 =	seq.s32 s7, s2  }
0x1e: {  	s7 =	smul.u32 @!p0 $0xF7A, s2;
	p2 =	seq.s32 @!p0 s5, $0x0  }
0x1f: {  	s9 =	smul.u32 $0xF7A, s1;
	s8 =	simm.s32 @!p0 $0x1BF5;
	p2 =	por !p2, p0  }
0x20: {  	[sflag:s8] =	ssyncset.s32 @!p0 $0xFFFFF086;
	s6 =	sadd.s32 @!p0 s3, s7;
	s7 =	simm.s32 @!p0 $0x108  }
0x21: {  	s3 =	sadd.s32 s3, s9;
	s6 =	sadd.s32 @!p0 $0x88, s6;
	s7 =	simm.s32 @p2 $0x1082  }
0x22: {  	[simem:s7], [sflag:s8] =	dma.local @!p0 [hbm:s6], $0xF7A  }
0x23: {  	s9 =	sor.u32 $0xD0000000, s2;
	s6 =	simm.s32 $0x108;
	_ =	swait.ge @!p0 [sflag:s8], $0x0  }
0x24: {  	s3 =	sadd.s32 $0x88, s3;
	s6 =	simm.s32 @!p1 $0x1082;
	[sflag:s4] =	ssyncset.s32 $0xFFFFF086  }
0x25: {  	[simem:s6], [sflag:s4] =	dma.local [hbm:s3], $0xF7A  }
0x26: {  	[smem:$0x3F9B] =	sst s1;
	(tag) =	ssettag s2;
	_ =	strace s9  }
0x27: {  	s1 =	sld [smem:$0x3FAB]  }
0x28: {  	s2 =	sld [smem:$0x3FAC]  }
0x29: {  	s4 =	sld [smem:$0x3FAE]  }
0x2a: {  	p0 =	seq.s32 s5, $0x0;
	s5 =	sld [smem:$0x3FAF]  }
0x2b: {  	s6 =	sld [smem:$0x3FB0]  }
0x2c: {  	s7 =	sld [smem:$0x3FB1]  }
0x2d: {  	s3 =	simm.s32 $0x108;
	s8 =	sld [smem:$0x3FB2]  }
0x2e: {  	s3 =	simm.s32 @!p0 $0x1082;
	s9 =	sld [smem:$0x3FB3]  }
0x2f: {  	lr =	sadd.s32 s0, s3;
	s0 =	sld [smem:$0x3FAA]  }
0x30: {  	s3 =	sld [smem:$0x3FAD]  }
0x31: {  	[smem:$0x3FB6] =	sst s10  }
0x32: {  	s10 =	sld [smem:$0x3FB4];
	_ =	sdelay $0x3  }
0x33: {  	p0 =	seq.s32 s10, $0x1;
	s10 =	sld [smem:$0x3FB6];
	_ =	sdelay $0x3  }
0x34: {  	[smem:$0x3FB6] =	sst s10  }
0x35: {  	s10 =	sld [smem:$0x3FB5];
	_ =	sdelay $0x3  }
0x36: {  	p1 =	seq.s32 s10, $0x1;
	s10 =	sld [smem:$0x3FB6];
	_ =	sdelay $0x3  }
0x37: {  	[smem:$0x3FB6] =	sst s10  }
0x38: {  	s10 =	sld [smem:$0x3FB7]  }
0x39: {  	_ = 	snop;
	(pc) =	sbr.ind lr, $3  }
0x3a: {  	_ = 	snop  }
0x3b: {  	_ = 	snop  }
0x3c: {  	p2 =	seq.s32 s10, $0x1;
	s10 =	sld [smem:$0x3FB6]  }
0x3d: {  	_ =	shalt  }
0x3e: {  	_ =	shalt  }
0x3f: {  	_ =	shalt  }
0x40: {  	_ =	shalt  }
0x41: {  	_ =	shalt  }
0x42: {  	_ =	shalt  }
0x43: {  	_ =	shalt  }
0x44: {  	_ =	shalt  }
0x45: {  	_ =	shalt  }
0x46: {  	_ =	shalt  }
0x47: {  	_ =	shalt  }
0x48: {  	_ =	shalt  }
0x49: {  	_ =	shalt  }
0x4a: {  	_ =	shalt  }
0x4b: {  	_ =	shalt  }
0x4c: {  	_ =	shalt  }
0x4d: {  	_ =	shalt  }
0x4e: {  	_ =	shalt  }
0x4f: {  	_ =	shalt  }
0x50: {  	_ =	shalt  }
0x51: {  	_ =	shalt  }
0x52: {  	_ =	shalt  }
0x53: {  	_ =	shalt  }
0x54: {  	_ =	shalt  }
0x55: {  	_ =	shalt  }
0x56: {  	_ =	shalt  }
0x57: {  	_ =	shalt  }
0x58: {  	_ =	shalt  }
0x59: {  	_ =	shalt  }
0x5a: {  	_ =	shalt  }
0x5b: {  	_ =	shalt  }
0x5c: {  	_ =	shalt  }
0x5d: {  	_ =	shalt  }
0x5e: {  	_ =	shalt  }
0x5f: {  	_ =	shalt  }
0x60: {  	_ =	shalt  }
0x61: {  	_ =	shalt  }
0x62: {  	_ =	shalt  }
0x63: {  	_ =	shalt  }
0x64: {  	_ =	shalt  }
0x65: {  	_ =	shalt  }
0x66: {  	_ =	shalt  }
0x67: {  	_ =	shalt  }
0x68: {  	_ =	shalt  }
0x69: {  	_ =	shalt  }
0x6a: {  	_ =	shalt  }
0x6b: {  	_ =	shalt  }
0x6c: {  	_ =	shalt  }
0x6d: {  	_ =	shalt  }
0x6e: {  	_ =	shalt  }
0x6f: {  	_ =	shalt  }
0x70: {  	_ =	shalt  }
0x71: {  	_ =	shalt  }
0x72: {  	_ =	shalt  }
0x73: {  	_ =	shalt  }
0x74: {  	_ =	shalt  }
0x75: {  	_ =	shalt  }
0x76: {  	_ =	shalt  }
0x77: {  	_ =	shalt  }
0x78: {  	_ =	shalt  }
0x79: {  	_ =	shalt  }
0x7a: {  	_ =	shalt  }
0x7b: {  	_ =	shalt  }
0x7c: {  	_ =	shalt  }
0x7d: {  	_ =	shalt  }
0x7e: {  	_ =	shalt  }
0x7f: {  	_ =	shalt  }
0x80: {  	_ =	shalt  }
0x81: {  	_ =	shalt  }
0x82: {  	_ =	shalt  }
0x83: {  	_ =	shalt  }
0x84: {  	_ =	shalt  }
0x85: {  	_ =	shalt  }
0x86: {  	_ =	shalt  }
0x87: {  	_ =	shalt  }
.Lfunc_end0:
.L_simem_size_0:
called_computation_lowered:
.L_overlay_start_0:
0x88: {  	s2 =	sld [smem:$0x3FD9]  }
0x89: {  	s3 =	sld [smem:$0x3FFE];
	_ =	sdelay $0x1  }
0x8a: {  	s1 =	srdreg.scid  }
0x8b: {  	s0 =	sand.u32 $0x1, s1  }
0x8c: {  	s17 =	sshll.u32 s0, $0xA;
	s2 =	sadd.s32 s3, s2  }
0x8d: {  	s2 =	sadd.s32 s2, s17  }
0x8e: {  	[smem:$0x3FC2] =	sst s2  }
0x8f: {  	_ = 	snop  }
0x90: {  	s2 =	sld [smem:$0x3FD0];
	(tm) =	ssettm $0x1  }
0x91: {  	s18 =	sld [smem:$0x3FFB];
	_ =	sdelay $0x3  }
0x92: {  	_ =	strace s18  }
0x93: {  	s3 =	sld [smem:$0x3FFC];
	_ =	sdelay $0x3  }
0x94: {  	_ =	strace s3  }
0x95: {  	s3 =	sld [smem:$0x3FFD];
	_ =	sdelay $0x3  }
0x96: {  	_ =	strace s3  }
0x97: {  	_ =	strace $0x8FFFFFFF  }
0x98: {  	s19 =	sld [smem:$0x3FDB];
	_ =	sdelay $0x1  }
0x99: {  	s4 =	simm.s32 $_scs_section_size  }
0x9a: {  	s5 =	simm.s32 $_size__tile_overlayer_lowered;
	s6 =	simm.s32 $_tile_overlayer_lowered  }
0x9b: {  	s22 =	simm.s32 $0x1BFF;
	s21 =	sshll.u32 s6, $0x1;
	s3 =	sadd.s32 s4, s19  }
0x9c: {  	s7 =	simm.s32 $0x0;
	s20 =	sshll.u32 s5, $0x1;
	s5 =	sadd.s32 s21, s3  }
0x9d: {  	[timem:s7], [sflag:s22] =	dma.local [hbm:s5], s20  }
0x9e: {  	_ =	swait.ge [sflag:s22], s20  }
0x9f: {  	s4 =	ssub.s32 $0x0, s20;
	[sflag:s22] =	ssyncset.done $0x0  }
0xa0: {  	[sflag:s22] =	ssyncadd.s32 s4;
	_ =	sdelay $0x1  }
0xa1: {  	s23 =	simm.s32 $0x1B8B  }
0xa2: {  	_ =	swait.ge [sflag:s23], $0x1  }
0xa3: {  	[sflag:s23] =	ssyncset.done $0x0  }
0xa4: {  	s25 =	simm.s32 $0x1B8E;
	s24 =	sld [smem:$0x3FFE];
	[sflag:s23] =	ssyncadd.s32 $0xFFFFFFFF  }
0xa5: {  	s26 =	simm.s32 $execute0_lowered;
	[smem:$0x3FD2] =	sst s25  }
0xa6: {  	s5 =	sshll.u32 s26, $0x1;
	_ =	strace $0x80000046;
	[dreg:$0x1] =	wrdreg $0xFFFFFFFF  }
0xa7: {  	s28 =	simm.s32 $_size_execute0_lowered;
	s3 =	sadd.s32 s3, s5;
	[dreg:$0x0] =	wrdreg $0x0  }
0xa8: {  	s5 =	sshll.u32 s28, $0x1;
	[dreg:$0x2] =	wrdreg s3  }
0xa9: {  	[dreg:$0x3] =	wrdreg s5  }
0xaa: {  	[dreg:$0x4] =	wrdreg $0xC0  }
0xab: {  	_ =	task [dreg:s7], $0x5FFFF  }
0xac: {  	[dreg:$0x1] =	wrdreg $0xFFFFFFFF  }
0xad: {  	[dreg:$0x0] =	wrdreg $0x60  }
0xae: {  	[dreg:$0x2] =	wrdreg s2  }
0xaf: {  	[dreg:$0x3] =	wrdreg s24  }
0xb0: {  	[dreg:$0x4] =	wrdreg $0x28800  }
0xb1: {  	[dreg:$0x5] =	wrdreg $0x9  }
0xb2: {  	_ =	task.clear_ibuf [dreg:s7], $0x6FFFF;
	_ =	strace $0x90000046  }
0xb3: {  	s29 =	simm.s32 $0x9;
	_ =	strace $0x80000048  }
0xb4: {  	_ =	swait.ge [sflag:s29], $0x1  }
0xb5: {  	[sflag:s29] =	ssyncadd.s32 $0xFFFFFFFF  }
0xb6: {  	_ =	strace $0x90000048  }
0xb7: {  	_ =	sfence  }
0xb8: {  	s30 =	sld [smem:$0x0];
	_ =	sdelay $0x2  }
0xb9: {  	s31 =	sshll.u32 s1, $0xD;
	s1 =	sshrl.u32 s1, $0x2  }
0xba: {  	s3 =	sand.u32 $0x4000, s31;
	s1 =	sadd.s32 s1, s30  }
0xbb: {  	s0 =	sor.u32 s3, s0;
	s1 =	sshll.u32 s1, $0x11  }
0xbc: {  	s0 =	sor.u32 s1, s0  }
0xbd: {  	s0 =	sadd.s32 $0x8F2B, s0  }
0xbe: {  	[sflag:s0] =	ssyncadd.remote.s32 $0x1  }
0xbf: {  	_ =	sfence.sel $0xFFFF  }
0xc0: {  	[dreg:$0x0] =	wrdreg $0xFFFFFFFF;
	(pc) =	sbr.abs _section_cstart, $3  }
0xc1: {  	[dreg:$0x1] =	wrdreg $0xFFFFFFFF  }
0xc2: {  	_ =	task.clear_ibuf [dreg:s7], $0x2FFFF;
	_ =	strace $0x9FFFFFFF  }
0xc3: {  	(tm) =	ssettm $0x7FFFFFFF  }
tec
execute0_lowered:
.L_overlay_start_1:
0x0: {  	(tag) =	ssettag $0x1  }
0x1: {  	s7 =	rddreg [dreg:$0x0]  }
0x2: {  	s5 =	rddreg [dreg:$0x1]  }
0x3: {  	s2 =	rddreg [dreg:$0x2]  }
0x4: {  	s0 =	rddreg [dreg:$0x3]  }
0x5: {  	s3 =	simm.s32 $0x0;
	s1 =	stileid.u32;
	s8 =	srdreg.scid  }
0x6: {  	s16 =	simm.s32 $0x0;
	[smem:$0x7FF] =	sst s3;
	s6 =	smul.u32 $0x280, s1  }
0x7: {  	s4 =	sadd.s32 $0x3200, s5;
	s8 =	sand.u32 $0x1, s8;
	s12 =	sshll.u32 s1, $0x6  }
0x8: {  	s15 =	smul.u32 $0xA0, s1;
	_ =	strace $0x80000047;
	s10 =	sshll.u32 s8, $0x4  }
0x9: {  	s8 =	ssub.s32 $0x2, s8;
	s9 =	sshrl.u32 s6, $0x3;
	s11 =	sadd.s32 s10, s5  }
0xa: {  	s31 =	sshrl.u32 s8, $0x1;
	s10 =	sor.u32 s1, s10;
	s13 =	sadd.s32 s6, s2  }
0xb: {  	s6 =	sor.u32 $0x1C01, s12;
	s12 =	simm.s32 $0x80;
	s9 =	sadd.s32 s9, s5  }
0xc: {  	s8 =	ssub.s32 s8, s31;
	s10 =	smul.u32 $0x500, s10;
	s14 =	sadd.s32 $0x3A00, s11  }
0xd: {  	s11 =	simm.s32 $0x2800;
	s5 =	sadd.s32 $0x3400, s9;
	s8 =	smax.u32 s8, $0x1  }
0xe: {  	s9 =	sshrl.u32 s13, $0x3;
	s13 =	sadd.s32 s15, s14;
	s14 =	simm.s32 $0x20  }
0xf: {  	s15 =	simm.s32 $0x10;
	s7 =	sadd.s32 s7, s10;
	s10 =	simm.s32 $0x1  }
.LBB2_1:
0x10: {  	[spmem:s9], [sflag:s6] =	dma.local [hbm:s5], $0x50  }
0x11: {  	_ =	swait.ge [sflag:s10], $0x50  }
0x12: {  	[sflag:s10] =	ssyncset.done $0x0  }
0x13: {  	[sflag:s10] =	ssyncadd.s32 $0xFFFFFFB0  }
0x14: {  	[tilespmem:s3], [sflag:$0x1] =	stream.linear.gather [hbm4b:s7+s3], $0x2780, $0x38;
	[tilespmem:$0x2B00] =	vst v63  }
0x15: {  	_ =	swait.ge [sflag:s10], $0x2780  }
0x16: {  	[sflag:s10] =	ssyncset.done $0x0  }
0x17: {  	[sflag:s10] =	ssyncadd.s32 $0xFFFFD880  }
0x18: {  	[tilespmem:s11], [sflag:$0x1] =	stream.linear.gather [hbm4b:s4+s3], $0x80, $0x38;
	[tilespmem:$0x2B00] =	vst v63  }
0x19: {  	_ =	swait.ge [sflag:s10], $0x80  }
0x1a: {  	[sflag:s10] =	ssyncset.done $0x0  }
0x1b: {  	[sflag:s10] =	ssyncadd.s32 $0xFFFFFF80  }
0x1c: {  	s17 =	simm.s32 $0x0;
	[bflag:$0x0] =	sbarrier.arrive $0xFFFF  }
0x1d: {  	[spmem:s2] =	stream.indirect.scatter.add.f32 [tilespmem:s11], [sflag:$0x1], $0x1, s17, s12, $0xb8;
	[tilespmem:$0x2B00] =	vst v63  }
0x1e: {  	_ =	swait.ge [sflag:s10], $0x80  }
0x1f: {  	s17 =	simm.s32 $0x200;
	[sflag:s10] =	ssyncset.done $0x0  }
.LBB2_2:
0x20: {  	s18 =	sshra.s32 s17, $0x2;
	[sflag:s10] =	ssyncadd.s32 $0xFFFFFF80;
	p0 =	sne.s32 s17, $0x9C00  }
0x21: {  	[spmem:s2] =	stream.indirect.scatter.add.f32 [tilespmem:s11], [sflag:$0x1], $0x1, s18, s12, $0xb8;
	[tilespmem:$0x2B00] =	vst v63  }
.Ltmp0:
0x22: {  	_ = 	snop;
	(pc) =	sbr.rel @p0 .LBB2_2-.Ltmp0, $4  }
0x23: {  	_ = 	snop  }
0x24: {  	s17 =	sadd.s32 $0x200, s17  }
0x25: {  	_ =	swait.ge [sflag:s10], $0x80  }
0x26: {  	[sflag:s10] =	ssyncset.done $0x0  }
0x27: {  	s16 =	sadd.s32 $0x1, s16  }
0x28: {  	[sflag:s10] =	ssyncadd.s32 $0xFFFFFF80;
	p0 =	sne.s32 s16, s8  }
.Ltmp1:
0x29: {  	[bflag:$0x0] =	sbarrier.arrive $0xFFFF;
	(pc) =	sbr.rel @p0 .LBB2_1-.Ltmp1, $4  }
0x2a: {  	[hbm:s13@s14], [sflag:s6] =	dma.strided [spmem:s9@s15], $0x50, s10, $0x10   }
0x2b: {  	_ =	swait.ge [sflag:s10], $0x50  }
0x2c: {  	[sflag:s10] =	ssyncset.done $0x0  }
0x2d: {  	[sflag:s10] =	ssyncadd.s32 $0xFFFFFFB0  }
0x2e: {  	_ =	sfence.sel $0x180000  }
0x2f: {  	[bflag:$0x0] =	sbarrier.arrive $0xFFFF  }
0x30: {  	p0 =	sne.s32 s1, $0x0;
	_ =	strace $0x90000047  }
0x31: {  	s0 =	sadd.s32 @!p0 $0x100000, s0;
	[bflag:$0x2] =	sbarrier.arrive $0xFFFF  }
0x32: {  	[sflag:s0] =	ssyncadd.tile.s32 @!p0 $0x1;
	_ =	shalt  }
.Lfunc_end2:
_tile_overlayer_lowered:
.L_overlay_start_2:
0x33: {  	(tag) =	ssettag $0x2  }
0x34: {  	s0 =	rddreg [dreg:$0x0];
	s2 =	stileid.u32  }
0x35: {  	s1 =	rddreg [dreg:$0x1];
	p0 =	sne.s32 s2, $0x0  }
0x36: {  	s3 =	rddreg [dreg:$0x2];
	[bflag:$0x3] =	sbarrier.arrive $0xFFFF;
	s2 =	simm.s32 @!p0 $0x1C01  }
0x37: {  	[timem:s3], [sflag:s2] =	dma.local @!p0 [hbm:s0], s1  }
0x38: {  	s0 =	simm.s32 @!p0 $0x1  }
0x39: {  	_ =	swait.ge @!p0 [sflag:s0], s1  }
0x3a: {  	s1 =	ssub.s32 @!p0 $0x0, s1;
	[sflag:s0] =	ssyncset.done @!p0 $0x0  }
0x3b: {  	[sflag:s0] =	ssyncadd.s32 @!p0 s1  }
0x3c: {  	[bflag:$0x3] =	sbarrier.arrive $0xFFFF  }
0x3d: {  	_ =	shalt  }

// kernel: kernel.15.cloned.1.call-start
scs
__scs_entry_jumppad:
0x0: {  	(pc) =	sbr.rel $0x88, $3  }
0x1: {  	(tag) =	ssettag $0x0;
	lr =	simm.s32 $0x1  }
0x2: {  	[smem:$0x3F9B] =	sst lr;
	_ =	strace $0xD0000000  }
0x3: {  	_ = 	snop  }
0x4: {  	_ = 	snop  }
0x5: {  	_ = 	snop  }
0x6: {  	_ = 	snop  }
0x7: {  	_ = 	snop  }
__scs_overlays_trampoline_lowered:
0x8: {  	[smem:$0x3FAA] =	sst s0  }
0x9: {  	[smem:$0x3FAB] =	sst s1  }
0xa: {  	[smem:$0x3FAC] =	sst s2  }
0xb: {  	[smem:$0x3FAD] =	sst s3  }
0xc: {  	[smem:$0x3FAE] =	sst s4  }
0xd: {  	[smem:$0x3FAF] =	sst s5  }
0xe: {  	[smem:$0x3FB0] =	sst s6  }
0xf: {  	[smem:$0x3FB1] =	sst s7  }
0x10: {  	[smem:$0x3FB2] =	sst s8  }
0x11: {  	[smem:$0x3FB3] =	sst s9;
	s0 =	simm.s32 @!p0 $0x0  }
0x12: {  	s1 =	sld [smem:$0x3F99];
	s0 =	simm.s32 @p0 $0x1  }
0x13: {  	[smem:$0x3FB4] =	sst s0;
	s0 =	simm.s32 @!p1 $0x0  }
0x14: {  	s2 =	sld [smem:$0x3F98];
	s0 =	simm.s32 @p1 $0x1  }
0x15: {  	[smem:$0x3FB5] =	sst s0;
	s0 =	simm.s32 @!p2 $0x0  }
0x16: {  	s3 =	sld [smem:$0x3FDB];
	s0 =	simm.s32 @p2 $0x1  }
0x17: {  	s4 =	simm.s32 $0x1BF5;
	[smem:$0x3FB7] =	sst s0  }
0x18: {  	s0 =	sld [smem:$0x3F9A];
	_ =	swait.ge [sflag:s4], $0x0  }
0x19: {  	s7 =	sld [smem:$0x3F9B]  }
0x1a: {  	s8 =	sadd.s32 $0xFFFFE003, lr  }
0x1b: {  	s9 =	sadd.s32 $0xFFFFFEF7, lr;
	s5 =	simm.s32 $0xFFFFFFFF;
	p2 =	slt.u32 s8, $0xFFFFF086  }
0x1c: {  	p1 =	slt.u32 s9, $0xF7A;
	s5 =	simm.s32 @!p2 $0x0  }
0x1d: {  	s5 =	simm.s32 @p1 $0x1;
	p0 =	seq.s32 s7, s2  }
0x1e: {  	s7 =	smul.u32 @!p0 $0xF7A, s2;
	p2 =	seq.s32 @!p0 s5, $0x0  }
0x1f: {  	s9 =	smul.u32 $0xF7A, s1;
	s8 =	simm.s32 @!p0 $0x1BF5;
	p2 =	por !p2, p0  }
0x20: {  	[sflag:s8] =	ssyncset.s32 @!p0 $0xFFFFF086;
	s6 =	sadd.s32 @!p0 s3, s7;
	s7 =	simm.s32 @!p0 $0x108  }
0x21: {  	s3 =	sadd.s32 s3, s9;
	s6 =	sadd.s32 @!p0 $0x88, s6;
	s7 =	simm.s32 @p2 $0x1082  }
0x22: {  	[simem:s7], [sflag:s8] =	dma.local @!p0 [hbm:s6], $0xF7A  }
0x23: {  	s9 =	sor.u32 $0xD0000000, s2;
	s6 =	simm.s32 $0x108;
	_ =	swait.ge @!p0 [sflag:s8], $0x0  }
0x24: {  	s3 =	sadd.s32 $0x88, s3;
	s6 =	simm.s32 @!p1 $0x1082;
	[sflag:s4] =	ssyncset.s32 $0xFFFFF086  }
0x25: {  	[simem:s6], [sflag:s4] =	dma.local [hbm:s3], $0xF7A  }
0x26: {  	[smem:$0x3F9B] =	sst s1;
	(tag) =	ssettag s2;
	_ =	strace s9  }
0x27: {  	s1 =	sld [smem:$0x3FAB]  }
0x28: {  	s2 =	sld [smem:$0x3FAC]  }
0x29: {  	s4 =	sld [smem:$0x3FAE]  }
0x2a: {  	p0 =	seq.s32 s5, $0x0;
	s5 =	sld [smem:$0x3FAF]  }
0x2b: {  	s6 =	sld [smem:$0x3FB0]  }
0x2c: {  	s7 =	sld [smem:$0x3FB1]  }
0x2d: {  	s3 =	simm.s32 $0x108;
	s8 =	sld [smem:$0x3FB2]  }
0x2e: {  	s3 =	simm.s32 @!p0 $0x1082;
	s9 =	sld [smem:$0x3FB3]  }
0x2f: {  	lr =	sadd.s32 s0, s3;
	s0 =	sld [smem:$0x3FAA]  }
0x30: {  	s3 =	sld [smem:$0x3FAD]  }
0x31: {  	[smem:$0x3FB6] =	sst s10  }
0x32: {  	s10 =	sld [smem:$0x3FB4];
	_ =	sdelay $0x3  }
0x33: {  	p0 =	seq.s32 s10, $0x1;
	s10 =	sld [smem:$0x3FB6];
	_ =	sdelay $0x3  }
0x34: {  	[smem:$0x3FB6] =	sst s10  }
0x35: {  	s10 =	sld [smem:$0x3FB5];
	_ =	sdelay $0x3  }
0x36: {  	p1 =	seq.s32 s10, $0x1;
	s10 =	sld [smem:$0x3FB6];
	_ =	sdelay $0x3  }
0x37: {  	[smem:$0x3FB6] =	sst s10  }
0x38: {  	s10 =	sld [smem:$0x3FB7]  }
0x39: {  	_ = 	snop;
	(pc) =	sbr.ind lr, $3  }
0x3a: {  	_ = 	snop  }
0x3b: {  	_ = 	snop  }
0x3c: {  	p2 =	seq.s32 s10, $0x1;
	s10 =	sld [smem:$0x3FB6]  }
0x3d: {  	_ =	shalt  }
0x3e: {  	_ =	shalt  }
0x3f: {  	_ =	shalt  }
0x40: {  	_ =	shalt  }
0x41: {  	_ =	shalt  }
0x42: {  	_ =	shalt  }
0x43: {  	_ =	shalt  }
0x44: {  	_ =	shalt  }
0x45: {  	_ =	shalt  }
0x46: {  	_ =	shalt  }
0x47: {  	_ =	shalt  }
0x48: {  	_ =	shalt  }
0x49: {  	_ =	shalt  }
0x4a: {  	_ =	shalt  }
0x4b: {  	_ =	shalt  }
0x4c: {  	_ =	shalt  }
0x4d: {  	_ =	shalt  }
0x4e: {  	_ =	shalt  }
0x4f: {  	_ =	shalt  }
0x50: {  	_ =	shalt  }
0x51: {  	_ =	shalt  }
0x52: {  	_ =	shalt  }
0x53: {  	_ =	shalt  }
0x54: {  	_ =	shalt  }
0x55: {  	_ =	shalt  }
0x56: {  	_ =	shalt  }
0x57: {  	_ =	shalt  }
0x58: {  	_ =	shalt  }
0x59: {  	_ =	shalt  }
0x5a: {  	_ =	shalt  }
0x5b: {  	_ =	shalt  }
0x5c: {  	_ =	shalt  }
0x5d: {  	_ =	shalt  }
0x5e: {  	_ =	shalt  }
0x5f: {  	_ =	shalt  }
0x60: {  	_ =	shalt  }
0x61: {  	_ =	shalt  }
0x62: {  	_ =	shalt  }
0x63: {  	_ =	shalt  }
0x64: {  	_ =	shalt  }
0x65: {  	_ =	shalt  }
0x66: {  	_ =	shalt  }
0x67: {  	_ =	shalt  }
0x68: {  	_ =	shalt  }
0x69: {  	_ =	shalt  }
0x6a: {  	_ =	shalt  }
0x6b: {  	_ =	shalt  }
0x6c: {  	_ =	shalt  }
0x6d: {  	_ =	shalt  }
0x6e: {  	_ =	shalt  }
0x6f: {  	_ =	shalt  }
0x70: {  	_ =	shalt  }
0x71: {  	_ =	shalt  }
0x72: {  	_ =	shalt  }
0x73: {  	_ =	shalt  }
0x74: {  	_ =	shalt  }
0x75: {  	_ =	shalt  }
0x76: {  	_ =	shalt  }
0x77: {  	_ =	shalt  }
0x78: {  	_ =	shalt  }
0x79: {  	_ =	shalt  }
0x7a: {  	_ =	shalt  }
0x7b: {  	_ =	shalt  }
0x7c: {  	_ =	shalt  }
0x7d: {  	_ =	shalt  }
0x7e: {  	_ =	shalt  }
0x7f: {  	_ =	shalt  }
0x80: {  	_ =	shalt  }
0x81: {  	_ =	shalt  }
0x82: {  	_ =	shalt  }
0x83: {  	_ =	shalt  }
0x84: {  	_ =	shalt  }
0x85: {  	_ =	shalt  }
0x86: {  	_ =	shalt  }
0x87: {  	_ =	shalt  }
.Lfunc_end0:
.L_simem_size_0:
called_computation.1_lowered:
.L_overlay_start_0:
0x88: {  	s2 =	sld [smem:$0x3FD9]  }
0x89: {  	s3 =	sld [smem:$0x3FFE];
	_ =	sdelay $0x1  }
0x8a: {  	s1 =	srdreg.scid  }
0x8b: {  	s0 =	sand.u32 $0x1, s1  }
0x8c: {  	s16 =	sshll.u32 s0, $0xA;
	s2 =	sadd.s32 s3, s2  }
0x8d: {  	s2 =	sadd.s32 s2, s16  }
0x8e: {  	[smem:$0x3FC2] =	sst s2  }
0x8f: {  	_ = 	snop  }
0x90: {  	(tm) =	ssettm $0x1  }
0x91: {  	s17 =	sld [smem:$0x3FFB];
	_ =	sdelay $0x3  }
0x92: {  	_ =	strace s17  }
0x93: {  	s2 =	sld [smem:$0x3FFC];
	_ =	sdelay $0x3  }
0x94: {  	_ =	strace s2  }
0x95: {  	s2 =	sld [smem:$0x3FFD];
	_ =	sdelay $0x3  }
0x96: {  	_ =	strace s2  }
0x97: {  	_ =	strace $0x8FFFFFFF  }
0x98: {  	s18 =	sld [smem:$0x3FDB];
	_ =	sdelay $0x1  }
0x99: {  	s19 =	simm.s32 $_scs_section_size  }
0x9a: {  	s4 =	simm.s32 $_size__tile_overlayer_lowered;
	s5 =	simm.s32 $_tile_overlayer_lowered  }
0x9b: {  	s22 =	simm.s32 $0x1BFF;
	s21 =	sshll.u32 s5, $0x1;
	s2 =	sadd.s32 s19, s18  }
0x9c: {  	s6 =	simm.s32 $0x0;
	s20 =	sshll.u32 s4, $0x1;
	s4 =	sadd.s32 s21, s2  }
0x9d: {  	[timem:s6], [sflag:s22] =	dma.local [hbm:s4], s20  }
0x9e: {  	_ =	swait.ge [sflag:s22], s20  }
0x9f: {  	s3 =	ssub.s32 $0x0, s20;
	[sflag:s22] =	ssyncset.done $0x0  }
0xa0: {  	[sflag:s22] =	ssyncadd.s32 s3;
	_ =	sdelay $0x1  }
0xa1: {  	s23 =	simm.s32 $0x1B8B  }
0xa2: {  	_ =	swait.ge [sflag:s23], $0x1  }
0xa3: {  	[sflag:s23] =	ssyncset.done $0x0  }
0xa4: {  	s25 =	simm.s32 $0x1B8E;
	s24 =	sld [smem:$0x3FFE];
	[sflag:s23] =	ssyncadd.s32 $0xFFFFFFFF  }
0xa5: {  	s26 =	simm.s32 $execute0_lowered;
	[smem:$0x3FD2] =	sst s25  }
0xa6: {  	s4 =	sshll.u32 s26, $0x1;
	_ =	strace $0x80000049;
	[dreg:$0x1] =	wrdreg $0xFFFFFFFF  }
0xa7: {  	s28 =	simm.s32 $_size_execute0_lowered;
	s2 =	sadd.s32 s2, s4;
	[dreg:$0x0] =	wrdreg $0x0  }
0xa8: {  	s4 =	sshll.u32 s28, $0x1;
	[dreg:$0x2] =	wrdreg s2  }
0xa9: {  	[dreg:$0x3] =	wrdreg s4  }
0xaa: {  	[dreg:$0x4] =	wrdreg $0xC0  }
0xab: {  	_ =	task [dreg:s6], $0x5FFFF  }
0xac: {  	[dreg:$0x1] =	wrdreg $0xFFFFFFFF  }
0xad: {  	[dreg:$0x0] =	wrdreg $0x60  }
0xae: {  	[dreg:$0x2] =	wrdreg s24  }
0xaf: {  	[dreg:$0x3] =	wrdreg $0x90000  }
0xb0: {  	[dreg:$0x4] =	wrdreg $0x9  }
0xb1: {  	_ =	task.clear_ibuf [dreg:s6], $0x5FFFF;
	_ =	strace $0x90000049  }
0xb2: {  	s29 =	simm.s32 $0x9;
	_ =	strace $0x8000004B  }
0xb3: {  	_ =	swait.ge [sflag:s29], $0x1  }
0xb4: {  	[sflag:s29] =	ssyncadd.s32 $0xFFFFFFFF  }
0xb5: {  	_ =	strace $0x9000004B  }
0xb6: {  	_ =	sfence  }
0xb7: {  	s30 =	sld [smem:$0x0];
	_ =	sdelay $0x2  }
0xb8: {  	s31 =	sshll.u32 s1, $0xD;
	s1 =	sshrl.u32 s1, $0x2  }
0xb9: {  	s3 =	sand.u32 $0x4000, s31;
	s1 =	sadd.s32 s1, s30  }
0xba: {  	s0 =	sor.u32 s3, s0;
	s1 =	sshll.u32 s1, $0x11  }
0xbb: {  	s0 =	sor.u32 s1, s0  }
0xbc: {  	s0 =	sadd.s32 $0x8F2B, s0  }
0xbd: {  	[sflag:s0] =	ssyncadd.remote.s32 $0x1  }
0xbe: {  	_ =	sfence.sel $0xFFFF  }
0xbf: {  	[dreg:$0x0] =	wrdreg $0xFFFFFFFF;
	(pc) =	sbr.abs _section_cstart, $3  }
0xc0: {  	[dreg:$0x1] =	wrdreg $0xFFFFFFFF  }
0xc1: {  	_ =	task.clear_ibuf [dreg:s6], $0x2FFFF;
	_ =	strace $0x9FFFFFFF  }
0xc2: {  	(tm) =	ssettm $0x7FFFFFFF  }
0xc3: {  	_ =	shalt  }
tec
execute0_lowered:
.L_overlay_start_1:
0x0: {  	(tag) =	ssettag $0x1  }
0x1: {  	s5 =	rddreg [dreg:$0x0]  }
0x2: {  	s2 =	rddreg [dreg:$0x1]  }
0x3: {  	s0 =	rddreg [dreg:$0x2]  }
0x4: {  	s1 =	stileid.u32;
	s4 =	srdreg.scid  }
0x5: {  	s3 =	simm.s32 $0x0;
	s15 =	simm.s32 $0x5000;
	s6 =	smul.u32 $0x500, s1  }
0x6: {  	s16 =	smul.u32 $0x2800, s1;
	s12 =	sand.u32 $0x1, s4;
	[smem:$0x7FF] =	sst s3  }
0x7: {  	s4 =	sadd.s32 $0x18400, s5;
	s8 =	smul.u32 $0x50000, s1;
	s31 =	sshll.u32 s1, $0x6  }
0x8: {  	s7 =	smul.u32 $0x28000, s12;
	_ =	strace $0x8000004A;
	s9 =	ssub.s32 $0x2, s12  }
0x9: {  	p0 =	sne.s32 s12, $0x0;
	s10 =	sadd.s32 s6, s5;
	s28 =	sadd.s32 s16, s5  }
0xa: {  	s29 =	sshrl.u32 s9, $0x1;
	s30 =	sshrl.u32 s8, $0x2;
	s6 =	sor.u32 $0x1C01, s31  }
0xb: {  	s11 =	sadd.s32 s7, s5;
	s13 =	ssub.s32 s9, s29;
	s14 =	sadd.s32 s30, s2  }
0xc: {  	s5 =	sadd.s32 $0x40400, s28;
	s7 =	sadd.s32 $0x9400, s10;
	s8 =	sadd.s32 $0x4400, s10  }
0xd: {  	s9 =	sadd.s32 $0x13400, s10;
	s10 =	sadd.s32 $0xE400, s10;
	s17 =	sadd.s32 $0x68400, s11  }
0xe: {  	s11 =	smax.u32 s13, $0x1;
	s12 =	sshrl.u32 s14, $0x3;
	s13 =	simm.s32 $0x1  }
0xf: {  	s14 =	simm.s32 $0x80;
	s16 =	sadd.s32 s16, s17;
	s17 =	simm.s32 $0x0  }
.LBB2_1:
0x10: {  	[spmem:s12], [sflag:s6] =	dma.local [hbm:s5], $0x2800  }
0x11: {  	_ =	swait.ge [sflag:s13], $0x2800  }
0x12: {  	[sflag:s13] =	ssyncset.done $0x0  }
0x13: {  	s18 =	simm.s32 @p0 $0x0;
	s19 =	simm.s32 @p0 $0x1;
	[sflag:s13] =	ssyncadd.s32 $0xFFFFD800  }
0x14: {  	[tilespmem:s18], [sflag:$0x1] =	stream.linear.gather @p0 [hbm4b:s7+s18], $0x2680, $0x38;
	[tilespmem:$0x1D000] =	vst v63  }
0x15: {  	_ =	swait.ge @p0 [sflag:s19], $0x2680  }
0x16: {  	[sflag:s19] =	ssyncset.done @p0 $0x0  }
0x17: {  	s20 =	simm.s32 @p0 $0x2800;
	[sflag:s19] =	ssyncadd.s32 @p0 $0xFFFFD980  }
0x18: {  	[tilespmem:s20], [sflag:$0x1] =	stream.linear.gather @p0 [hbm4b:s8+s18], $0x2680, $0x38;
	[tilespmem:$0x1D000] =	vst v63  }
0x19: {  	_ =	swait.ge @p0 [sflag:s19], $0x2680  }
0x1a: {  	[sflag:s19] =	ssyncset.done @p0 $0x0  }
0x1b: {  	s18 =	simm.s32 @!p0 $0x0;
	[sflag:s19] =	ssyncadd.s32 @p0 $0xFFFFD980;
	s19 =	simm.s32 @!p0 $0x1  }
0x1c: {  	[tilespmem:s18], [sflag:$0x1] =	stream.linear.gather @!p0 [hbm4b:s9+s18], $0x2800, $0x38;
	[tilespmem:$0x1D000] =	vst v63  }
0x1d: {  	_ =	swait.ge @!p0 [sflag:s19], $0x2800  }
0x1e: {  	[sflag:s19] =	ssyncset.done @!p0 $0x0  }
0x1f: {  	s20 =	simm.s32 @!p0 $0x2800;
	[sflag:s19] =	ssyncadd.s32 @!p0 $0xFFFFD800  }
0x20: {  	[tilespmem:s20], [sflag:$0x1] =	stream.linear.gather @!p0 [hbm4b:s10+s18], $0x2800, $0x38;
	[tilespmem:$0x1D000] =	vst v63  }
0x21: {  	_ =	swait.ge @!p0 [sflag:s19], $0x2800  }
0x22: {  	[sflag:s19] =	ssyncset.done @!p0 $0x0  }
0x23: {  	[sflag:s19] =	ssyncadd.s32 @!p0 $0xFFFFD800;
	s19 =	simm.s32 @!p0 $0x50  }
0x24: {  	[bflag:$0x0] =	sbarrier.arrive $0xFFFF;
	s19 =	simm.s32 @p0 $0x4D  }
0x25: {  	[tilespmem:s15], [sflag:$0x1] =	stream.indirect.gather [hbm4b:s4+s14], $0x80, s3, s14, $0xb8;
	[tilespmem:$0x1D000] =	vst v63  }
0x26: {  	p1 =	sne.s32 s19, $0x1;
	_ =	swait.ge [sflag:s13], $0x4000  }
.Ltmp0:
0x27: {  	[sflag:s13] =	ssyncset.done $0x0;
	(pc) =	sbr.rel @!p1 .LBB2_3-.Ltmp0, $4  }
0x28: {  	s18 =	simm.s32 $0x2800;
	[sflag:s13] =	ssyncadd.s32 $0xFFFFC000  }
0x29: {  	[spmem:s2] =	stream.indirect.scatter.add.f32 [tilespmem:s15], [sflag:$0x1], $0x80, s18, s14, $0xb8;
	[tilespmem:$0x1D000] =	vst v63  }
0x2a: {  	_ =	swait.ge [sflag:s13], $0x4000  }
0x2b: {  	s20 =	simm.s32 $0x0;
	s19 =	sadd.s32 $0xFFFFFFFF, s19;
	[sflag:s13] =	ssyncset.done $0x0  }
.LBB2_2:
0x2c: {  	[sflag:s13] =	ssyncadd.s32 $0xFFFFC000;
	s20 =	sadd.s32 $0x80, s20;
	s18 =	sadd.s32 $0x80, s18  }
0x2d: {  	[tilespmem:s15], [sflag:$0x1] =	stream.indirect.gather [hbm4b:s4+s14], $0x80, s20, s14, $0xb8;
	[tilespmem:$0x1D000] =	vst v63  }
0x2e: {  	p1 =	sne.s32 s19, $0x1;
	s19 =	sadd.s32 $0xFFFFFFFF, s19;
	_ =	swait.ge [sflag:s13], $0x4000  }
.Ltmp1:
0x2f: {  	[sflag:s13] =	ssyncset.done $0x0;
	(pc) =	sbr.rel @p1 .LBB2_2-.Ltmp1, $4  }
0x30: {  	[sflag:s13] =	ssyncadd.s32 $0xFFFFC000  }
0x31: {  	[spmem:s2] =	stream.indirect.scatter.add.f32 [tilespmem:s15], [sflag:$0x1], $0x80, s18, s14, $0xb8;
	[tilespmem:$0x1D000] =	vst v63  }
0x32: {  	_ =	swait.ge [sflag:s13], $0x4000  }
0x33: {  	[sflag:s13] =	ssyncset.done $0x0  }
.LBB2_3:
0x34: {  	s17 =	sadd.s32 $0x1, s17  }
0x35: {  	[sflag:s13] =	ssyncadd.s32 $0xFFFFC000;
	p1 =	sne.s32 s17, s11  }
.Ltmp2:
0x36: {  	[bflag:$0x0] =	sbarrier.arrive $0xFFFF;
	(pc) =	sbr.rel @p1 .LBB2_1-.Ltmp2, $4  }
0x37: {  	[hbm:s16], [sflag:s6] =	dma.local [spmem:s12], $0x2800  }
0x38: {  	_ =	swait.ge [sflag:s13], $0x2800  }
0x39: {  	[sflag:s13] =	ssyncset.done $0x0  }
0x3a: {  	[sflag:s13] =	ssyncadd.s32 $0xFFFFD800  }
0x3b: {  	_ =	sfence.sel $0x180000  }
0x3c: {  	[bflag:$0x0] =	sbarrier.arrive $0xFFFF  }
0x3d: {  	p0 =	sne.s32 s1, $0x0;
	_ =	strace $0x9000004A  }
0x3e: {  	s0 =	sadd.s32 @!p0 $0x100000, s0;
	[bflag:$0x2] =	sbarrier.arrive $0xFFFF  }
0x3f: {  	[sflag:s0] =	ssyncadd.tile.s32 @!p0 $0x1;
	_ =	shalt  }
.Lfunc_end2:
_tile_overlayer_lowered:
.L_overlay_start_2:
0x40: {  	(tag) =	ssettag $0x2  }
0x41: {  	s0 =	rddreg [dreg:$0x0];
	s2 =	stileid.u32  }
0x42: {  	s1 =	rddreg [dreg:$0x1];
	p0 =	sne.s32 s2, $0x0  }
0x43: {  	s3 =	rddreg [dreg:$0x2];
	[bflag:$0x3] =	sbarrier.arrive $0xFFFF;
	s2 =	simm.s32 @!p0 $0x1C01  }
0x44: {  	[timem:s3], [sflag:s2] =	dma.local @!p0 [hbm:s0], s1  }
0x45: {  	s0 =	simm.s32 @!p0 $0x1  }
0x46: {  	_ =	swait.ge @!p0 [sflag:s0], s1  }
0x47: {  	s1 =	ssub.s32 @!p0 $0x0, s1;
	[sflag:s0] =	ssyncset.done @!p0 $0x0  }
0x48: {  	[sflag:s0] =	ssyncadd.s32 @!p0 s1  }
0x49: {  	[bflag:$0x3] =	sbarrier.arrive $0xFFFF  }
0x4a: {  	_ =	shalt  }

// kernel: kernel.18.cloned.1.call-start
scs
__scs_entry_jumppad:
0x0: {  	(pc) =	sbr.rel $0x88, $3  }
0x1: {  	(tag) =	ssettag $0x0;
	lr =	simm.s32 $0x1  }
0x2: {  	[smem:$0x3F9B] =	sst lr;
	_ =	strace $0xD0000000  }
0x3: {  	_ = 	snop  }
0x4: {  	_ = 	snop  }
0x5: {  	_ = 	snop  }
0x6: {  	_ = 	snop  }
0x7: {  	_ = 	snop  }
__scs_overlays_trampoline_lowered:
0x8: {  	[smem:$0x3FAA] =	sst s0  }
0x9: {  	[smem:$0x3FAB] =	sst s1  }
0xa: {  	[smem:$0x3FAC] =	sst s2  }
0xb: {  	[smem:$0x3FAD] =	sst s3  }
0xc: {  	[smem:$0x3FAE] =	sst s4  }
0xd: {  	[smem:$0x3FAF] =	sst s5  }
0xe: {  	[smem:$0x3FB0] =	sst s6  }
0xf: {  	[smem:$0x3FB1] =	sst s7  }
0x10: {  	[smem:$0x3FB2] =	sst s8  }
0x11: {  	[smem:$0x3FB3] =	sst s9;
	s0 =	simm.s32 @!p0 $0x0  }
0x12: {  	s1 =	sld [smem:$0x3F99];
	s0 =	simm.s32 @p0 $0x1  }
0x13: {  	[smem:$0x3FB4] =	sst s0;
	s0 =	simm.s32 @!p1 $0x0  }
0x14: {  	s2 =	sld [smem:$0x3F98];
	s0 =	simm.s32 @p1 $0x1  }
0x15: {  	[smem:$0x3FB5] =	sst s0;
	s0 =	simm.s32 @!p2 $0x0  }
0x16: {  	s3 =	sld [smem:$0x3FDB];
	s0 =	simm.s32 @p2 $0x1  }
0x17: {  	s4 =	simm.s32 $0x1BF5;
	[smem:$0x3FB7] =	sst s0  }
0x18: {  	s0 =	sld [smem:$0x3F9A];
	_ =	swait.ge [sflag:s4], $0x0  }
0x19: {  	s7 =	sld [smem:$0x3F9B]  }
0x1a: {  	s8 =	sadd.s32 $0xFFFFE003, lr  }
0x1b: {  	s9 =	sadd.s32 $0xFFFFFEF7, lr;
	s5 =	simm.s32 $0xFFFFFFFF;
	p2 =	slt.u32 s8, $0xFFFFF086  }
0x1c: {  	p1 =	slt.u32 s9, $0xF7A;
	s5 =	simm.s32 @!p2 $0x0  }
0x1d: {  	s5 =	simm.s32 @p1 $0x1;
	p0 =	seq.s32 s7, s2  }
0x1e: {  	s7 =	smul.u32 @!p0 $0xF7A, s2;
	p2 =	seq.s32 @!p0 s5, $0x0  }
0x1f: {  	s9 =	smul.u32 $0xF7A, s1;
	s8 =	simm.s32 @!p0 $0x1BF5;
	p2 =	por !p2, p0  }
0x20: {  	[sflag:s8] =	ssyncset.s32 @!p0 $0xFFFFF086;
	s6 =	sadd.s32 @!p0 s3, s7;
	s7 =	simm.s32 @!p0 $0x108  }
0x21: {  	s3 =	sadd.s32 s3, s9;
	s6 =	sadd.s32 @!p0 $0x88, s6;
	s7 =	simm.s32 @p2 $0x1082  }
0x22: {  	[simem:s7], [sflag:s8] =	dma.local @!p0 [hbm:s6], $0xF7A  }
0x23: {  	s9 =	sor.u32 $0xD0000000, s2;
	s6 =	simm.s32 $0x108;
	_ =	swait.ge @!p0 [sflag:s8], $0x0  }
0x24: {  	s3 =	sadd.s32 $0x88, s3;
	s6 =	simm.s32 @!p1 $0x1082;
	[sflag:s4] =	ssyncset.s32 $0xFFFFF086  }
0x25: {  	[simem:s6], [sflag:s4] =	dma.local [hbm:s3], $0xF7A  }
0x26: {  	[smem:$0x3F9B] =	sst s1;
	(tag) =	ssettag s2;
	_ =	strace s9  }
0x27: {  	s1 =	sld [smem:$0x3FAB]  }
0x28: {  	s2 =	sld [smem:$0x3FAC]  }
0x29: {  	s4 =	sld [smem:$0x3FAE]  }
0x2a: {  	p0 =	seq.s32 s5, $0x0;
	s5 =	sld [smem:$0x3FAF]  }
0x2b: {  	s6 =	sld [smem:$0x3FB0]  }
0x2c: {  	s7 =	sld [smem:$0x3FB1]  }
0x2d: {  	s3 =	simm.s32 $0x108;
	s8 =	sld [smem:$0x3FB2]  }
0x2e: {  	s3 =	simm.s32 @!p0 $0x1082;
	s9 =	sld [smem:$0x3FB3]  }
0x2f: {  	lr =	sadd.s32 s0, s3;
	s0 =	sld [smem:$0x3FAA]  }
0x30: {  	s3 =	sld [smem:$0x3FAD]  }
0x31: {  	[smem:$0x3FB6] =	sst s10  }
0x32: {  	s10 =	sld [smem:$0x3FB4];
	_ =	sdelay $0x3  }
0x33: {  	p0 =	seq.s32 s10, $0x1;
	s10 =	sld [smem:$0x3FB6];
	_ =	sdelay $0x3  }
0x34: {  	[smem:$0x3FB6] =	sst s10  }
0x35: {  	s10 =	sld [smem:$0x3FB5];
	_ =	sdelay $0x3  }
0x36: {  	p1 =	seq.s32 s10, $0x1;
	s10 =	sld [smem:$0x3FB6];
	_ =	sdelay $0x3  }
0x37: {  	[smem:$0x3FB6] =	sst s10  }
0x38: {  	s10 =	sld [smem:$0x3FB7]  }
0x39: {  	_ = 	snop;
	(pc) =	sbr.ind lr, $3  }
0x3a: {  	_ = 	snop  }
0x3b: {  	_ = 	snop  }
0x3c: {  	p2 =	seq.s32 s10, $0x1;
	s10 =	sld [smem:$0x3FB6]  }
0x3d: {  	_ =	shalt  }
0x3e: {  	_ =	shalt  }
0x3f: {  	_ =	shalt  }
0x40: {  	_ =	shalt  }
0x41: {  	_ =	shalt  }
0x42: {  	_ =	shalt  }
0x43: {  	_ =	shalt  }
0x44: {  	_ =	shalt  }
0x45: {  	_ =	shalt  }
0x46: {  	_ =	shalt  }
0x47: {  	_ =	shalt  }
0x48: {  	_ =	shalt  }
0x49: {  	_ =	shalt  }
0x4a: {  	_ =	shalt  }
0x4b: {  	_ =	shalt  }
0x4c: {  	_ =	shalt  }
0x4d: {  	_ =	shalt  }
0x4e: {  	_ =	shalt  }
0x4f: {  	_ =	shalt  }
0x50: {  	_ =	shalt  }
0x51: {  	_ =	shalt  }
0x52: {  	_ =	shalt  }
0x53: {  	_ =	shalt  }
0x54: {  	_ =	shalt  }
0x55: {  	_ =	shalt  }
0x56: {  	_ =	shalt  }
0x57: {  	_ =	shalt  }
0x58: {  	_ =	shalt  }
0x59: {  	_ =	shalt  }
0x5a: {  	_ =	shalt  }
0x5b: {  	_ =	shalt  }
0x5c: {  	_ =	shalt  }
0x5d: {  	_ =	shalt  }
0x5e: {  	_ =	shalt  }
0x5f: {  	_ =	shalt  }
0x60: {  	_ =	shalt  }
0x61: {  	_ =	shalt  }
0x62: {  	_ =	shalt  }
0x63: {  	_ =	shalt  }
0x64: {  	_ =	shalt  }
0x65: {  	_ =	shalt  }
0x66: {  	_ =	shalt  }
0x67: {  	_ =	shalt  }
0x68: {  	_ =	shalt  }
0x69: {  	_ =	shalt  }
0x6a: {  	_ =	shalt  }
0x6b: {  	_ =	shalt  }
0x6c: {  	_ =	shalt  }
0x6d: {  	_ =	shalt  }
0x6e: {  	_ =	shalt  }
0x6f: {  	_ =	shalt  }
0x70: {  	_ =	shalt  }
0x71: {  	_ =	shalt  }
0x72: {  	_ =	shalt  }
0x73: {  	_ =	shalt  }
0x74: {  	_ =	shalt  }
0x75: {  	_ =	shalt  }
0x76: {  	_ =	shalt  }
0x77: {  	_ =	shalt  }
0x78: {  	_ =	shalt  }
0x79: {  	_ =	shalt  }
0x7a: {  	_ =	shalt  }
0x7b: {  	_ =	shalt  }
0x7c: {  	_ =	shalt  }
0x7d: {  	_ =	shalt  }
0x7e: {  	_ =	shalt  }
0x7f: {  	_ =	shalt  }
0x80: {  	_ =	shalt  }
0x81: {  	_ =	shalt  }
0x82: {  	_ =	shalt  }
0x83: {  	_ =	shalt  }
0x84: {  	_ =	shalt  }
0x85: {  	_ =	shalt  }
0x86: {  	_ =	shalt  }
0x87: {  	_ =	shalt  }
.Lfunc_end0:
.L_simem_size_0:
called_computation.2_lowered:
.L_overlay_start_0:
0x88: {  	s2 =	sld [smem:$0x3FD9]  }
0x89: {  	s3 =	sld [smem:$0x3FFE];
	_ =	sdelay $0x1  }
0x8a: {  	s1 =	srdreg.scid  }
0x8b: {  	s0 =	sand.u32 $0x1, s1  }
0x8c: {  	s16 =	sshll.u32 s0, $0xA;
	s2 =	sadd.s32 s3, s2  }
0x8d: {  	s2 =	sadd.s32 s2, s16  }
0x8e: {  	[smem:$0x3FC2] =	sst s2  }
0x8f: {  	_ = 	snop  }
0x90: {  	(tm) =	ssettm $0x1  }
0x91: {  	s17 =	sld [smem:$0x3FFB];
	_ =	sdelay $0x3  }
0x92: {  	_ =	strace s17  }
0x93: {  	s2 =	sld [smem:$0x3FFC];
	_ =	sdelay $0x3  }
0x94: {  	_ =	strace s2  }
0x95: {  	s2 =	sld [smem:$0x3FFD];
	_ =	sdelay $0x3  }
0x96: {  	_ =	strace s2  }
0x97: {  	_ =	strace $0x8FFFFFFF  }
0x98: {  	s18 =	sld [smem:$0x3FDB];
	_ =	sdelay $0x1  }
0x99: {  	s19 =	simm.s32 $_scs_section_size  }
0x9a: {  	s4 =	simm.s32 $_size__tile_overlayer_lowered;
	s5 =	simm.s32 $_tile_overlayer_lowered  }
0x9b: {  	s22 =	simm.s32 $0x1BFF;
	s21 =	sshll.u32 s5, $0x1;
	s2 =	sadd.s32 s19, s18  }
0x9c: {  	s6 =	simm.s32 $0x0;
	s20 =	sshll.u32 s4, $0x1;
	s4 =	sadd.s32 s21, s2  }
0x9d: {  	[timem:s6], [sflag:s22] =	dma.local [hbm:s4], s20  }
0x9e: {  	_ =	swait.ge [sflag:s22], s20  }
0x9f: {  	s3 =	ssub.s32 $0x0, s20;
	[sflag:s22] =	ssyncset.done $0x0  }
0xa0: {  	[sflag:s22] =	ssyncadd.s32 s3;
	_ =	sdelay $0x1  }
0xa1: {  	s23 =	simm.s32 $0x1B8B  }
0xa2: {  	_ =	swait.ge [sflag:s23], $0x1  }
0xa3: {  	[sflag:s23] =	ssyncset.done $0x0  }
0xa4: {  	s25 =	simm.s32 $0x1B8E;
	s24 =	sld [smem:$0x3FFE];
	[sflag:s23] =	ssyncadd.s32 $0xFFFFFFFF  }
0xa5: {  	s26 =	simm.s32 $execute0_lowered;
	[smem:$0x3FD2] =	sst s25  }
0xa6: {  	s4 =	sshll.u32 s26, $0x1;
	_ =	strace $0x8000004C;
	[dreg:$0x1] =	wrdreg $0xFFFFFFFF  }
0xa7: {  	s28 =	simm.s32 $_size_execute0_lowered;
	s2 =	sadd.s32 s2, s4;
	[dreg:$0x0] =	wrdreg $0x0  }
0xa8: {  	s4 =	sshll.u32 s28, $0x1;
	[dreg:$0x2] =	wrdreg s2  }
0xa9: {  	[dreg:$0x3] =	wrdreg s4  }
0xaa: {  	[dreg:$0x4] =	wrdreg $0xC0  }
0xab: {  	_ =	task [dreg:s6], $0x5FFFF  }
0xac: {  	[dreg:$0x1] =	wrdreg $0xFFFFFFFF  }
0xad: {  	[dreg:$0x0] =	wrdreg $0x60  }
0xae: {  	[dreg:$0x2] =	wrdreg s24  }
0xaf: {  	[dreg:$0x3] =	wrdreg $0x90000  }
0xb0: {  	[dreg:$0x4] =	wrdreg $0x9  }
0xb1: {  	_ =	task.clear_ibuf [dreg:s6], $0x5FFFF;
	_ =	strace $0x9000004C  }
0xb2: {  	s29 =	simm.s32 $0x9;
	_ =	strace $0x8000004E  }
0xb3: {  	_ =	swait.ge [sflag:s29], $0x1  }
0xb4: {  	[sflag:s29] =	ssyncadd.s32 $0xFFFFFFFF  }
0xb5: {  	_ =	strace $0x9000004E  }
0xb6: {  	_ =	sfence  }
0xb7: {  	s30 =	sld [smem:$0x0];
	_ =	sdelay $0x2  }
0xb8: {  	s31 =	sshll.u32 s1, $0xD;
	s1 =	sshrl.u32 s1, $0x2  }
0xb9: {  	s3 =	sand.u32 $0x4000, s31;
	s1 =	sadd.s32 s1, s30  }
0xba: {  	s0 =	sor.u32 s3, s0;
	s1 =	sshll.u32 s1, $0x11  }
0xbb: {  	s0 =	sor.u32 s1, s0  }
0xbc: {  	s0 =	sadd.s32 $0x8F2B, s0  }
0xbd: {  	[sflag:s0] =	ssyncadd.remote.s32 $0x1  }
0xbe: {  	_ =	sfence.sel $0xFFFF  }
0xbf: {  	[dreg:$0x0] =	wrdreg $0xFFFFFFFF;
	(pc) =	sbr.abs _section_cstart, $3  }
0xc0: {  	[dreg:$0x1] =	wrdreg $0xFFFFFFFF  }
0xc1: {  	_ =	task.clear_ibuf [dreg:s6], $0x2FFFF;
	_ =	strace $0x9FFFFFFF  }
0xc2: {  	(tm) =	ssettm $0x7FFFFFFF  }
0xc3: {  	_ =	shalt  }
tec
execute0_lowered:
.L_overlay_start_1:
0x0: {  	(tag) =	ssettag $0x1  }
0x1: {  	s5 =	rddreg [dreg:$0x0]  }
0x2: {  	s2 =	rddreg [dreg:$0x1]  }
0x3: {  	s0 =	rddreg [dreg:$0x2]  }
0x4: {  	s1 =	stileid.u32;
	s4 =	srdreg.scid  }
0x5: {  	s3 =	simm.s32 $0x0;
	s15 =	simm.s32 $0x5000;
	s6 =	smul.u32 $0x500, s1  }
0x6: {  	s16 =	smul.u32 $0x2800, s1;
	s12 =	sand.u32 $0x1, s4;
	[smem:$0x7FF] =	sst s3  }
0x7: {  	s4 =	sadd.s32 $0x18400, s5;
	s8 =	smul.u32 $0x50000, s1;
	s31 =	sshll.u32 s1, $0x6  }
0x8: {  	s7 =	smul.u32 $0x28000, s12;
	_ =	strace $0x8000004D;
	s9 =	ssub.s32 $0x2, s12  }
0x9: {  	p0 =	sne.s32 s12, $0x0;
	s10 =	sadd.s32 s6, s5;
	s28 =	sadd.s32 s16, s5  }
0xa: {  	s29 =	sshrl.u32 s9, $0x1;
	s30 =	sshrl.u32 s8, $0x2;
	s6 =	sor.u32 $0x1C01, s31  }
0xb: {  	s11 =	sadd.s32 s7, s5;
	s13 =	ssub.s32 s9, s29;
	s14 =	sadd.s32 s30, s2  }
0xc: {  	s5 =	sadd.s32 $0x40400, s28;
	s7 =	sadd.s32 $0x9400, s10;
	s8 =	sadd.s32 $0x4400, s10  }
0xd: {  	s9 =	sadd.s32 $0x13400, s10;
	s10 =	sadd.s32 $0xE400, s10;
	s17 =	sadd.s32 $0xB8400, s11  }
0xe: {  	s11 =	smax.u32 s13, $0x1;
	s12 =	sshrl.u32 s14, $0x3;
	s13 =	simm.s32 $0x1  }
0xf: {  	s14 =	simm.s32 $0x80;
	s16 =	sadd.s32 s16, s17;
	s17 =	simm.s32 $0x0  }
.LBB2_1:
0x10: {  	[spmem:s12], [sflag:s6] =	dma.local [hbm:s5], $0x2800  }
0x11: {  	_ =	swait.ge [sflag:s13], $0x2800  }
0x12: {  	[sflag:s13] =	ssyncset.done $0x0  }
0x13: {  	s18 =	simm.s32 @p0 $0x0;
	s19 =	simm.s32 @p0 $0x1;
	[sflag:s13] =	ssyncadd.s32 $0xFFFFD800  }
0x14: {  	[tilespmem:s18], [sflag:$0x1] =	stream.linear.gather @p0 [hbm4b:s7+s18], $0x2680, $0x38;
	[tilespmem:$0x1D000] =	vst v63  }
0x15: {  	_ =	swait.ge @p0 [sflag:s19], $0x2680  }
0x16: {  	[sflag:s19] =	ssyncset.done @p0 $0x0  }
0x17: {  	s20 =	simm.s32 @p0 $0x2800;
	[sflag:s19] =	ssyncadd.s32 @p0 $0xFFFFD980  }
0x18: {  	[tilespmem:s20], [sflag:$0x1] =	stream.linear.gather @p0 [hbm4b:s8+s18], $0x2680, $0x38;
	[tilespmem:$0x1D000] =	vst v63  }
0x19: {  	_ =	swait.ge @p0 [sflag:s19], $0x2680  }
0x1a: {  	[sflag:s19] =	ssyncset.done @p0 $0x0  }
0x1b: {  	s18 =	simm.s32 @!p0 $0x0;
	[sflag:s19] =	ssyncadd.s32 @p0 $0xFFFFD980;
	s19 =	simm.s32 @!p0 $0x1  }
0x1c: {  	[tilespmem:s18], [sflag:$0x1] =	stream.linear.gather @!p0 [hbm4b:s9+s18], $0x2800, $0x38;
	[tilespmem:$0x1D000] =	vst v63  }
0x1d: {  	_ =	swait.ge @!p0 [sflag:s19], $0x2800  }
0x1e: {  	[sflag:s19] =	ssyncset.done @!p0 $0x0  }
0x1f: {  	s20 =	simm.s32 @!p0 $0x2800;
	[sflag:s19] =	ssyncadd.s32 @!p0 $0xFFFFD800  }
0x20: {  	[tilespmem:s20], [sflag:$0x1] =	stream.linear.gather @!p0 [hbm4b:s10+s18], $0x2800, $0x38;
	[tilespmem:$0x1D000] =	vst v63  }
0x21: {  	_ =	swait.ge @!p0 [sflag:s19], $0x2800  }
0x22: {  	[sflag:s19] =	ssyncset.done @!p0 $0x0  }
0x23: {  	[sflag:s19] =	ssyncadd.s32 @!p0 $0xFFFFD800;
	s19 =	simm.s32 @!p0 $0x50  }
0x24: {  	[bflag:$0x0] =	sbarrier.arrive $0xFFFF;
	s19 =	simm.s32 @p0 $0x4D  }
0x25: {  	[tilespmem:s15], [sflag:$0x1] =	stream.indirect.gather [hbm4b:s4+s14], $0x80, s3, s14, $0xb8;
	[tilespmem:$0x1D000] =	vst v63  }
0x26: {  	p1 =	sne.s32 s19, $0x1;
	_ =	swait.ge [sflag:s13], $0x4000  }
.Ltmp0:
0x27: {  	[sflag:s13] =	ssyncset.done $0x0;
	(pc) =	sbr.rel @!p1 .LBB2_3-.Ltmp0, $4  }
0x28: {  	s18 =	simm.s32 $0x2800;
	[sflag:s13] =	ssyncadd.s32 $0xFFFFC000  }
0x29: {  	[spmem:s2] =	stream.indirect.scatter.add.f32 [tilespmem:s15], [sflag:$0x1], $0x80, s18, s14, $0xb8;
	[tilespmem:$0x1D000] =	vst v63  }
0x2a: {  	_ =	swait.ge [sflag:s13], $0x4000  }
0x2b: {  	s20 =	simm.s32 $0x0;
	s19 =	sadd.s32 $0xFFFFFFFF, s19;
	[sflag:s13] =	ssyncset.done $0x0  }
.LBB2_2:
0x2c: {  	[sflag:s13] =	ssyncadd.s32 $0xFFFFC000;
	s20 =	sadd.s32 $0x80, s20;
	s18 =	sadd.s32 $0x80, s18  }
0x2d: {  	[tilespmem:s15], [sflag:$0x1] =	stream.indirect.gather [hbm4b:s4+s14], $0x80, s20, s14, $0xb8;
	[tilespmem:$0x1D000] =	vst v63  }
0x2e: {  	p1 =	sne.s32 s19, $0x1;
	s19 =	sadd.s32 $0xFFFFFFFF, s19;
	_ =	swait.ge [sflag:s13], $0x4000  }
.Ltmp1:
0x2f: {  	[sflag:s13] =	ssyncset.done $0x0;
	(pc) =	sbr.rel @p1 .LBB2_2-.Ltmp1, $4  }
0x30: {  	[sflag:s13] =	ssyncadd.s32 $0xFFFFC000  }
0x31: {  	[spmem:s2] =	stream.indirect.scatter.add.f32 [tilespmem:s15], [sflag:$0x1], $0x80, s18, s14, $0xb8;
	[tilespmem:$0x1D000] =	vst v63  }
0x32: {  	_ =	swait.ge [sflag:s13], $0x4000  }
0x33: {  	[sflag:s13] =	ssyncset.done $0x0  }
.LBB2_3:
0x34: {  	s17 =	sadd.s32 $0x1, s17  }
0x35: {  	[sflag:s13] =	ssyncadd.s32 $0xFFFFC000;
	p1 =	sne.s32 s17, s11  }
.Ltmp2:
0x36: {  	[bflag:$0x0] =	sbarrier.arrive $0xFFFF;
	(pc) =	sbr.rel @p1 .LBB2_1-.Ltmp2, $4  }
0x37: {  	[hbm:s16], [sflag:s6] =	dma.local [spmem:s12], $0x2800  }
0x38: {  	_ =	swait.ge [sflag:s13], $0x2800  }
0x39: {  	[sflag:s13] =	ssyncset.done $0x0  }
0x3a: {  	[sflag:s13] =	ssyncadd.s32 $0xFFFFD800  }
0x3b: {  	_ =	sfence.sel $0x180000  }
0x3c: {  	[bflag:$0x0] =	sbarrier.arrive $0xFFFF  }
0x3d: {  	p0 =	sne.s32 s1, $0x0;
	_ =	strace $0x9000004D  }
0x3e: {  	s0 =	sadd.s32 @!p0 $0x100000, s0;
	[bflag:$0x2] =	sbarrier.arrive $0xFFFF  }
0x3f: {  	[sflag:s0] =	ssyncadd.tile.s32 @!p0 $0x1;
	_ =	shalt  }
.Lfunc_end2:
_tile_overlayer_lowered:
.L_overlay_start_2:
0x40: {  	(tag) =	ssettag $0x2  }
0x41: {  	s0 =	rddreg [dreg:$0x0];
	s2 =	stileid.u32  }
0x42: {  	s1 =	rddreg [dreg:$0x1];
	p0 =	sne.s32 s2, $0x0  }
0x43: {  	s3 =	rddreg [dreg:$0x2];
	[bflag:$0x3] =	sbarrier.arrive $0xFFFF;
	s2 =	simm.s32 @!p0 $0x1C01  }
0x44: {  	[timem:s3], [sflag:s2] =	dma.local @!p0 [hbm:s0], s1  }
0x45: {  	s0 =	simm.s32 @!p0 $0x1  }
0x46: {  	_ =	swait.ge @!p0 [sflag:s0], s1  }
0x47: {  	s1 =	ssub.s32 @!p0 $0x0, s1;
	[sflag:s0] =	ssyncset.done @!p0 $0x0  }
0x48: {  	[sflag:s0] =	ssyncadd.s32 @!p0 s1  }
0x49: {  	[bflag:$0x3] =	sbarrier.arrive $0xFFFF  }
0x4a: {  	_ =	shalt  }

// kernel: kernel.21.cloned.1.call-start
scs
__scs_entry_jumppad:
0x0: {  	(pc) =	sbr.rel $0x88, $3  }
0x1: {  	(tag) =	ssettag $0x0;
	lr =	simm.s32 $0x1  }
0x2: {  	[smem:$0x3F9B] =	sst lr;
	_ =	strace $0xD0000000  }
0x3: {  	_ = 	snop  }
0x4: {  	_ = 	snop  }
0x5: {  	_ = 	snop  }
0x6: {  	_ = 	snop  }
0x7: {  	_ = 	snop  }
__scs_overlays_trampoline_lowered:
0x8: {  	[smem:$0x3FAA] =	sst s0  }
0x9: {  	[smem:$0x3FAB] =	sst s1  }
0xa: {  	[smem:$0x3FAC] =	sst s2  }
0xb: {  	[smem:$0x3FAD] =	sst s3  }
0xc: {  	[smem:$0x3FAE] =	sst s4  }
0xd: {  	[smem:$0x3FAF] =	sst s5  }
0xe: {  	[smem:$0x3FB0] =	sst s6  }
0xf: {  	[smem:$0x3FB1] =	sst s7  }
0x10: {  	[smem:$0x3FB2] =	sst s8  }
0x11: {  	[smem:$0x3FB3] =	sst s9;
	s0 =	simm.s32 @!p0 $0x0  }
0x12: {  	s1 =	sld [smem:$0x3F99];
	s0 =	simm.s32 @p0 $0x1  }
0x13: {  	[smem:$0x3FB4] =	sst s0;
	s0 =	simm.s32 @!p1 $0x0  }
0x14: {  	s2 =	sld [smem:$0x3F98];
	s0 =	simm.s32 @p1 $0x1  }
0x15: {  	[smem:$0x3FB5] =	sst s0;
	s0 =	simm.s32 @!p2 $0x0  }
0x16: {  	s3 =	sld [smem:$0x3FDB];
	s0 =	simm.s32 @p2 $0x1  }
0x17: {  	s4 =	simm.s32 $0x1BF5;
	[smem:$0x3FB7] =	sst s0  }
0x18: {  	s0 =	sld [smem:$0x3F9A];
	_ =	swait.ge [sflag:s4], $0x0  }
0x19: {  	s7 =	sld [smem:$0x3F9B]  }
0x1a: {  	s8 =	sadd.s32 $0xFFFFE003, lr  }
0x1b: {  	s9 =	sadd.s32 $0xFFFFFEF7, lr;
	s5 =	simm.s32 $0xFFFFFFFF;
	p2 =	slt.u32 s8, $0xFFFFF086  }
0x1c: {  	p1 =	slt.u32 s9, $0xF7A;
	s5 =	simm.s32 @!p2 $0x0  }
0x1d: {  	s5 =	simm.s32 @p1 $0x1;
	p0 =	seq.s32 s7, s2  }
0x1e: {  	s7 =	smul.u32 @!p0 $0xF7A, s2;
	p2 =	seq.s32 @!p0 s5, $0x0  }
0x1f: {  	s9 =	smul.u32 $0xF7A, s1;
	s8 =	simm.s32 @!p0 $0x1BF5;
	p2 =	por !p2, p0  }
0x20: {  	[sflag:s8] =	ssyncset.s32 @!p0 $0xFFFFF086;
	s6 =	sadd.s32 @!p0 s3, s7;
	s7 =	simm.s32 @!p0 $0x108  }
0x21: {  	s3 =	sadd.s32 s3, s9;
	s6 =	sadd.s32 @!p0 $0x88, s6;
	s7 =	simm.s32 @p2 $0x1082  }
0x22: {  	[simem:s7], [sflag:s8] =	dma.local @!p0 [hbm:s6], $0xF7A  }
0x23: {  	s9 =	sor.u32 $0xD0000000, s2;
	s6 =	simm.s32 $0x108;
	_ =	swait.ge @!p0 [sflag:s8], $0x0  }
0x24: {  	s3 =	sadd.s32 $0x88, s3;
	s6 =	simm.s32 @!p1 $0x1082;
	[sflag:s4] =	ssyncset.s32 $0xFFFFF086  }
0x25: {  	[simem:s6], [sflag:s4] =	dma.local [hbm:s3], $0xF7A  }
0x26: {  	[smem:$0x3F9B] =	sst s1;
	(tag) =	ssettag s2;
	_ =	strace s9  }
0x27: {  	s1 =	sld [smem:$0x3FAB]  }
0x28: {  	s2 =	sld [smem:$0x3FAC]  }
0x29: {  	s4 =	sld [smem:$0x3FAE]  }
0x2a: {  	p0 =	seq.s32 s5, $0x0;
	s5 =	sld [smem:$0x3FAF]  }
0x2b: {  	s6 =	sld [smem:$0x3FB0]  }
0x2c: {  	s7 =	sld [smem:$0x3FB1]  }
0x2d: {  	s3 =	simm.s32 $0x108;
	s8 =	sld [smem:$0x3FB2]  }
0x2e: {  	s3 =	simm.s32 @!p0 $0x1082;
	s9 =	sld [smem:$0x3FB3]  }
0x2f: {  	lr =	sadd.s32 s0, s3;
	s0 =	sld [smem:$0x3FAA]  }
0x30: {  	s3 =	sld [smem:$0x3FAD]  }
0x31: {  	[smem:$0x3FB6] =	sst s10  }
0x32: {  	s10 =	sld [smem:$0x3FB4];
	_ =	sdelay $0x3  }
0x33: {  	p0 =	seq.s32 s10, $0x1;
	s10 =	sld [smem:$0x3FB6];
	_ =	sdelay $0x3  }
0x34: {  	[smem:$0x3FB6] =	sst s10  }
0x35: {  	s10 =	sld [smem:$0x3FB5];
	_ =	sdelay $0x3  }
0x36: {  	p1 =	seq.s32 s10, $0x1;
	s10 =	sld [smem:$0x3FB6];
	_ =	sdelay $0x3  }
0x37: {  	[smem:$0x3FB6] =	sst s10  }
0x38: {  	s10 =	sld [smem:$0x3FB7]  }
0x39: {  	_ = 	snop;
	(pc) =	sbr.ind lr, $3  }
0x3a: {  	_ = 	snop  }
0x3b: {  	_ = 	snop  }
0x3c: {  	p2 =	seq.s32 s10, $0x1;
	s10 =	sld [smem:$0x3FB6]  }
0x3d: {  	_ =	shalt  }
0x3e: {  	_ =	shalt  }
0x3f: {  	_ =	shalt  }
0x40: {  	_ =	shalt  }
0x41: {  	_ =	shalt  }
0x42: {  	_ =	shalt  }
0x43: {  	_ =	shalt  }
0x44: {  	_ =	shalt  }
0x45: {  	_ =	shalt  }
0x46: {  	_ =	shalt  }
0x47: {  	_ =	shalt  }
0x48: {  	_ =	shalt  }
0x49: {  	_ =	shalt  }
0x4a: {  	_ =	shalt  }
0x4b: {  	_ =	shalt  }
0x4c: {  	_ =	shalt  }
0x4d: {  	_ =	shalt  }
0x4e: {  	_ =	shalt  }
0x4f: {  	_ =	shalt  }
0x50: {  	_ =	shalt  }
0x51: {  	_ =	shalt  }
0x52: {  	_ =	shalt  }
0x53: {  	_ =	shalt  }
0x54: {  	_ =	shalt  }
0x55: {  	_ =	shalt  }
0x56: {  	_ =	shalt  }
0x57: {  	_ =	shalt  }
0x58: {  	_ =	shalt  }
0x59: {  	_ =	shalt  }
0x5a: {  	_ =	shalt  }
0x5b: {  	_ =	shalt  }
0x5c: {  	_ =	shalt  }
0x5d: {  	_ =	shalt  }
0x5e: {  	_ =	shalt  }
0x5f: {  	_ =	shalt  }
0x60: {  	_ =	shalt  }
0x61: {  	_ =	shalt  }
0x62: {  	_ =	shalt  }
0x63: {  	_ =	shalt  }
0x64: {  	_ =	shalt  }
0x65: {  	_ =	shalt  }
0x66: {  	_ =	shalt  }
0x67: {  	_ =	shalt  }
0x68: {  	_ =	shalt  }
0x69: {  	_ =	shalt  }
0x6a: {  	_ =	shalt  }
0x6b: {  	_ =	shalt  }
0x6c: {  	_ =	shalt  }
0x6d: {  	_ =	shalt  }
0x6e: {  	_ =	shalt  }
0x6f: {  	_ =	shalt  }
0x70: {  	_ =	shalt  }
0x71: {  	_ =	shalt  }
0x72: {  	_ =	shalt  }
0x73: {  	_ =	shalt  }
0x74: {  	_ =	shalt  }
0x75: {  	_ =	shalt  }
0x76: {  	_ =	shalt  }
0x77: {  	_ =	shalt  }
0x78: {  	_ =	shalt  }
0x79: {  	_ =	shalt  }
0x7a: {  	_ =	shalt  }
0x7b: {  	_ =	shalt  }
0x7c: {  	_ =	shalt  }
0x7d: {  	_ =	shalt  }
0x7e: {  	_ =	shalt  }
0x7f: {  	_ =	shalt  }
0x80: {  	_ =	shalt  }
0x81: {  	_ =	shalt  }
0x82: {  	_ =	shalt  }
0x83: {  	_ =	shalt  }
0x84: {  	_ =	shalt  }
0x85: {  	_ =	shalt  }
0x86: {  	_ =	shalt  }
0x87: {  	_ =	shalt  }
.Lfunc_end0:
.L_simem_size_0:
called_computation.3_lowered:
.L_overlay_start_0:
0x88: {  	s2 =	sld [smem:$0x3FD9]  }
0x89: {  	s3 =	sld [smem:$0x3FFE];
	_ =	sdelay $0x1  }
0x8a: {  	s1 =	srdreg.scid  }
0x8b: {  	s0 =	sand.u32 $0x1, s1  }
0x8c: {  	s16 =	sshll.u32 s0, $0xA;
	s2 =	sadd.s32 s3, s2  }
0x8d: {  	s2 =	sadd.s32 s2, s16  }
0x8e: {  	[smem:$0x3FC2] =	sst s2  }
0x8f: {  	_ = 	snop  }
0x90: {  	(tm) =	ssettm $0x1  }
0x91: {  	s17 =	sld [smem:$0x3FFB];
	_ =	sdelay $0x3  }
0x92: {  	_ =	strace s17  }
0x93: {  	s2 =	sld [smem:$0x3FFC];
	_ =	sdelay $0x3  }
0x94: {  	_ =	strace s2  }
0x95: {  	s2 =	sld [smem:$0x3FFD];
	_ =	sdelay $0x3  }
0x96: {  	_ =	strace s2  }
0x97: {  	_ =	strace $0x8FFFFFFF  }
0x98: {  	s18 =	sld [smem:$0x3FDB];
	_ =	sdelay $0x1  }
0x99: {  	s19 =	simm.s32 $_scs_section_size  }
0x9a: {  	s4 =	simm.s32 $_size__tile_overlayer_lowered;
	s5 =	simm.s32 $_tile_overlayer_lowered  }
0x9b: {  	s22 =	simm.s32 $0x1BFF;
	s21 =	sshll.u32 s5, $0x1;
	s2 =	sadd.s32 s19, s18  }
0x9c: {  	s6 =	simm.s32 $0x0;
	s20 =	sshll.u32 s4, $0x1;
	s4 =	sadd.s32 s21, s2  }
0x9d: {  	[timem:s6], [sflag:s22] =	dma.local [hbm:s4], s20  }
0x9e: {  	_ =	swait.ge [sflag:s22], s20  }
0x9f: {  	s3 =	ssub.s32 $0x0, s20;
	[sflag:s22] =	ssyncset.done $0x0  }
0xa0: {  	[sflag:s22] =	ssyncadd.s32 s3;
	_ =	sdelay $0x1  }
0xa1: {  	s23 =	simm.s32 $0x1B8B  }
0xa2: {  	_ =	swait.ge [sflag:s23], $0x1  }
0xa3: {  	[sflag:s23] =	ssyncset.done $0x0  }
0xa4: {  	s25 =	simm.s32 $0x1B8E;
	s24 =	sld [smem:$0x3FFE];
	[sflag:s23] =	ssyncadd.s32 $0xFFFFFFFF  }
0xa5: {  	s26 =	simm.s32 $execute0_lowered;
	[smem:$0x3FD2] =	sst s25  }
0xa6: {  	s4 =	sshll.u32 s26, $0x1;
	_ =	strace $0x8000004F;
	[dreg:$0x1] =	wrdreg $0xFFFFFFFF  }
0xa7: {  	s28 =	simm.s32 $_size_execute0_lowered;
	s2 =	sadd.s32 s2, s4;
	[dreg:$0x0] =	wrdreg $0x0  }
0xa8: {  	s4 =	sshll.u32 s28, $0x1;
	[dreg:$0x2] =	wrdreg s2  }
0xa9: {  	[dreg:$0x3] =	wrdreg s4  }
0xaa: {  	[dreg:$0x4] =	wrdreg $0xC0  }
0xab: {  	_ =	task [dreg:s6], $0x5FFFF  }
0xac: {  	[dreg:$0x1] =	wrdreg $0xFFFFFFFF  }
0xad: {  	[dreg:$0x0] =	wrdreg $0x60  }
0xae: {  	[dreg:$0x2] =	wrdreg s24  }
0xaf: {  	[dreg:$0x3] =	wrdreg $0x90000  }
0xb0: {  	[dreg:$0x4] =	wrdreg $0x9  }
0xb1: {  	_ =	task.clear_ibuf [dreg:s6], $0x5FFFF;
	_ =	strace $0x9000004F  }
0xb2: {  	s29 =	simm.s32 $0x9;
	_ =	strace $0x80000051  }
0xb3: {  	_ =	swait.ge [sflag:s29], $0x1  }
0xb4: {  	[sflag:s29] =	ssyncadd.s32 $0xFFFFFFFF  }
0xb5: {  	_ =	strace $0x90000051  }
0xb6: {  	_ =	sfence  }
0xb7: {  	s30 =	sld [smem:$0x0];
	_ =	sdelay $0x2  }
0xb8: {  	s31 =	sshll.u32 s1, $0xD;
	s1 =	sshrl.u32 s1, $0x2  }
0xb9: {  	s3 =	sand.u32 $0x4000, s31;
	s1 =	sadd.s32 s1, s30  }
0xba: {  	s0 =	sor.u32 s3, s0;
	s1 =	sshll.u32 s1, $0x11  }
0xbb: {  	s0 =	sor.u32 s1, s0  }
0xbc: {  	s0 =	sadd.s32 $0x8F2B, s0  }
0xbd: {  	[sflag:s0] =	ssyncadd.remote.s32 $0x1  }
0xbe: {  	_ =	sfence.sel $0xFFFF  }
0xbf: {  	[dreg:$0x0] =	wrdreg $0xFFFFFFFF;
	(pc) =	sbr.abs _section_cstart, $3  }
0xc0: {  	[dreg:$0x1] =	wrdreg $0xFFFFFFFF  }
0xc1: {  	_ =	task.clear_ibuf [dreg:s6], $0x2FFFF;
	_ =	strace $0x9FFFFFFF  }
0xc2: {  	(tm) =	ssettm $0x7FFFFFFF  }
0xc3: {  	_ =	shalt  }
tec
execute0_lowered:
.L_overlay_start_1:
0x0: {  	(tag) =	ssettag $0x1  }
0x1: {  	s5 =	rddreg [dreg:$0x0]  }
0x2: {  	s2 =	rddreg [dreg:$0x1]  }
0x3: {  	s0 =	rddreg [dreg:$0x2]  }
0x4: {  	s1 =	stileid.u32;
	s4 =	srdreg.scid  }
0x5: {  	s3 =	simm.s32 $0x0;
	s15 =	simm.s32 $0x5000;
	s6 =	smul.u32 $0x500, s1  }
0x6: {  	s16 =	smul.u32 $0x2800, s1;
	s12 =	sand.u32 $0x1, s4;
	[smem:$0x7FF] =	sst s3  }
0x7: {  	s4 =	sadd.s32 $0x18400, s5;
	s8 =	smul.u32 $0x50000, s1;
	s31 =	sshll.u32 s1, $0x6  }
0x8: {  	s7 =	smul.u32 $0x28000, s12;
	_ =	strace $0x80000050;
	s9 =	ssub.s32 $0x2, s12  }
0x9: {  	p0 =	sne.s32 s12, $0x0;
	s10 =	sadd.s32 s6, s5;
	s28 =	sadd.s32 s16, s5  }
0xa: {  	s29 =	sshrl.u32 s9, $0x1;
	s30 =	sshrl.u32 s8, $0x2;
	s6 =	sor.u32 $0x1C01, s31  }
0xb: {  	s11 =	sadd.s32 s7, s5;
	s13 =	ssub.s32 s9, s29;
	s14 =	sadd.s32 s30, s2  }
0xc: {  	s5 =	sadd.s32 $0x40400, s28;
	s7 =	sadd.s32 $0x9400, s10;
	s8 =	sadd.s32 $0x4400, s10  }
0xd: {  	s9 =	sadd.s32 $0x13400, s10;
	s10 =	sadd.s32 $0xE400, s10;
	s17 =	sadd.s32 $0x68400, s11  }
0xe: {  	s11 =	smax.u32 s13, $0x1;
	s12 =	sshrl.u32 s14, $0x3;
	s13 =	simm.s32 $0x1  }
0xf: {  	s14 =	simm.s32 $0x80;
	s16 =	sadd.s32 s16, s17;
	s17 =	simm.s32 $0x0  }
.LBB2_1:
0x10: {  	[spmem:s12], [sflag:s6] =	dma.local [hbm:s5], $0x2800  }
0x11: {  	_ =	swait.ge [sflag:s13], $0x2800  }
0x12: {  	[sflag:s13] =	ssyncset.done $0x0  }
0x13: {  	s18 =	simm.s32 @p0 $0x0;
	s19 =	simm.s32 @p0 $0x1;
	[sflag:s13] =	ssyncadd.s32 $0xFFFFD800  }
0x14: {  	[tilespmem:s18], [sflag:$0x1] =	stream.linear.gather @p0 [hbm4b:s7+s18], $0x2680, $0x38;
	[tilespmem:$0x1D000] =	vst v63  }
0x15: {  	_ =	swait.ge @p0 [sflag:s19], $0x2680  }
0x16: {  	[sflag:s19] =	ssyncset.done @p0 $0x0  }
0x17: {  	s20 =	simm.s32 @p0 $0x2800;
	[sflag:s19] =	ssyncadd.s32 @p0 $0xFFFFD980  }
0x18: {  	[tilespmem:s20], [sflag:$0x1] =	stream.linear.gather @p0 [hbm4b:s8+s18], $0x2680, $0x38;
	[tilespmem:$0x1D000] =	vst v63  }
0x19: {  	_ =	swait.ge @p0 [sflag:s19], $0x2680  }
0x1a: {  	[sflag:s19] =	ssyncset.done @p0 $0x0  }
0x1b: {  	s18 =	simm.s32 @!p0 $0x0;
	[sflag:s19] =	ssyncadd.s32 @p0 $0xFFFFD980;
	s19 =	simm.s32 @!p0 $0x1  }
0x1c: {  	[tilespmem:s18], [sflag:$0x1] =	stream.linear.gather @!p0 [hbm4b:s9+s18], $0x2800, $0x38;
	[tilespmem:$0x1D000] =	vst v63  }
0x1d: {  	_ =	swait.ge @!p0 [sflag:s19], $0x2800  }
0x1e: {  	[sflag:s19] =	ssyncset.done @!p0 $0x0  }
0x1f: {  	s20 =	simm.s32 @!p0 $0x2800;
	[sflag:s19] =	ssyncadd.s32 @!p0 $0xFFFFD800  }
0x20: {  	[tilespmem:s20], [sflag:$0x1] =	stream.linear.gather @!p0 [hbm4b:s10+s18], $0x2800, $0x38;
	[tilespmem:$0x1D000] =	vst v63  }
0x21: {  	_ =	swait.ge @!p0 [sflag:s19], $0x2800  }
0x22: {  	[sflag:s19] =	ssyncset.done @!p0 $0x0  }
0x23: {  	[sflag:s19] =	ssyncadd.s32 @!p0 $0xFFFFD800;
	s19 =	simm.s32 @!p0 $0x50  }
0x24: {  	[bflag:$0x0] =	sbarrier.arrive $0xFFFF;
	s19 =	simm.s32 @p0 $0x4D  }
0x25: {  	[tilespmem:s15], [sflag:$0x1] =	stream.indirect.gather [hbm4b:s4+s14], $0x80, s3, s14, $0xb8;
	[tilespmem:$0x1D000] =	vst v63  }
0x26: {  	p1 =	sne.s32 s19, $0x1;
	_ =	swait.ge [sflag:s13], $0x4000  }
.Ltmp0:
0x27: {  	[sflag:s13] =	ssyncset.done $0x0;
	(pc) =	sbr.rel @!p1 .LBB2_3-.Ltmp0, $4  }
0x28: {  	s18 =	simm.s32 $0x2800;
	[sflag:s13] =	ssyncadd.s32 $0xFFFFC000  }
0x29: {  	[spmem:s2] =	stream.indirect.scatter.add.f32 [tilespmem:s15], [sflag:$0x1], $0x80, s18, s14, $0xb8;
	[tilespmem:$0x1D000] =	vst v63  }
0x2a: {  	_ =	swait.ge [sflag:s13], $0x4000  }
0x2b: {  	s20 =	simm.s32 $0x0;
	s19 =	sadd.s32 $0xFFFFFFFF, s19;
	[sflag:s13] =	ssyncset.done $0x0  }
.LBB2_2:
0x2c: {  	[sflag:s13] =	ssyncadd.s32 $0xFFFFC000;
	s20 =	sadd.s32 $0x80, s20;
	s18 =	sadd.s32 $0x80, s18  }
0x2d: {  	[tilespmem:s15], [sflag:$0x1] =	stream.indirect.gather [hbm4b:s4+s14], $0x80, s20, s14, $0xb8;
	[tilespmem:$0x1D000] =	vst v63  }
0x2e: {  	p1 =	sne.s32 s19, $0x1;
	s19 =	sadd.s32 $0xFFFFFFFF, s19;
	_ =	swait.ge [sflag:s13], $0x4000  }
.Ltmp1:
0x2f: {  	[sflag:s13] =	ssyncset.done $0x0;
	(pc) =	sbr.rel @p1 .LBB2_2-.Ltmp1, $4  }
0x30: {  	[sflag:s13] =	ssyncadd.s32 $0xFFFFC000  }
0x31: {  	[spmem:s2] =	stream.indirect.scatter.add.f32 [tilespmem:s15], [sflag:$0x1], $0x80, s18, s14, $0xb8;
	[tilespmem:$0x1D000] =	vst v63  }
0x32: {  	_ =	swait.ge [sflag:s13], $0x4000  }
0x33: {  	[sflag:s13] =	ssyncset.done $0x0  }
.LBB2_3:
0x34: {  	s17 =	sadd.s32 $0x1, s17  }
0x35: {  	[sflag:s13] =	ssyncadd.s32 $0xFFFFC000;
	p1 =	sne.s32 s17, s11  }
.Ltmp2:
0x36: {  	[bflag:$0x0] =	sbarrier.arrive $0xFFFF;
	(pc) =	sbr.rel @p1 .LBB2_1-.Ltmp2, $4  }
0x37: {  	[hbm:s16], [sflag:s6] =	dma.local [spmem:s12], $0x2800  }
0x38: {  	_ =	swait.ge [sflag:s13], $0x2800  }
0x39: {  	[sflag:s13] =	ssyncset.done $0x0  }
0x3a: {  	[sflag:s13] =	ssyncadd.s32 $0xFFFFD800  }
0x3b: {  	_ =	sfence.sel $0x180000  }
0x3c: {  	[bflag:$0x0] =	sbarrier.arrive $0xFFFF  }
0x3d: {  	p0 =	sne.s32 s1, $0x0;
	_ =	strace $0x90000050  }
0x3e: {  	s0 =	sadd.s32 @!p0 $0x100000, s0;
	[bflag:$0x2] =	sbarrier.arrive $0xFFFF  }
0x3f: {  	[sflag:s0] =	ssyncadd.tile.s32 @!p0 $0x1;
	_ =	shalt  }
.Lfunc_end2:
_tile_overlayer_lowered:
.L_overlay_start_2:
0x40: {  	(tag) =	ssettag $0x2  }
0x41: {  	s0 =	rddreg [dreg:$0x0];
	s2 =	stileid.u32  }
0x42: {  	s1 =	rddreg [dreg:$0x1];
	p0 =	sne.s32 s2, $0x0  }
0x43: {  	s3 =	rddreg [dreg:$0x2];
	[bflag:$0x3] =	sbarrier.arrive $0xFFFF;
	s2 =	simm.s32 @!p0 $0x1C01  }
0x44: {  	[timem:s3], [sflag:s2] =	dma.local @!p0 [hbm:s0], s1  }
0x45: {  	s0 =	simm.s32 @!p0 $0x1  }
0x46: {  	_ =	swait.ge @!p0 [sflag:s0], s1  }
0x47: {  	s1 =	ssub.s32 @!p0 $0x0, s1;
	[sflag:s0] =	ssyncset.done @!p0 $0x0  }
0x48: {  	[sflag:s0] =	ssyncadd.s32 @!p0 s1  }
0x49: {  	[bflag:$0x3] =	sbarrier.arrive $0xFFFF  }
0x4a: {  	_ =	shalt  }

// kernel: kernel.24.cloned.1.call-start
scs
__scs_entry_jumppad:
0x0: {  	(pc) =	sbr.rel $0x88, $3  }
0x1: {  	(tag) =	ssettag $0x0;
	lr =	simm.s32 $0x1  }
0x2: {  	[smem:$0x3F9B] =	sst lr;
	_ =	strace $0xD0000000  }
0x3: {  	_ = 	snop  }
0x4: {  	_ = 	snop  }
0x5: {  	_ = 	snop  }
0x6: {  	_ = 	snop  }
0x7: {  	_ = 	snop  }
__scs_overlays_trampoline_lowered:
0x8: {  	[smem:$0x3FAA] =	sst s0  }
0x9: {  	[smem:$0x3FAB] =	sst s1  }
0xa: {  	[smem:$0x3FAC] =	sst s2  }
0xb: {  	[smem:$0x3FAD] =	sst s3  }
0xc: {  	[smem:$0x3FAE] =	sst s4  }
0xd: {  	[smem:$0x3FAF] =	sst s5  }
0xe: {  	[smem:$0x3FB0] =	sst s6  }
0xf: {  	[smem:$0x3FB1] =	sst s7  }
0x10: {  	[smem:$0x3FB2] =	sst s8  }
0x11: {  	[smem:$0x3FB3] =	sst s9;
	s0 =	simm.s32 @!p0 $0x0  }
0x12: {  	s1 =	sld [smem:$0x3F99];
	s0 =	simm.s32 @p0 $0x1  }
0x13: {  	[smem:$0x3FB4] =	sst s0;
	s0 =	simm.s32 @!p1 $0x0  }
0x14: {  	s2 =	sld [smem:$0x3F98];
	s0 =	simm.s32 @p1 $0x1  }
0x15: {  	[smem:$0x3FB5] =	sst s0;
	s0 =	simm.s32 @!p2 $0x0  }
0x16: {  	s3 =	sld [smem:$0x3FDB];
	s0 =	simm.s32 @p2 $0x1  }
0x17: {  	s4 =	simm.s32 $0x1BF5;
	[smem:$0x3FB7] =	sst s0  }
0x18: {  	s0 =	sld [smem:$0x3F9A];
	_ =	swait.ge [sflag:s4], $0x0  }
0x19: {  	s7 =	sld [smem:$0x3F9B]  }
0x1a: {  	s8 =	sadd.s32 $0xFFFFE003, lr  }
0x1b: {  	s9 =	sadd.s32 $0xFFFFFEF7, lr;
	s5 =	simm.s32 $0xFFFFFFFF;
	p2 =	slt.u32 s8, $0xFFFFF086  }
0x1c: {  	p1 =	slt.u32 s9, $0xF7A;
	s5 =	simm.s32 @!p2 $0x0  }
0x1d: {  	s5 =	simm.s32 @p1 $0x1;
	p0 =	seq.s32 s7, s2  }
0x1e: {  	s7 =	smul.u32 @!p0 $0xF7A, s2;
	p2 =	seq.s32 @!p0 s5, $0x0  }
0x1f: {  	s9 =	smul.u32 $0xF7A, s1;
	s8 =	simm.s32 @!p0 $0x1BF5;
	p2 =	por !p2, p0  }
0x20: {  	[sflag:s8] =	ssyncset.s32 @!p0 $0xFFFFF086;
	s6 =	sadd.s32 @!p0 s3, s7;
	s7 =	simm.s32 @!p0 $0x108  }
0x21: {  	s3 =	sadd.s32 s3, s9;
	s6 =	sadd.s32 @!p0 $0x88, s6;
	s7 =	simm.s32 @p2 $0x1082  }
0x22: {  	[simem:s7], [sflag:s8] =	dma.local @!p0 [hbm:s6], $0xF7A  }
0x23: {  	s9 =	sor.u32 $0xD0000000, s2;
	s6 =	simm.s32 $0x108;
	_ =	swait.ge @!p0 [sflag:s8], $0x0  }
0x24: {  	s3 =	sadd.s32 $0x88, s3;
	s6 =	simm.s32 @!p1 $0x1082;
	[sflag:s4] =	ssyncset.s32 $0xFFFFF086  }
0x25: {  	[simem:s6], [sflag:s4] =	dma.local [hbm:s3], $0xF7A  }
0x26: {  	[smem:$0x3F9B] =	sst s1;
	(tag) =	ssettag s2;
	_ =	strace s9  }
0x27: {  	s1 =	sld [smem:$0x3FAB]  }
0x28: {  	s2 =	sld [smem:$0x3FAC]  }
0x29: {  	s4 =	sld [smem:$0x3FAE]  }
0x2a: {  	p0 =	seq.s32 s5, $0x0;
	s5 =	sld [smem:$0x3FAF]  }
0x2b: {  	s6 =	sld [smem:$0x3FB0]  }
0x2c: {  	s7 =	sld [smem:$0x3FB1]  }
0x2d: {  	s3 =	simm.s32 $0x108;
	s8 =	sld [smem:$0x3FB2]  }
0x2e: {  	s3 =	simm.s32 @!p0 $0x1082;
	s9 =	sld [smem:$0x3FB3]  }
0x2f: {  	lr =	sadd.s32 s0, s3;
	s0 =	sld [smem:$0x3FAA]  }
0x30: {  	s3 =	sld [smem:$0x3FAD]  }
0x31: {  	[smem:$0x3FB6] =	sst s10  }
0x32: {  	s10 =	sld [smem:$0x3FB4];
	_ =	sdelay $0x3  }
0x33: {  	p0 =	seq.s32 s10, $0x1;
	s10 =	sld [smem:$0x3FB6];
	_ =	sdelay $0x3  }
0x34: {  	[smem:$0x3FB6] =	sst s10  }
0x35: {  	s10 =	sld [smem:$0x3FB5];
	_ =	sdelay $0x3  }
0x36: {  	p1 =	seq.s32 s10, $0x1;
	s10 =	sld [smem:$0x3FB6];
	_ =	sdelay $0x3  }
0x37: {  	[smem:$0x3FB6] =	sst s10  }
0x38: {  	s10 =	sld [smem:$0x3FB7]  }
0x39: {  	_ = 	snop;
	(pc) =	sbr.ind lr, $3  }
0x3a: {  	_ = 	snop  }
0x3b: {  	_ = 	snop  }
0x3c: {  	p2 =	seq.s32 s10, $0x1;
	s10 =	sld [smem:$0x3FB6]  }
0x3d: {  	_ =	shalt  }
0x3e: {  	_ =	shalt  }
0x3f: {  	_ =	shalt  }
0x40: {  	_ =	shalt  }
0x41: {  	_ =	shalt  }
0x42: {  	_ =	shalt  }
0x43: {  	_ =	shalt  }
0x44: {  	_ =	shalt  }
0x45: {  	_ =	shalt  }
0x46: {  	_ =	shalt  }
0x47: {  	_ =	shalt  }
0x48: {  	_ =	shalt  }
0x49: {  	_ =	shalt  }
0x4a: {  	_ =	shalt  }
0x4b: {  	_ =	shalt  }
0x4c: {  	_ =	shalt  }
0x4d: {  	_ =	shalt  }
0x4e: {  	_ =	shalt  }
0x4f: {  	_ =	shalt  }
0x50: {  	_ =	shalt  }
0x51: {  	_ =	shalt  }
0x52: {  	_ =	shalt  }
0x53: {  	_ =	shalt  }
0x54: {  	_ =	shalt  }
0x55: {  	_ =	shalt  }
0x56: {  	_ =	shalt  }
0x57: {  	_ =	shalt  }
0x58: {  	_ =	shalt  }
0x59: {  	_ =	shalt  }
0x5a: {  	_ =	shalt  }
0x5b: {  	_ =	shalt  }
0x5c: {  	_ =	shalt  }
0x5d: {  	_ =	shalt  }
0x5e: {  	_ =	shalt  }
0x5f: {  	_ =	shalt  }
0x60: {  	_ =	shalt  }
0x61: {  	_ =	shalt  }
0x62: {  	_ =	shalt  }
0x63: {  	_ =	shalt  }
0x64: {  	_ =	shalt  }
0x65: {  	_ =	shalt  }
0x66: {  	_ =	shalt  }
0x67: {  	_ =	shalt  }
0x68: {  	_ =	shalt  }
0x69: {  	_ =	shalt  }
0x6a: {  	_ =	shalt  }
0x6b: {  	_ =	shalt  }
0x6c: {  	_ =	shalt  }
0x6d: {  	_ =	shalt  }
0x6e: {  	_ =	shalt  }
0x6f: {  	_ =	shalt  }
0x70: {  	_ =	shalt  }
0x71: {  	_ =	shalt  }
0x72: {  	_ =	shalt  }
0x73: {  	_ =	shalt  }
0x74: {  	_ =	shalt  }
0x75: {  	_ =	shalt  }
0x76: {  	_ =	shalt  }
0x77: {  	_ =	shalt  }
0x78: {  	_ =	shalt  }
0x79: {  	_ =	shalt  }
0x7a: {  	_ =	shalt  }
0x7b: {  	_ =	shalt  }
0x7c: {  	_ =	shalt  }
0x7d: {  	_ =	shalt  }
0x7e: {  	_ =	shalt  }
0x7f: {  	_ =	shalt  }
0x80: {  	_ =	shalt  }
0x81: {  	_ =	shalt  }
0x82: {  	_ =	shalt  }
0x83: {  	_ =	shalt  }
0x84: {  	_ =	shalt  }
0x85: {  	_ =	shalt  }
0x86: {  	_ =	shalt  }
0x87: {  	_ =	shalt  }
.Lfunc_end0:
.L_simem_size_0:
called_computation.4_lowered:
.L_overlay_start_0:
0x88: {  	s2 =	sld [smem:$0x3FD9]  }
0x89: {  	s3 =	sld [smem:$0x3FFE];
	_ =	sdelay $0x1  }
0x8a: {  	s1 =	srdreg.scid  }
0x8b: {  	s0 =	sand.u32 $0x1, s1  }
0x8c: {  	s16 =	sshll.u32 s0, $0xA;
	s2 =	sadd.s32 s3, s2  }
0x8d: {  	s2 =	sadd.s32 s2, s16  }
0x8e: {  	[smem:$0x3FC2] =	sst s2  }
0x8f: {  	_ = 	snop  }
0x90: {  	(tm) =	ssettm $0x1  }
0x91: {  	s17 =	sld [smem:$0x3FFB];
	_ =	sdelay $0x3  }
0x92: {  	_ =	strace s17  }
0x93: {  	s2 =	sld [smem:$0x3FFC];
	_ =	sdelay $0x3  }
0x94: {  	_ =	strace s2  }
0x95: {  	s2 =	sld [smem:$0x3FFD];
	_ =	sdelay $0x3  }
0x96: {  	_ =	strace s2  }
0x97: {  	_ =	strace $0x8FFFFFFF  }
0x98: {  	s18 =	sld [smem:$0x3FDB];
	_ =	sdelay $0x1  }
0x99: {  	s19 =	simm.s32 $_scs_section_size  }
0x9a: {  	s4 =	simm.s32 $_size__tile_overlayer_lowered;
	s5 =	simm.s32 $_tile_overlayer_lowered  }
0x9b: {  	s22 =	simm.s32 $0x1BFF;
	s21 =	sshll.u32 s5, $0x1;
	s2 =	sadd.s32 s19, s18  }
0x9c: {  	s6 =	simm.s32 $0x0;
	s20 =	sshll.u32 s4, $0x1;
	s4 =	sadd.s32 s21, s2  }
0x9d: {  	[timem:s6], [sflag:s22] =	dma.local [hbm:s4], s20  }
0x9e: {  	_ =	swait.ge [sflag:s22], s20  }
0x9f: {  	s3 =	ssub.s32 $0x0, s20;
	[sflag:s22] =	ssyncset.done $0x0  }
0xa0: {  	[sflag:s22] =	ssyncadd.s32 s3;
	_ =	sdelay $0x1  }
0xa1: {  	s23 =	simm.s32 $0x1B8B  }
0xa2: {  	_ =	swait.ge [sflag:s23], $0x1  }
0xa3: {  	[sflag:s23] =	ssyncset.done $0x0  }
0xa4: {  	s25 =	simm.s32 $0x1B8E;
	s24 =	sld [smem:$0x3FFE];
	[sflag:s23] =	ssyncadd.s32 $0xFFFFFFFF  }
0xa5: {  	s26 =	simm.s32 $execute0_lowered;
	[smem:$0x3FD2] =	sst s25  }
0xa6: {  	s4 =	sshll.u32 s26, $0x1;
	_ =	strace $0x80000052;
	[dreg:$0x1] =	wrdreg $0xFFFFFFFF  }
0xa7: {  	s28 =	simm.s32 $_size_execute0_lowered;
	s2 =	sadd.s32 s2, s4;
	[dreg:$0x0] =	wrdreg $0x0  }
0xa8: {  	s4 =	sshll.u32 s28, $0x1;
	[dreg:$0x2] =	wrdreg s2  }
0xa9: {  	[dreg:$0x3] =	wrdreg s4  }
0xaa: {  	[dreg:$0x4] =	wrdreg $0xC0  }
0xab: {  	_ =	task [dreg:s6], $0x5FFFF  }
0xac: {  	[dreg:$0x1] =	wrdreg $0xFFFFFFFF  }
0xad: {  	[dreg:$0x0] =	wrdreg $0x60  }
0xae: {  	[dreg:$0x2] =	wrdreg s24  }
0xaf: {  	[dreg:$0x3] =	wrdreg $0x90000  }
0xb0: {  	[dreg:$0x4] =	wrdreg $0x9  }
0xb1: {  	_ =	task.clear_ibuf [dreg:s6], $0x5FFFF;
	_ =	strace $0x90000052  }
0xb2: {  	s29 =	simm.s32 $0x9;
	_ =	strace $0x80000054  }
0xb3: {  	_ =	swait.ge [sflag:s29], $0x1  }
0xb4: {  	[sflag:s29] =	ssyncadd.s32 $0xFFFFFFFF  }
0xb5: {  	_ =	strace $0x90000054  }
0xb6: {  	_ =	sfence  }
0xb7: {  	s30 =	sld [smem:$0x0];
	_ =	sdelay $0x2  }
0xb8: {  	s31 =	sshll.u32 s1, $0xD;
	s1 =	sshrl.u32 s1, $0x2  }
0xb9: {  	s3 =	sand.u32 $0x4000, s31;
	s1 =	sadd.s32 s1, s30  }
0xba: {  	s0 =	sor.u32 s3, s0;
	s1 =	sshll.u32 s1, $0x11  }
0xbb: {  	s0 =	sor.u32 s1, s0  }
0xbc: {  	s0 =	sadd.s32 $0x8F2B, s0  }
0xbd: {  	[sflag:s0] =	ssyncadd.remote.s32 $0x1  }
0xbe: {  	_ =	sfence.sel $0xFFFF  }
0xbf: {  	[dreg:$0x0] =	wrdreg $0xFFFFFFFF;
	(pc) =	sbr.abs _section_cstart, $3  }
0xc0: {  	[dreg:$0x1] =	wrdreg $0xFFFFFFFF  }
0xc1: {  	_ =	task.clear_ibuf [dreg:s6], $0x2FFFF;
	_ =	strace $0x9FFFFFFF  }
0xc2: {  	(tm) =	ssettm $0x7FFFFFFF  }
0xc3: {  	_ =	shalt  }
tec
execute0_lowered:
.L_overlay_start_1:
0x0: {  	(tag) =	ssettag $0x1  }
0x1: {  	s5 =	rddreg [dreg:$0x0]  }
0x2: {  	s2 =	rddreg [dreg:$0x1]  }
0x3: {  	s0 =	rddreg [dreg:$0x2]  }
0x4: {  	s1 =	stileid.u32;
	s4 =	srdreg.scid  }
0x5: {  	s3 =	simm.s32 $0x0;
	s15 =	simm.s32 $0x5000;
	s6 =	smul.u32 $0x500, s1  }
0x6: {  	s16 =	smul.u32 $0x2800, s1;
	s12 =	sand.u32 $0x1, s4;
	[smem:$0x7FF] =	sst s3  }
0x7: {  	s4 =	sadd.s32 $0x18400, s5;
	s8 =	smul.u32 $0x50000, s1;
	s31 =	sshll.u32 s1, $0x6  }
0x8: {  	s7 =	smul.u32 $0x28000, s12;
	_ =	strace $0x80000053;
	s9 =	ssub.s32 $0x2, s12  }
0x9: {  	p0 =	sne.s32 s12, $0x0;
	s10 =	sadd.s32 s6, s5;
	s28 =	sadd.s32 s16, s5  }
0xa: {  	s29 =	sshrl.u32 s9, $0x1;
	s30 =	sshrl.u32 s8, $0x2;
	s6 =	sor.u32 $0x1C01, s31  }
0xb: {  	s11 =	sadd.s32 s7, s5;
	s13 =	ssub.s32 s9, s29;
	s14 =	sadd.s32 s30, s2  }
0xc: {  	s5 =	sadd.s32 $0x40400, s28;
	s7 =	sadd.s32 $0x9400, s10;
	s8 =	sadd.s32 $0x4400, s10  }
0xd: {  	s9 =	sadd.s32 $0x13400, s10;
	s10 =	sadd.s32 $0xE400, s10;
	s17 =	sadd.s32 $0x68400, s11  }
0xe: {  	s11 =	smax.u32 s13, $0x1;
	s12 =	sshrl.u32 s14, $0x3;
	s13 =	simm.s32 $0x1  }
0xf: {  	s14 =	simm.s32 $0x80;
	s16 =	sadd.s32 s16, s17;
	s17 =	simm.s32 $0x0  }
.LBB2_1:
0x10: {  	[spmem:s12], [sflag:s6] =	dma.local [hbm:s5], $0x2800  }
0x11: {  	_ =	swait.ge [sflag:s13], $0x2800  }
0x12: {  	[sflag:s13] =	ssyncset.done $0x0  }
0x13: {  	s18 =	simm.s32 @p0 $0x0;
	s19 =	simm.s32 @p0 $0x1;
	[sflag:s13] =	ssyncadd.s32 $0xFFFFD800  }
0x14: {  	[tilespmem:s18], [sflag:$0x1] =	stream.linear.gather @p0 [hbm4b:s7+s18], $0x2680, $0x38;
	[tilespmem:$0x1D000] =	vst v63  }
0x15: {  	_ =	swait.ge @p0 [sflag:s19], $0x2680  }
0x16: {  	[sflag:s19] =	ssyncset.done @p0 $0x0  }
0x17: {  	s20 =	simm.s32 @p0 $0x2800;
	[sflag:s19] =	ssyncadd.s32 @p0 $0xFFFFD980  }
0x18: {  	[tilespmem:s20], [sflag:$0x1] =	stream.linear.gather @p0 [hbm4b:s8+s18], $0x2680, $0x38;
	[tilespmem:$0x1D000] =	vst v63  }
0x19: {  	_ =	swait.ge @p0 [sflag:s19], $0x2680  }
0x1a: {  	[sflag:s19] =	ssyncset.done @p0 $0x0  }
0x1b: {  	s18 =	simm.s32 @!p0 $0x0;
	[sflag:s19] =	ssyncadd.s32 @p0 $0xFFFFD980;
	s19 =	simm.s32 @!p0 $0x1  }
0x1c: {  	[tilespmem:s18], [sflag:$0x1] =	stream.linear.gather @!p0 [hbm4b:s9+s18], $0x2800, $0x38;
	[tilespmem:$0x1D000] =	vst v63  }
0x1d: {  	_ =	swait.ge @!p0 [sflag:s19], $0x2800  }
0x1e: {  	[sflag:s19] =	ssyncset.done @!p0 $0x0  }
0x1f: {  	s20 =	simm.s32 @!p0 $0x2800;
	[sflag:s19] =	ssyncadd.s32 @!p0 $0xFFFFD800  }
0x20: {  	[tilespmem:s20], [sflag:$0x1] =	stream.linear.gather @!p0 [hbm4b:s10+s18], $0x2800, $0x38;
	[tilespmem:$0x1D000] =	vst v63  }
0x21: {  	_ =	swait.ge @!p0 [sflag:s19], $0x2800  }
0x22: {  	[sflag:s19] =	ssyncset.done @!p0 $0x0  }
0x23: {  	[sflag:s19] =	ssyncadd.s32 @!p0 $0xFFFFD800;
	s19 =	simm.s32 @!p0 $0x50  }
0x24: {  	[bflag:$0x0] =	sbarrier.arrive $0xFFFF;
	s19 =	simm.s32 @p0 $0x4D  }
0x25: {  	[tilespmem:s15], [sflag:$0x1] =	stream.indirect.gather [hbm4b:s4+s14], $0x80, s3, s14, $0xb8;
	[tilespmem:$0x1D000] =	vst v63  }
0x26: {  	p1 =	sne.s32 s19, $0x1;
	_ =	swait.ge [sflag:s13], $0x4000  }
.Ltmp0:
0x27: {  	[sflag:s13] =	ssyncset.done $0x0;
	(pc) =	sbr.rel @!p1 .LBB2_3-.Ltmp0, $4  }
0x28: {  	s18 =	simm.s32 $0x2800;
	[sflag:s13] =	ssyncadd.s32 $0xFFFFC000  }
0x29: {  	[spmem:s2] =	stream.indirect.scatter.add.f32 [tilespmem:s15], [sflag:$0x1], $0x80, s18, s14, $0xb8;
	[tilespmem:$0x1D000] =	vst v63  }
0x2a: {  	_ =	swait.ge [sflag:s13], $0x4000  }
0x2b: {  	s20 =	simm.s32 $0x0;
	s19 =	sadd.s32 $0xFFFFFFFF, s19;
	[sflag:s13] =	ssyncset.done $0x0  }
.LBB2_2:
0x2c: {  	[sflag:s13] =	ssyncadd.s32 $0xFFFFC000;
	s20 =	sadd.s32 $0x80, s20;
	s18 =	sadd.s32 $0x80, s18  }
0x2d: {  	[tilespmem:s15], [sflag:$0x1] =	stream.indirect.gather [hbm4b:s4+s14], $0x80, s20, s14, $0xb8;
	[tilespmem:$0x1D000] =	vst v63  }
0x2e: {  	p1 =	sne.s32 s19, $0x1;
	s19 =	sadd.s32 $0xFFFFFFFF, s19;
	_ =	swait.ge [sflag:s13], $0x4000  }
.Ltmp1:
0x2f: {  	[sflag:s13] =	ssyncset.done $0x0;
	(pc) =	sbr.rel @p1 .LBB2_2-.Ltmp1, $4  }
0x30: {  	[sflag:s13] =	ssyncadd.s32 $0xFFFFC000  }
0x31: {  	[spmem:s2] =	stream.indirect.scatter.add.f32 [tilespmem:s15], [sflag:$0x1], $0x80, s18, s14, $0xb8;
	[tilespmem:$0x1D000] =	vst v63  }
0x32: {  	_ =	swait.ge [sflag:s13], $0x4000  }
0x33: {  	[sflag:s13] =	ssyncset.done $0x0  }
.LBB2_3:
0x34: {  	s17 =	sadd.s32 $0x1, s17  }
0x35: {  	[sflag:s13] =	ssyncadd.s32 $0xFFFFC000;
	p1 =	sne.s32 s17, s11  }
.Ltmp2:
0x36: {  	[bflag:$0x0] =	sbarrier.arrive $0xFFFF;
	(pc) =	sbr.rel @p1 .LBB2_1-.Ltmp2, $4  }
0x37: {  	[hbm:s16], [sflag:s6] =	dma.local [spmem:s12], $0x2800  }
0x38: {  	_ =	swait.ge [sflag:s13], $0x2800  }
0x39: {  	[sflag:s13] =	ssyncset.done $0x0  }
0x3a: {  	[sflag:s13] =	ssyncadd.s32 $0xFFFFD800  }
0x3b: {  	_ =	sfence.sel $0x180000  }
0x3c: {  	[bflag:$0x0] =	sbarrier.arrive $0xFFFF  }
0x3d: {  	p0 =	sne.s32 s1, $0x0;
	_ =	strace $0x90000053  }
0x3e: {  	s0 =	sadd.s32 @!p0 $0x100000, s0;
	[bflag:$0x2] =	sbarrier.arrive $0xFFFF  }
0x3f: {  	[sflag:s0] =	ssyncadd.tile.s32 @!p0 $0x1;
	_ =	shalt  }
.Lfunc_end2:
_tile_overlayer_lowered:
.L_overlay_start_2:
0x40: {  	(tag) =	ssettag $0x2  }
0x41: {  	s0 =	rddreg [dreg:$0x0];
	s2 =	stileid.u32  }
0x42: {  	s1 =	rddreg [dreg:$0x1];
	p0 =	sne.s32 s2, $0x0  }
0x43: {  	s3 =	rddreg [dreg:$0x2];
	[bflag:$0x3] =	sbarrier.arrive $0xFFFF;
	s2 =	simm.s32 @!p0 $0x1C01  }
0x44: {  	[timem:s3], [sflag:s2] =	dma.local @!p0 [hbm:s0], s1  }
0x45: {  	s0 =	simm.s32 @!p0 $0x1  }
0x46: {  	_ =	swait.ge @!p0 [sflag:s0], s1  }
0x47: {  	s1 =	ssub.s32 @!p0 $0x0, s1;
	[sflag:s0] =	ssyncset.done @!p0 $0x0  }
0x48: {  	[sflag:s0] =	ssyncadd.s32 @!p0 s1  }
0x49: {  	[bflag:$0x3] =	sbarrier.arrive $0xFFFF  }
0x4a: {  	_ =	shalt  }

</sc_bundles>
